<compile_context>
chip_gen: v7x
topology: tpu7x:2x2x1
jax: 0.10.2.dev20260603
libtpu: 0.0.44.dev20260713+nightly
codegen_flags: <defaults>
</compile_context>

<pallas_src>
import functools

import jax
import jax.numpy as jnp
from jax import lax
from jax.experimental import pallas as pl
from jax.experimental.pallas import tpu as pltpu
from jax.experimental.pallas import tpu_sc as plsc

N_AG = 20
BINS = 32
T = 16
NBUF = 2
EMBED_DIM = 32


def _sc_body(qs_hbm, aaw_hbm, aam_hbm, am_hbm, m_hbm, mm_hbm, ew_hbm, em_hbm,
             zeros_hbm,
             qsel_hbm, gs_hbm, qparts_hbm, cparts_hbm,
             qs_buf, ew_buf, em_buf,
             aw_all, amut_all, amk_all, mk_all, mmk_all,
             binw_buf, binm_buf,
             eidxw_buf, eidxm_buf, qout_buf, qacc, cacc, spacc,
             gsem_w, gsem_m, ssem_w, ssem_m, qsem):
    B, L = aaw_hbm.shape
    s = lax.axis_index("s")
    c = lax.axis_index("c")
    lb = s // 2
    h = s % 2
    b = c * (B // 2) + lb
    tok_per_tile = L // 2
    tok_base = h * tok_per_tile
    nchunks = tok_per_tile // T

    pltpu.async_copy(qs_hbm.at[:, b // 8, pl.ds(16 * h, 16), b % 8, :],
                     qs_buf, qsem)
    for sl in range(NBUF):
        t0 = tok_base + sl * T
        r0 = (b * L + t0) * 4
        pltpu.async_copy(ew_hbm.at[pl.ds(r0, 4 * T)], ew_buf.at[sl], gsem_w.at[sl])
        pltpu.async_copy(em_hbm.at[pl.ds(r0, 4 * T)], em_buf.at[sl], gsem_m.at[sl])

    pltpu.sync_copy(aaw_hbm.at[b, pl.ds(tok_base, tok_per_tile)], aw_all)
    pltpu.sync_copy(aam_hbm.at[b, pl.ds(tok_base, tok_per_tile)], amut_all)
    pltpu.sync_copy(am_hbm.at[b, pl.ds(tok_base, tok_per_tile)], amk_all)
    pltpu.sync_copy(m_hbm.at[b, pl.ds(tok_base, tok_per_tile)], mk_all)
    pltpu.sync_copy(mm_hbm.at[b, pl.ds(tok_base, tok_per_tile)], mmk_all)

    for j in range(BINS):
        qacc[pl.ds(j * 16, 16)] = jnp.zeros((16,), jnp.float32)
        cacc[pl.ds(j * 16, 16)] = jnp.zeros((16,), jnp.float32)

    pltpu.sync_copy(zeros_hbm, spacc.at[pl.ds(s * BINS * 4, BINS * 4)])

    lanes = lax.iota(jnp.int32, 16)
    lanes8 = lanes & 7
    hi = lanes >> 3
    sbase = s * BINS * 4
    trash = N_AG + lanes8
    pltpu.make_async_copy(
        qs_hbm.at[:, b // 8, pl.ds(16 * h, 16), b % 8, :], qs_buf, qsem).wait()

    def grp(g, _):
        for sl in range(NBUF):
            i = g * NBUF + sl
            t0 = tok_base + i * T
            r0 = (b * L + t0) * 4
            for k in range(T // 16):
                toks = pl.ds(i * T + k * 16, 16)
                aw = aw_all[toks]
                amut = amut_all[toks]
                valid = (amk_all[toks] & mk_all[toks]) != 0
                sel = jnp.where(mmk_all[toks] != 0, amut, aw)
                tloc = i * T + k * 16 + lanes
                q = plsc.load_gather(
                    qs_buf, [sel, tloc >> 7, tloc & 127])
                qv = jnp.where(valid, q, 0.0)
                qout_buf[toks] = qv
                plsc.addupdate_scatter(qacc, [aw * 16 + lanes], qv)
                ones = jnp.where(valid, 1.0, 0.0)
                plsc.addupdate_scatter(cacc, [aw * 16 + lanes], ones)
                plsc.addupdate_scatter(cacc, [amut * 16 + lanes], ones)
                binw_buf[pl.ds(k * 16, 16)] = jnp.where(valid, aw, trash)
                binm_buf[pl.ds(k * 16, 16)] = jnp.where(valid, amut, trash)
            for v in range(4 * T // 16):
                tvec = (v // 2) * 8 + lanes8
                cblk = (2 * v + hi) & 3
                bw = plsc.load_gather(binw_buf, [tvec])
                bm = plsc.load_gather(binm_buf, [tvec])
                eidxw_buf[sl, pl.ds(v * 16, 16)] = sbase + bw * 4 + cblk
                eidxm_buf[sl, pl.ds(v * 16, 16)] = sbase + bm * 4 + cblk
            pltpu.make_async_copy(ew_hbm.at[pl.ds(r0, 4 * T)], ew_buf.at[sl],
                                  gsem_w.at[sl]).wait()
            pltpu.make_async_copy(em_hbm.at[pl.ds(r0, 4 * T)], em_buf.at[sl],
                                  gsem_m.at[sl]).wait()
            pltpu.async_copy(ew_buf.at[sl], spacc.at[eidxw_buf.at[sl]],
                             ssem_w.at[sl], add=True)
            pltpu.async_copy(em_buf.at[sl], spacc.at[eidxm_buf.at[sl]],
                             ssem_m.at[sl], add=True)
            pltpu.make_async_copy(ew_buf.at[sl], spacc.at[eidxw_buf.at[sl]],
                                  ssem_w.at[sl]).wait()
            pltpu.make_async_copy(em_buf.at[sl], spacc.at[eidxm_buf.at[sl]],
                                  ssem_m.at[sl]).wait()
            nr0 = r0 + NBUF * T * 4

            @pl.when(i + NBUF < nchunks)
            def _():
                pltpu.async_copy(ew_hbm.at[pl.ds(nr0, 4 * T)], ew_buf.at[sl],
                                 gsem_w.at[sl])
                pltpu.async_copy(em_hbm.at[pl.ds(nr0, 4 * T)], em_buf.at[sl],
                                 gsem_m.at[sl])
        return 0

    lax.fori_loop(0, nchunks // NBUF, grp, 0)

    pltpu.sync_copy(qout_buf, qsel_hbm.at[b, pl.ds(tok_base, tok_per_tile)])
    pltpu.sync_copy(qacc, qparts_hbm.at[b, h])
    pltpu.sync_copy(cacc, cparts_hbm.at[b, h])
    pltpu.sync_copy(spacc.at[pl.ds(s * BINS * 4, N_AG * 4)],
                    gs_hbm.at[pl.ds((b * 2 + h) * N_AG * 4, N_AG * 4)])


def _tc_body(gs_ref, qp_ref, cp_ref, binmat_ref,
             w1a_ref, wfa_ref, hb1_ref, va_ref,
             b1a_ref, bfa_ref, hb1b_ref, vab_ref,
             w1b_ref, b1b_ref, wfb_ref, bfb_ref, vbw_ref, vbb_ref,
             out_ref):
    binmat = binmat_ref[...]
    aqs = jnp.dot(qp_ref[...].sum(axis=1), binmat,
                  preferred_element_type=jnp.float32)
    cnt = jnp.dot(cp_ref[...].sum(axis=1), binmat,
                  preferred_element_type=jnp.float32)
    gs = gs_ref[...].sum(axis=1)
    denom = jnp.maximum(cnt[:, :N_AG], 1.0)
    gsm = gs / denom[:, :, None]
    Bq = gs.shape[0]
    acc1 = jnp.zeros((Bq, 64), jnp.float32)
    accf = jnp.zeros((Bq, 64), jnp.float32)
    accb = jnp.zeros((Bq, EMBED_DIM), jnp.float32)
    accv = jnp.zeros((Bq, EMBED_DIM), jnp.float32)
    for a in range(N_AG):
        g = gsm[:, a, :]
        acc1 = acc1 + jnp.dot(g, w1a_ref[a], preferred_element_type=jnp.float32)
        accf = accf + jnp.dot(g, wfa_ref[a], preferred_element_type=jnp.float32)
        accb = accb + jnp.dot(g, hb1_ref[a], preferred_element_type=jnp.float32)
        accv = accv + jnp.dot(g, va_ref[a], preferred_element_type=jnp.float32)
    h1 = jnp.maximum(acc1 + b1a_ref[...], 0.0)
    hf = jnp.maximum(accf + bfa_ref[...], 0.0)
    b1v = accb + hb1b_ref[...]
    vah = jnp.maximum(accv + vab_ref[...], 0.0)
    w1 = jnp.abs(jnp.dot(h1, w1b_ref[...], preferred_element_type=jnp.float32)
                 + b1b_ref[...])
    wf = jnp.abs(jnp.dot(hf, wfb_ref[...], preferred_element_type=jnp.float32)
                 + bfb_ref[...])
    bf = jnp.sum(vah * vbw_ref[...], axis=1, keepdims=True) + vbb_ref[...]
    hp = b1v
    for k in range(N_AG):
        hp = hp + aqs[:, k:k + 1] * w1[:, k * EMBED_DIM:(k + 1) * EMBED_DIM]
    hid = jnp.where(hp > 0, hp, jnp.exp(jnp.minimum(hp, 0.0)) - 1.0)
    y = jnp.sum(hid * wf, axis=1, keepdims=True) + bf
    out_ref[...] = jnp.broadcast_to(y, out_ref.shape)


def kernel(qs_wt, aa_wt, aa_mut, agent_mask, mask, mutation_mask, emb_wt, emb_mut,
           w1a, b1a, w1b, b1b, wfa, bfa, wfb, bfb, hb1_w, hb1_b, va_w, va_b, vb_w, vb_b):
    B, L, n_ag = qs_wt.shape
    fea = emb_wt.shape[-1]
    am = agent_mask.astype(jnp.int32)
    m = mask.astype(jnp.int32)
    mm = mutation_mask.astype(jnp.int32)
    zeros = jnp.zeros((BINS * 4, 128), jnp.float32)
    ewv = emb_wt.reshape(B, L // 8, 8, 4, 128).transpose(0, 1, 3, 2, 4)
    ewv = ewv.reshape(B * L * 4, 128)
    emv = emb_mut.reshape(B, L // 8, 8, 4, 128).transpose(0, 1, 3, 2, 4)
    emv = emv.reshape(B * L * 4, 128)
    qsv = qs_wt.transpose(2, 0, 1).reshape(n_ag, B // 8, 8, L // 128, 128)
    qsv = qsv.transpose(0, 1, 3, 2, 4)

    mesh = plsc.VectorSubcoreMesh(core_axis_name="c", subcore_axis_name="s")
    sc = pl.kernel(
        _sc_body,
        mesh=mesh,
        compiler_params=pltpu.CompilerParams(
            needs_layout_passes=False, use_tc_tiling_on_sc=False),
        out_type=(
            jax.ShapeDtypeStruct((B, L), jnp.float32),
            jax.ShapeDtypeStruct((B * 2 * N_AG * 4, 128), jnp.float32),
            jax.ShapeDtypeStruct((B, 2, BINS * 16), jnp.float32),
            jax.ShapeDtypeStruct((B, 2, BINS * 16), jnp.float32),
        ),
        scratch_types=[
            pltpu.VMEM((N_AG, 16, 128), jnp.float32),
            pltpu.VMEM((NBUF, 4 * T, 128), jnp.float32),
            pltpu.VMEM((NBUF, 4 * T, 128), jnp.float32),
            pltpu.VMEM((L // 2,), jnp.int32),
            pltpu.VMEM((L // 2,), jnp.int32),
            pltpu.VMEM((L // 2,), jnp.int32),
            pltpu.VMEM((L // 2,), jnp.int32),
            pltpu.VMEM((L // 2,), jnp.int32),
            pltpu.VMEM((128,), jnp.int32),
            pltpu.VMEM((128,), jnp.int32),
            pltpu.VMEM((NBUF, 4 * T), jnp.int32),
            pltpu.VMEM((NBUF, 4 * T), jnp.int32),
            pltpu.VMEM((L // 2,), jnp.float32),
            pltpu.VMEM((BINS * 16,), jnp.float32),
            pltpu.VMEM((BINS * 16,), jnp.float32),
            pltpu.VMEM_SHARED((16 * BINS * 4, 128), jnp.float32),
            pltpu.SemaphoreType.DMA((NBUF,)),
            pltpu.SemaphoreType.DMA((NBUF,)),
            pltpu.SemaphoreType.DMA((NBUF,)),
            pltpu.SemaphoreType.DMA((NBUF,)),
            pltpu.SemaphoreType.DMA,
        ],
    )
    q_sele, gs_sum, q_parts, c_parts = sc(
        qsv, aa_wt, aa_mut, am, m, mm, ewv, emv, zeros)
    gs_sum = gs_sum.reshape(B, 2, N_AG, fea)
    binmat = jnp.repeat(jnp.eye(BINS, dtype=jnp.float32), 16, axis=0)

    w1a3 = w1a.reshape(N_AG, fea, 64)
    wfa3 = wfa.reshape(N_AG, fea, 64)
    hb13 = hb1_w.reshape(N_AG, fea, EMBED_DIM)
    va3 = va_w.reshape(N_AG, fea, EMBED_DIM)
    y = pl.pallas_call(
        _tc_body,
        out_shape=jax.ShapeDtypeStruct((B, 128), jnp.float32),
    )(gs_sum, q_parts, c_parts, binmat,
      w1a3, wfa3, hb13, va3,
      b1a.reshape(1, 64), bfa.reshape(1, 64),
      hb1_b.reshape(1, EMBED_DIM), va_b.reshape(1, EMBED_DIM),
      w1b, b1b.reshape(1, n_ag * EMBED_DIM), wfb, bfb.reshape(1, EMBED_DIM),
      vb_w.reshape(1, EMBED_DIM), vb_b.reshape(1, 1))

    q_tot = y[:, :1].reshape(B, 1, 1)
    return (q_tot, q_sele)

# --- scband reference (transcript-rebuilt; emitter-appended) ---
"""Pipeline reference for scband-qmixer-41472204210984 (READ-ONLY COPY).

The authoritative reference and input builder live on the scoring server;
editing this copy changes nothing except your own understanding.
"""

import jax, jax.numpy as jnp
import numpy as np

B, L, FEA = 16, 4096, 512
N_AGENTS = 20
EMBED_DIM = 32
HYPERNET_EMBED = 64
STATE_DIM = N_AGENTS * FEA


def _lin(k, fi, fo):
    kw, kb = jax.random.split(k)
    lim = 1.0 / np.sqrt(fi)
    W = jax.random.uniform(kw, (fi, fo), jnp.float32, -lim, lim)
    b = jax.random.uniform(kb, (fo,), jnp.float32, -lim, lim)
    return W, b


def setup_inputs(seed: int = 0):
    key = jax.random.key(seed)
    ks = jax.random.split(key, 16)
    inp = {}
    inp['qs_wt'] = jax.random.normal(ks[0], (B, L, N_AGENTS), jnp.float32)
    inp['aa_wt'] = jax.random.randint(ks[1], (B, L), 0, N_AGENTS)
    inp['aa_mut'] = jax.random.randint(ks[2], (B, L), 0, N_AGENTS)
    inp['agent_mask'] = jax.random.randint(ks[3], (B, L), 0, 2).astype(bool)
    inp['mask'] = jax.random.randint(ks[4], (B, L), 0, 2).astype(bool)
    inp['mutation_mask'] = jax.random.randint(ks[5], (B, L), 0, 2).astype(bool)
    inp['emb_wt'] = jax.random.normal(ks[6], (B, L, FEA), jnp.float32)
    inp['emb_mut'] = jax.random.normal(ks[7], (B, L, FEA), jnp.float32)
    inp['w1a'], inp['b1a'] = _lin(ks[8], STATE_DIM, HYPERNET_EMBED)
    inp['w1b'], inp['b1b'] = _lin(ks[9], HYPERNET_EMBED, EMBED_DIM * N_AGENTS)
    inp['wfa'], inp['bfa'] = _lin(ks[10], STATE_DIM, HYPERNET_EMBED)
    inp['wfb'], inp['bfb'] = _lin(ks[11], HYPERNET_EMBED, EMBED_DIM)
    inp['hb1_w'], inp['hb1_b'] = _lin(ks[12], STATE_DIM, EMBED_DIM)
    inp['va_w'], inp['va_b'] = _lin(ks[13], STATE_DIM, EMBED_DIM)
    inp['vb_w'], inp['vb_b'] = _lin(ks[14], EMBED_DIM, 1)
    return inp


def reference(qs_wt, aa_wt, aa_mut, agent_mask, mask, mutation_mask, emb_wt, emb_mut,
              w1a, b1a, w1b, b1b, wfa, bfa, wfb, bfb, hb1_w, hb1_b, va_w, va_b, vb_w, vb_b):
    b, l, n_ag = qs_wt.shape
    fea = emb_wt.shape[-1]
    valid = agent_mask & mask
    # select_prepare_q: gather q at mutated or wt amino acid index, masked
    q_mut = jnp.take_along_axis(qs_wt, aa_mut[..., None], axis=2)[..., 0]
    q_wtv = jnp.take_along_axis(qs_wt, aa_wt[..., None], axis=2)[..., 0]
    q_sele = jnp.where(valid, jnp.where(mutation_mask, q_mut, q_wtv), 0.0)
    # reshape_q: scatter-add selected q into 20 amino-acid bins per batch element
    off = n_ag * jnp.arange(b)[:, None]
    seg_wt = (aa_wt + off).reshape(-1)
    seg_mut = (aa_mut + off).reshape(-1)
    agent_qs = jax.ops.segment_sum(q_sele.reshape(-1), seg_wt, num_segments=b * n_ag).reshape(b, n_ag)
    # prepare_global_state: masked scatter-add of wt and mut embeddings, mean per bin
    vf = valid.reshape(-1).astype(jnp.float32)
    gs = jax.ops.segment_sum(emb_wt.reshape(-1, fea) * vf[:, None], seg_wt, num_segments=b * n_ag)
    gs = gs + jax.ops.segment_sum(emb_mut.reshape(-1, fea) * vf[:, None], seg_mut, num_segments=b * n_ag)
    nums = jax.ops.segment_sum(vf, seg_wt, num_segments=b * n_ag) + jax.ops.segment_sum(vf, seg_mut, num_segments=b * n_ag)
    gs = jnp.where(nums[:, None] > 0, gs / jnp.maximum(nums[:, None], 1.0), gs)
    global_states = gs.reshape(b, n_ag * fea)
    # QMIX hypernetwork mixing
    def mlp2(x, Wa, ba, Wb, bb):
        return jax.nn.relu(x @ Wa + ba) @ Wb + bb
    w1 = jnp.abs(mlp2(global_states, w1a, b1a, w1b, b1b)).reshape(-1, n_ag, EMBED_DIM)
    b1 = (global_states @ hb1_w + hb1_b).reshape(-1, 1, EMBED_DIM)
    aq = agent_qs.reshape(-1, 1, n_ag)
    hidden = jax.nn.elu(jnp.matmul(aq, w1) + b1)
    w_final = jnp.abs(mlp2(global_states, wfa, bfa, wfb, bfb)).reshape(-1, EMBED_DIM, 1)
    b_final = mlp2(global_states, va_w, va_b, vb_w, vb_b).reshape(-1, 1, 1)
    y = jnp.matmul(hidden, w_final) + b_final
    q_tot = y.reshape(b, -1, 1)
    return (q_tot, q_sele)

if __name__ == "__main__":
    import jax
    _d = setup_inputs()
    print(jax.jit(kernel)(*tuple(_d.values())))

</pallas_src>

<mosaic_0001>
#map = affine_map<(d0, d1) -> (0, 0, 0, 0, 0)>
#map1 = affine_map<(d0, d1) -> (0, 0)>
#map2 = affine_map<(d0, d1) -> (0, 0, 0)>
module attributes {stable_mosaic.version = 14 : i64} {
  func.func @_sc_body(%arg0: i32, %arg1: i32, %arg2: memref<20x2x32x8x128xf32, #tpu.memory_space<hbm>>, %arg3: memref<16x4096xi32, #tpu.memory_space<hbm>>, %arg4: memref<16x4096xi32, #tpu.memory_space<hbm>>, %arg5: memref<16x4096xi32, #tpu.memory_space<hbm>>, %arg6: memref<16x4096xi32, #tpu.memory_space<hbm>>, %arg7: memref<16x4096xi32, #tpu.memory_space<hbm>>, %arg8: memref<262144x128xf32, #tpu.memory_space<hbm>>, %arg9: memref<262144x128xf32, #tpu.memory_space<hbm>>, %arg10: memref<128x128xf32, #tpu.memory_space<hbm>>, %arg11: memref<16x4096xf32, #tpu.memory_space<hbm>>, %arg12: memref<2560x128xf32, #tpu.memory_space<hbm>>, %arg13: memref<16x2x512xf32, #tpu.memory_space<hbm>>, %arg14: memref<16x2x512xf32, #tpu.memory_space<hbm>>, %arg15: memref<20x16x128xf32, #tpu.memory_space<vmem>>, %arg16: memref<2x64x128xf32, #tpu.memory_space<vmem>>, %arg17: memref<2x64x128xf32, #tpu.memory_space<vmem>>, %arg18: memref<2048xi32, #tpu.memory_space<vmem>>, %arg19: memref<2048xi32, #tpu.memory_space<vmem>>, %arg20: memref<2048xi32, #tpu.memory_space<vmem>>, %arg21: memref<2048xi32, #tpu.memory_space<vmem>>, %arg22: memref<2048xi32, #tpu.memory_space<vmem>>, %arg23: memref<128xi32, #tpu.memory_space<vmem>>, %arg24: memref<128xi32, #tpu.memory_space<vmem>>, %arg25: memref<2x64xi32, #tpu.memory_space<vmem>>, %arg26: memref<2x64xi32, #tpu.memory_space<vmem>>, %arg27: memref<2048xf32, #tpu.memory_space<vmem>>, %arg28: memref<512xf32, #tpu.memory_space<vmem>>, %arg29: memref<512xf32, #tpu.memory_space<vmem>>, %arg30: memref<2048x128xf32, #tpu.memory_space<vmem_shared>>, %arg31: memref<2x!tpu.dma_semaphore, #tpu.memory_space<semaphore_mem>>, %arg32: memref<2x!tpu.dma_semaphore, #tpu.memory_space<semaphore_mem>>, %arg33: memref<2x!tpu.dma_semaphore, #tpu.memory_space<semaphore_mem>>, %arg34: memref<2x!tpu.dma_semaphore, #tpu.memory_space<semaphore_mem>>, %arg35: memref<!tpu.dma_semaphore, #tpu.memory_space<semaphore_mem>>) attributes {dimension_semantics = [#tpu.dimension_semantics<core_parallel>, #tpu.dimension_semantics<subcore_parallel>], iteration_bounds = array<i64: 2, 16>, scalar_prefetch = 0 : i64, scratch_operands = 21 : i64, tpu.core_type = #tpu.core_type<sc_vector_subcore>, window_params = [{transform_indices = #map}, {transform_indices = #map1}, {transform_indices = #map1}, {transform_indices = #map1}, {transform_indices = #map1}, {transform_indices = #map1}, {transform_indices = #map1}, {transform_indices = #map1}, {transform_indices = #map1}, {transform_indices = #map1}, {transform_indices = #map1}, {transform_indices = #map2}, {transform_indices = #map2}]} {
    %jit3A = arith.constant 2 : i32
    %div3A = arith.divsi %arg1, %jit3A : i32
    %sign3A = arith.constant 0 : i32
    %sign3A_0 = arith.cmpi sgt, %arg1, %sign3A : i32
    %sign3A_1 = arith.extui %sign3A_0 : i1 to i32
    %sign3A_2 = arith.constant 0 : i32
    %sign3A_3 = arith.cmpi slt, %arg1, %sign3A_2 : i32
    %sign3A_4 = arith.extui %sign3A_3 : i1 to i32
    %sign3A_5 = arith.subi %sign3A_1, %sign3A_4 : i32
    %sign3A_6 = arith.constant 0 : i32
    %sign3A_7 = arith.cmpi sgt, %jit3A, %sign3A_6 : i32
    %sign3A_8 = arith.extui %sign3A_7 : i1 to i32
    %sign3A_9 = arith.constant 0 : i32
    %sign3A_10 = arith.cmpi slt, %jit3A, %sign3A_9 : i32
    %sign3A_11 = arith.extui %sign3A_10 : i1 to i32
    %sign3A_12 = arith.subi %sign3A_8, %sign3A_11 : i32
    %ne3A = arith.cmpi ne, %sign3A_5, %sign3A_12 : i32
    %rem3A = arith.remsi %arg1, %jit3A : i32
    %ne3A_13 = arith.constant 0 : i32
    %ne3A_14 = arith.cmpi ne, %rem3A, %ne3A_13 : i32
    %and3A = arith.andi %ne3A, %ne3A_14 : i1
    %sub3A = arith.constant 1 : i32
    %sub3A_15 = arith.subi %div3A, %sub3A : i32
    %select_n3A = arith.select %and3A, %sub3A_15, %div3A : i32
    %jit3A_16 = arith.constant 2 : i32
    %eq3A = arith.constant 0 : i32
    %eq3A_17 = arith.cmpi eq, %jit3A_16, %eq3A : i32
    %jit3A_18 = arith.constant 1 : i32
    %select_n3A_19 = arith.select %eq3A_17, %jit3A_18, %jit3A_16 : i32
    %rem3A_20 = arith.remsi %arg1, %select_n3A_19 : i32
    %ne3A_21 = arith.constant 0 : i32
    %ne3A_22 = arith.cmpi ne, %rem3A_20, %ne3A_21 : i32
    %lt3A = arith.constant 0 : i32
    %lt3A_23 = arith.cmpi slt, %rem3A_20, %lt3A : i32
    %lt3A_24 = arith.constant 0 : i32
    %lt3A_25 = arith.cmpi slt, %select_n3A_19, %lt3A_24 : i32
    %ne3A_26 = arith.xori %lt3A_23, %lt3A_25 : i1
    %and3A_27 = arith.andi %ne3A_26, %ne3A_22 : i1
    %add3A = arith.addi %rem3A_20, %select_n3A_19 : i32
    %select_n3A_28 = arith.select %and3A_27, %add3A, %rem3A_20 : i32
    %mul3A = arith.constant 8 : i32
    %mul3A_29 = arith.muli %arg0, %mul3A : i32
    %add3A_30 = arith.addi %mul3A_29, %select_n3A : i32
    %mul3A_31 = arith.constant 2048 : i32
    %mul3A_32 = arith.muli %select_n3A_28, %mul3A_31 : i32
    %jit3A_33 = arith.constant 8 : i32
    %div3A_34 = arith.divsi %add3A_30, %jit3A_33 : i32
    %sign3A_35 = arith.constant 0 : i32
    %sign3A_36 = arith.cmpi sgt, %add3A_30, %sign3A_35 : i32
    %sign3A_37 = arith.extui %sign3A_36 : i1 to i32
    %sign3A_38 = arith.constant 0 : i32
    %sign3A_39 = arith.cmpi slt, %add3A_30, %sign3A_38 : i32
    %sign3A_40 = arith.extui %sign3A_39 : i1 to i32
    %sign3A_41 = arith.subi %sign3A_37, %sign3A_40 : i32
    %sign3A_42 = arith.constant 0 : i32
    %sign3A_43 = arith.cmpi sgt, %jit3A_33, %sign3A_42 : i32
    %sign3A_44 = arith.extui %sign3A_43 : i1 to i32
    %sign3A_45 = arith.constant 0 : i32
    %sign3A_46 = arith.cmpi slt, %jit3A_33, %sign3A_45 : i32
    %sign3A_47 = arith.extui %sign3A_46 : i1 to i32
    %sign3A_48 = arith.subi %sign3A_44, %sign3A_47 : i32
    %ne3A_49 = arith.cmpi ne, %sign3A_41, %sign3A_48 : i32
    %rem3A_50 = arith.remsi %add3A_30, %jit3A_33 : i32
    %ne3A_51 = arith.constant 0 : i32
    %ne3A_52 = arith.cmpi ne, %rem3A_50, %ne3A_51 : i32
    %and3A_53 = arith.andi %ne3A_49, %ne3A_52 : i1
    %sub3A_54 = arith.constant 1 : i32
    %sub3A_55 = arith.subi %div3A_34, %sub3A_54 : i32
    %select_n3A_56 = arith.select %and3A_53, %sub3A_55, %div3A_34 : i32
    %mul3A_57 = arith.constant 16 : i32
    %mul3A_58 = arith.muli %mul3A_57, %select_n3A_28 : i32
    %jit3A_59 = arith.constant 8 : i32
    %eq3A_60 = arith.constant 0 : i32
    %eq3A_61 = arith.cmpi eq, %jit3A_59, %eq3A_60 : i32
    %jit3A_62 = arith.constant 1 : i32
    %select_n3A_63 = arith.select %eq3A_61, %jit3A_62, %jit3A_59 : i32
    %rem3A_64 = arith.remsi %add3A_30, %select_n3A_63 : i32
    %ne3A_65 = arith.constant 0 : i32
    %ne3A_66 = arith.cmpi ne, %rem3A_64, %ne3A_65 : i32
    %lt3A_67 = arith.constant 0 : i32
    %lt3A_68 = arith.cmpi slt, %rem3A_64, %lt3A_67 : i32
    %lt3A_69 = arith.constant 0 : i32
    %lt3A_70 = arith.cmpi slt, %select_n3A_63, %lt3A_69 : i32
    %ne3A_71 = arith.xori %lt3A_68, %lt3A_70 : i1
    %and3A_72 = arith.andi %ne3A_71, %ne3A_66 : i1
    %add3A_73 = arith.addi %rem3A_64, %select_n3A_63 : i32
    %select_n3A_74 = arith.select %and3A_72, %add3A_73, %rem3A_64 : i32
    %dma_start3A = arith.constant 0 : i32
    %dma_start3A_75 = arith.constant 0 : i32
    %dma_start3A_76 = tpu.memref_slice %arg2[%dma_start3A, %select_n3A_56, %mul3A_58, %select_n3A_74, %dma_start3A_75] : memref<20x2x32x8x128xf32, #tpu.memory_space<hbm>> -> memref<20x1x16x1x128xf32, #tpu.memory_space<hbm>>
    %dma_start3A_77 = tpu.memref_squeeze %dma_start3A_76 : memref<20x1x16x1x128xf32, #tpu.memory_space<hbm>> -> memref<20x16x128xf32, #tpu.memory_space<hbm>>
    %dma_start3A_78 = arith.constant 0 : i32
    %dma_start3A_79 = arith.constant 0 : i32
    %dma_start3A_80 = tpu.memref_slice %arg2[%dma_start3A_78, %select_n3A_56, %mul3A_58, %select_n3A_74, %dma_start3A_79] : memref<20x2x32x8x128xf32, #tpu.memory_space<hbm>> -> memref<20x1x16x1x128xf32, #tpu.memory_space<hbm>>
    %dma_start3A_81 = tpu.memref_squeeze %dma_start3A_80 : memref<20x1x16x1x128xf32, #tpu.memory_space<hbm>> -> memref<20x16x128xf32, #tpu.memory_space<hbm>>
    tpu.enqueue_dma source(%dma_start3A_81 : memref<20x16x128xf32, #tpu.memory_space<hbm>>) target(%arg15 : memref<20x16x128xf32, #tpu.memory_space<vmem>>) target_semaphore(%arg35 : memref<!tpu.dma_semaphore, #tpu.memory_space<semaphore_mem>>)
    %add3A_82 = arith.constant 0 : i32
    %add3A_83 = arith.addi %mul3A_32, %add3A_82 : i32
    %mul3A_84 = arith.constant 4096 : i32
    %mul3A_85 = arith.muli %add3A_30, %mul3A_84 : i32
    %add3A_86 = arith.addi %mul3A_85, %add3A_83 : i32
    %mul3A_87 = arith.constant 4 : i32
    %mul3A_88 = arith.muli %add3A_86, %mul3A_87 : i32
    %dma_start3A_89 = arith.constant 0 : i32
    %dma_start3A_90 = arith.constant 0 : i32
    %dma_start3A_91 = arith.constant 0 : i32
    %dma_start3A_92 = arith.constant 0 : i32
    %dma_start3A_93 = tpu.memref_slice %arg16[%dma_start3A_89, %dma_start3A_91, %dma_start3A_92] : memref<2x64x128xf32, #tpu.memory_space<vmem>> -> memref<1x64x128xf32, #tpu.memory_space<vmem>>
    %dma_start3A_94 = tpu.memref_squeeze %dma_start3A_93 : memref<1x64x128xf32, #tpu.memory_space<vmem>> -> memref<64x128xf32, #tpu.memory_space<vmem>>
    %dma_start3A_95 = arith.constant 0 : i32
    %dma_start3A_96 = tpu.memref_slice %arg8[%mul3A_88, %dma_start3A_95] : memref<262144x128xf32, #tpu.memory_space<hbm>> -> memref<64x128xf32, #tpu.memory_space<hbm>>
    %dma_start3A_97 = tpu.memref_slice %arg31[%dma_start3A_90] : memref<2x!tpu.dma_semaphore, #tpu.memory_space<semaphore_mem>> -> memref<1x!tpu.dma_semaphore, #tpu.memory_space<semaphore_mem>>
    %dma_start3A_98 = tpu.memref_squeeze %dma_start3A_97 : memref<1x!tpu.dma_semaphore, #tpu.memory_space<semaphore_mem>> -> memref<!tpu.dma_semaphore, #tpu.memory_space<semaphore_mem>>
    %dma_start3A_99 = arith.constant 0 : i32
    %dma_start3A_100 = arith.constant 0 : i32
    %dma_start3A_101 = tpu.memref_slice %arg16[%dma_start3A_89, %dma_start3A_99, %dma_start3A_100] : memref<2x64x128xf32, #tpu.memory_space<vmem>> -> memref<1x64x128xf32, #tpu.memory_space<vmem>>
    %dma_start3A_102 = tpu.memref_squeeze %dma_start3A_101 : memref<1x64x128xf32, #tpu.memory_space<vmem>> -> memref<64x128xf32, #tpu.memory_space<vmem>>
    %dma_start3A_103 = arith.constant 0 : i32
    %dma_start3A_104 = tpu.memref_slice %arg8[%mul3A_88, %dma_start3A_103] : memref<262144x128xf32, #tpu.memory_space<hbm>> -> memref<64x128xf32, #tpu.memory_space<hbm>>
    tpu.enqueue_dma source(%dma_start3A_104 : memref<64x128xf32, #tpu.memory_space<hbm>>) target(%dma_start3A_102 : memref<64x128xf32, #tpu.memory_space<vmem>>) target_semaphore(%dma_start3A_98 : memref<!tpu.dma_semaphore, #tpu.memory_space<semaphore_mem>>)
    %dma_start3A_105 = arith.constant 0 : i32
    %dma_start3A_106 = arith.constant 0 : i32
    %dma_start3A_107 = arith.constant 0 : i32
    %dma_start3A_108 = arith.constant 0 : i32
    %dma_start3A_109 = tpu.memref_slice %arg17[%dma_start3A_105, %dma_start3A_107, %dma_start3A_108] : memref<2x64x128xf32, #tpu.memory_space<vmem>> -> memref<1x64x128xf32, #tpu.memory_space<vmem>>
    %dma_start3A_110 = tpu.memref_squeeze %dma_start3A_109 : memref<1x64x128xf32, #tpu.memory_space<vmem>> -> memref<64x128xf32, #tpu.memory_space<vmem>>
    %dma_start3A_111 = arith.constant 0 : i32
    %dma_start3A_112 = tpu.memref_slice %arg9[%mul3A_88, %dma_start3A_111] : memref<262144x128xf32, #tpu.memory_space<hbm>> -> memref<64x128xf32, #tpu.memory_space<hbm>>
    %dma_start3A_113 = tpu.memref_slice %arg32[%dma_start3A_106] : memref<2x!tpu.dma_semaphore, #tpu.memory_space<semaphore_mem>> -> memref<1x!tpu.dma_semaphore, #tpu.memory_space<semaphore_mem>>
    %dma_start3A_114 = tpu.memref_squeeze %dma_start3A_113 : memref<1x!tpu.dma_semaphore, #tpu.memory_space<semaphore_mem>> -> memref<!tpu.dma_semaphore, #tpu.memory_space<semaphore_mem>>
    %dma_start3A_115 = arith.constant 0 : i32
    %dma_start3A_116 = arith.constant 0 : i32
    %dma_start3A_117 = tpu.memref_slice %arg17[%dma_start3A_105, %dma_start3A_115, %dma_start3A_116] : memref<2x64x128xf32, #tpu.memory_space<vmem>> -> memref<1x64x128xf32, #tpu.memory_space<vmem>>
    %dma_start3A_118 = tpu.memref_squeeze %dma_start3A_117 : memref<1x64x128xf32, #tpu.memory_space<vmem>> -> memref<64x128xf32, #tpu.memory_space<vmem>>
    %dma_start3A_119 = arith.constant 0 : i32
    %dma_start3A_120 = tpu.memref_slice %arg9[%mul3A_88, %dma_start3A_119] : memref<262144x128xf32, #tpu.memory_space<hbm>> -> memref<64x128xf32, #tpu.memory_space<hbm>>
    tpu.enqueue_dma source(%dma_start3A_120 : memref<64x128xf32, #tpu.memory_space<hbm>>) target(%dma_start3A_118 : memref<64x128xf32, #tpu.memory_space<vmem>>) target_semaphore(%dma_start3A_114 : memref<!tpu.dma_semaphore, #tpu.memory_space<semaphore_mem>>)
    %add3A_121 = arith.constant 16 : i32
    %add3A_122 = arith.addi %mul3A_32, %add3A_121 : i32
    %mul3A_123 = arith.constant 4096 : i32
    %mul3A_124 = arith.muli %add3A_30, %mul3A_123 : i32
    %add3A_125 = arith.addi %mul3A_124, %add3A_122 : i32
    %mul3A_126 = arith.constant 4 : i32
    %mul3A_127 = arith.muli %add3A_125, %mul3A_126 : i32
    %dma_start3A_128 = arith.constant 1 : i32
    %dma_start3A_129 = arith.constant 1 : i32
    %dma_start3A_130 = arith.constant 0 : i32
    %dma_start3A_131 = arith.constant 0 : i32
    %dma_start3A_132 = tpu.memref_slice %arg16[%dma_start3A_128, %dma_start3A_130, %dma_start3A_131] : memref<2x64x128xf32, #tpu.memory_space<vmem>> -> memref<1x64x128xf32, #tpu.memory_space<vmem>>
    %dma_start3A_133 = tpu.memref_squeeze %dma_start3A_132 : memref<1x64x128xf32, #tpu.memory_space<vmem>> -> memref<64x128xf32, #tpu.memory_space<vmem>>
    %dma_start3A_134 = arith.constant 0 : i32
    %dma_start3A_135 = tpu.memref_slice %arg8[%mul3A_127, %dma_start3A_134] : memref<262144x128xf32, #tpu.memory_space<hbm>> -> memref<64x128xf32, #tpu.memory_space<hbm>>
    %dma_start3A_136 = tpu.memref_slice %arg31[%dma_start3A_129] : memref<2x!tpu.dma_semaphore, #tpu.memory_space<semaphore_mem>> -> memref<1x!tpu.dma_semaphore, #tpu.memory_space<semaphore_mem>>
    %dma_start3A_137 = tpu.memref_squeeze %dma_start3A_136 : memref<1x!tpu.dma_semaphore, #tpu.memory_space<semaphore_mem>> -> memref<!tpu.dma_semaphore, #tpu.memory_space<semaphore_mem>>
    %dma_start3A_138 = arith.constant 0 : i32
    %dma_start3A_139 = arith.constant 0 : i32
    %dma_start3A_140 = tpu.memref_slice %arg16[%dma_start3A_128, %dma_start3A_138, %dma_start3A_139] : memref<2x64x128xf32, #tpu.memory_space<vmem>> -> memref<1x64x128xf32, #tpu.memory_space<vmem>>
    %dma_start3A_141 = tpu.memref_squeeze %dma_start3A_140 : memref<1x64x128xf32, #tpu.memory_space<vmem>> -> memref<64x128xf32, #tpu.memory_space<vmem>>
    %dma_start3A_142 = arith.constant 0 : i32
    %dma_start3A_143 = tpu.memref_slice %arg8[%mul3A_127, %dma_start3A_142] : memref<262144x128xf32, #tpu.memory_space<hbm>> -> memref<64x128xf32, #tpu.memory_space<hbm>>
    tpu.enqueue_dma source(%dma_start3A_143 : memref<64x128xf32, #tpu.memory_space<hbm>>) target(%dma_start3A_141 : memref<64x128xf32, #tpu.memory_space<vmem>>) target_semaphore(%dma_start3A_137 : memref<!tpu.dma_semaphore, #tpu.memory_space<semaphore_mem>>)
    %dma_start3A_144 = arith.constant 1 : i32
    %dma_start3A_145 = arith.constant 1 : i32
    %dma_start3A_146 = arith.constant 0 : i32
    %dma_start3A_147 = arith.constant 0 : i32
    %dma_start3A_148 = tpu.memref_slice %arg17[%dma_start3A_144, %dma_start3A_146, %dma_start3A_147] : memref<2x64x128xf32, #tpu.memory_space<vmem>> -> memref<1x64x128xf32, #tpu.memory_space<vmem>>
    %dma_start3A_149 = tpu.memref_squeeze %dma_start3A_148 : memref<1x64x128xf32, #tpu.memory_space<vmem>> -> memref<64x128xf32, #tpu.memory_space<vmem>>
    %dma_start3A_150 = arith.constant 0 : i32
    %dma_start3A_151 = tpu.memref_slice %arg9[%mul3A_127, %dma_start3A_150] : memref<262144x128xf32, #tpu.memory_space<hbm>> -> memref<64x128xf32, #tpu.memory_space<hbm>>
    %dma_start3A_152 = tpu.memref_slice %arg32[%dma_start3A_145] : memref<2x!tpu.dma_semaphore, #tpu.memory_space<semaphore_mem>> -> memref<1x!tpu.dma_semaphore, #tpu.memory_space<semaphore_mem>>
    %dma_start3A_153 = tpu.memref_squeeze %dma_start3A_152 : memref<1x!tpu.dma_semaphore, #tpu.memory_space<semaphore_mem>> -> memref<!tpu.dma_semaphore, #tpu.memory_space<semaphore_mem>>
    %dma_start3A_154 = arith.constant 0 : i32
    %dma_start3A_155 = arith.constant 0 : i32
    %dma_start3A_156 = tpu.memref_slice %arg17[%dma_start3A_144, %dma_start3A_154, %dma_start3A_155] : memref<2x64x128xf32, #tpu.memory_space<vmem>> -> memref<1x64x128xf32, #tpu.memory_space<vmem>>
    %dma_start3A_157 = tpu.memref_squeeze %dma_start3A_156 : memref<1x64x128xf32, #tpu.memory_space<vmem>> -> memref<64x128xf32, #tpu.memory_space<vmem>>
    %dma_start3A_158 = arith.constant 0 : i32
    %dma_start3A_159 = tpu.memref_slice %arg9[%mul3A_127, %dma_start3A_158] : memref<262144x128xf32, #tpu.memory_space<hbm>> -> memref<64x128xf32, #tpu.memory_space<hbm>>
    tpu.enqueue_dma source(%dma_start3A_159 : memref<64x128xf32, #tpu.memory_space<hbm>>) target(%dma_start3A_157 : memref<64x128xf32, #tpu.memory_space<vmem>>) target_semaphore(%dma_start3A_153 : memref<!tpu.dma_semaphore, #tpu.memory_space<semaphore_mem>>)
    "tpu.region"() ({
      %run_scoped3A = tpu.sem_alloc : memref<!tpu.dma_semaphore, #tpu.memory_space<semaphore_mem>>
      %dma_start3A_496 = tpu.memref_slice %arg3[%add3A_30, %mul3A_32] : memref<16x4096xi32, #tpu.memory_space<hbm>> -> memref<1x2048xi32, #tpu.memory_space<hbm>>
      %dma_start3A_497 = tpu.memref_squeeze %dma_start3A_496 : memref<1x2048xi32, #tpu.memory_space<hbm>> -> memref<2048xi32, #tpu.memory_space<hbm>>
      %dma_start3A_498 = tpu.memref_slice %arg3[%add3A_30, %mul3A_32] : memref<16x4096xi32, #tpu.memory_space<hbm>> -> memref<1x2048xi32, #tpu.memory_space<hbm>>
      %dma_start3A_499 = tpu.memref_squeeze %dma_start3A_498 : memref<1x2048xi32, #tpu.memory_space<hbm>> -> memref<2048xi32, #tpu.memory_space<hbm>>
      tpu.enqueue_dma source(%dma_start3A_499 : memref<2048xi32, #tpu.memory_space<hbm>>) target(%arg18 : memref<2048xi32, #tpu.memory_space<vmem>>) target_semaphore(%run_scoped3A : memref<!tpu.dma_semaphore, #tpu.memory_space<semaphore_mem>>)
      %dma_wait3A_500 = tpu.memref_slice %arg3[%add3A_30, %mul3A_32] : memref<16x4096xi32, #tpu.memory_space<hbm>> -> memref<1x2048xi32, #tpu.memory_space<hbm>>
      %dma_wait3A_501 = tpu.memref_squeeze %dma_wait3A_500 : memref<1x2048xi32, #tpu.memory_space<hbm>> -> memref<2048xi32, #tpu.memory_space<hbm>>
      %dma_wait3A_502 = tpu.memref_slice %arg3[%add3A_30, %mul3A_32] : memref<16x4096xi32, #tpu.memory_space<hbm>> -> memref<1x2048xi32, #tpu.memory_space<hbm>>
      %dma_wait3A_503 = tpu.memref_squeeze %dma_wait3A_502 : memref<1x2048xi32, #tpu.memory_space<hbm>> -> memref<2048xi32, #tpu.memory_space<hbm>>
      tpu.wait_dma2 semaphore(%run_scoped3A : memref<!tpu.dma_semaphore, #tpu.memory_space<semaphore_mem>>) src(%dma_wait3A_503 : memref<2048xi32, #tpu.memory_space<hbm>>) dst(%arg18 : memref<2048xi32, #tpu.memory_space<vmem>>)
      tpu.yield
    }) : () -> ()
    "tpu.region"() ({
      %run_scoped3A = tpu.sem_alloc : memref<!tpu.dma_semaphore, #tpu.memory_space<semaphore_mem>>
      %dma_start3A_496 = tpu.memref_slice %arg4[%add3A_30, %mul3A_32] : memref<16x4096xi32, #tpu.memory_space<hbm>> -> memref<1x2048xi32, #tpu.memory_space<hbm>>
      %dma_start3A_497 = tpu.memref_squeeze %dma_start3A_496 : memref<1x2048xi32, #tpu.memory_space<hbm>> -> memref<2048xi32, #tpu.memory_space<hbm>>
      %dma_start3A_498 = tpu.memref_slice %arg4[%add3A_30, %mul3A_32] : memref<16x4096xi32, #tpu.memory_space<hbm>> -> memref<1x2048xi32, #tpu.memory_space<hbm>>
      %dma_start3A_499 = tpu.memref_squeeze %dma_start3A_498 : memref<1x2048xi32, #tpu.memory_space<hbm>> -> memref<2048xi32, #tpu.memory_space<hbm>>
      tpu.enqueue_dma source(%dma_start3A_499 : memref<2048xi32, #tpu.memory_space<hbm>>) target(%arg19 : memref<2048xi32, #tpu.memory_space<vmem>>) target_semaphore(%run_scoped3A : memref<!tpu.dma_semaphore, #tpu.memory_space<semaphore_mem>>)
      %dma_wait3A_500 = tpu.memref_slice %arg4[%add3A_30, %mul3A_32] : memref<16x4096xi32, #tpu.memory_space<hbm>> -> memref<1x2048xi32, #tpu.memory_space<hbm>>
      %dma_wait3A_501 = tpu.memref_squeeze %dma_wait3A_500 : memref<1x2048xi32, #tpu.memory_space<hbm>> -> memref<2048xi32, #tpu.memory_space<hbm>>
      %dma_wait3A_502 = tpu.memref_slice %arg4[%add3A_30, %mul3A_32] : memref<16x4096xi32, #tpu.memory_space<hbm>> -> memref<1x2048xi32, #tpu.memory_space<hbm>>
      %dma_wait3A_503 = tpu.memref_squeeze %dma_wait3A_502 : memref<1x2048xi32, #tpu.memory_space<hbm>> -> memref<2048xi32, #tpu.memory_space<hbm>>
      tpu.wait_dma2 semaphore(%run_scoped3A : memref<!tpu.dma_semaphore, #tpu.memory_space<semaphore_mem>>) src(%dma_wait3A_503 : memref<2048xi32, #tpu.memory_space<hbm>>) dst(%arg19 : memref<2048xi32, #tpu.memory_space<vmem>>)
      tpu.yield
    }) : () -> ()
    "tpu.region"() ({
      %run_scoped3A = tpu.sem_alloc : memref<!tpu.dma_semaphore, #tpu.memory_space<semaphore_mem>>
      %dma_start3A_496 = tpu.memref_slice %arg5[%add3A_30, %mul3A_32] : memref<16x4096xi32, #tpu.memory_space<hbm>> -> memref<1x2048xi32, #tpu.memory_space<hbm>>
      %dma_start3A_497 = tpu.memref_squeeze %dma_start3A_496 : memref<1x2048xi32, #tpu.memory_space<hbm>> -> memref<2048xi32, #tpu.memory_space<hbm>>
      %dma_start3A_498 = tpu.memref_slice %arg5[%add3A_30, %mul3A_32] : memref<16x4096xi32, #tpu.memory_space<hbm>> -> memref<1x2048xi32, #tpu.memory_space<hbm>>
      %dma_start3A_499 = tpu.memref_squeeze %dma_start3A_498 : memref<1x2048xi32, #tpu.memory_space<hbm>> -> memref<2048xi32, #tpu.memory_space<hbm>>
      tpu.enqueue_dma source(%dma_start3A_499 : memref<2048xi32, #tpu.memory_space<hbm>>) target(%arg20 : memref<2048xi32, #tpu.memory_space<vmem>>) target_semaphore(%run_scoped3A : memref<!tpu.dma_semaphore, #tpu.memory_space<semaphore_mem>>)
      %dma_wait3A_500 = tpu.memref_slice %arg5[%add3A_30, %mul3A_32] : memref<16x4096xi32, #tpu.memory_space<hbm>> -> memref<1x2048xi32, #tpu.memory_space<hbm>>
      %dma_wait3A_501 = tpu.memref_squeeze %dma_wait3A_500 : memref<1x2048xi32, #tpu.memory_space<hbm>> -> memref<2048xi32, #tpu.memory_space<hbm>>
      %dma_wait3A_502 = tpu.memref_slice %arg5[%add3A_30, %mul3A_32] : memref<16x4096xi32, #tpu.memory_space<hbm>> -> memref<1x2048xi32, #tpu.memory_space<hbm>>
      %dma_wait3A_503 = tpu.memref_squeeze %dma_wait3A_502 : memref<1x2048xi32, #tpu.memory_space<hbm>> -> memref<2048xi32, #tpu.memory_space<hbm>>
      tpu.wait_dma2 semaphore(%run_scoped3A : memref<!tpu.dma_semaphore, #tpu.memory_space<semaphore_mem>>) src(%dma_wait3A_503 : memref<2048xi32, #tpu.memory_space<hbm>>) dst(%arg20 : memref<2048xi32, #tpu.memory_space<vmem>>)
      tpu.yield
    }) : () -> ()
    "tpu.region"() ({
      %run_scoped3A = tpu.sem_alloc : memref<!tpu.dma_semaphore, #tpu.memory_space<semaphore_mem>>
      %dma_start3A_496 = tpu.memref_slice %arg6[%add3A_30, %mul3A_32] : memref<16x4096xi32, #tpu.memory_space<hbm>> -> memref<1x2048xi32, #tpu.memory_space<hbm>>
      %dma_start3A_497 = tpu.memref_squeeze %dma_start3A_496 : memref<1x2048xi32, #tpu.memory_space<hbm>> -> memref<2048xi32, #tpu.memory_space<hbm>>
      %dma_start3A_498 = tpu.memref_slice %arg6[%add3A_30, %mul3A_32] : memref<16x4096xi32, #tpu.memory_space<hbm>> -> memref<1x2048xi32, #tpu.memory_space<hbm>>
      %dma_start3A_499 = tpu.memref_squeeze %dma_start3A_498 : memref<1x2048xi32, #tpu.memory_space<hbm>> -> memref<2048xi32, #tpu.memory_space<hbm>>
      tpu.enqueue_dma source(%dma_start3A_499 : memref<2048xi32, #tpu.memory_space<hbm>>) target(%arg21 : memref<2048xi32, #tpu.memory_space<vmem>>) target_semaphore(%run_scoped3A : memref<!tpu.dma_semaphore, #tpu.memory_space<semaphore_mem>>)
      %dma_wait3A_500 = tpu.memref_slice %arg6[%add3A_30, %mul3A_32] : memref<16x4096xi32, #tpu.memory_space<hbm>> -> memref<1x2048xi32, #tpu.memory_space<hbm>>
      %dma_wait3A_501 = tpu.memref_squeeze %dma_wait3A_500 : memref<1x2048xi32, #tpu.memory_space<hbm>> -> memref<2048xi32, #tpu.memory_space<hbm>>
      %dma_wait3A_502 = tpu.memref_slice %arg6[%add3A_30, %mul3A_32] : memref<16x4096xi32, #tpu.memory_space<hbm>> -> memref<1x2048xi32, #tpu.memory_space<hbm>>
      %dma_wait3A_503 = tpu.memref_squeeze %dma_wait3A_502 : memref<1x2048xi32, #tpu.memory_space<hbm>> -> memref<2048xi32, #tpu.memory_space<hbm>>
      tpu.wait_dma2 semaphore(%run_scoped3A : memref<!tpu.dma_semaphore, #tpu.memory_space<semaphore_mem>>) src(%dma_wait3A_503 : memref<2048xi32, #tpu.memory_space<hbm>>) dst(%arg21 : memref<2048xi32, #tpu.memory_space<vmem>>)
      tpu.yield
    }) : () -> ()
    "tpu.region"() ({
      %run_scoped3A = tpu.sem_alloc : memref<!tpu.dma_semaphore, #tpu.memory_space<semaphore_mem>>
      %dma_start3A_496 = tpu.memref_slice %arg7[%add3A_30, %mul3A_32] : memref<16x4096xi32, #tpu.memory_space<hbm>> -> memref<1x2048xi32, #tpu.memory_space<hbm>>
      %dma_start3A_497 = tpu.memref_squeeze %dma_start3A_496 : memref<1x2048xi32, #tpu.memory_space<hbm>> -> memref<2048xi32, #tpu.memory_space<hbm>>
      %dma_start3A_498 = tpu.memref_slice %arg7[%add3A_30, %mul3A_32] : memref<16x4096xi32, #tpu.memory_space<hbm>> -> memref<1x2048xi32, #tpu.memory_space<hbm>>
      %dma_start3A_499 = tpu.memref_squeeze %dma_start3A_498 : memref<1x2048xi32, #tpu.memory_space<hbm>> -> memref<2048xi32, #tpu.memory_space<hbm>>
      tpu.enqueue_dma source(%dma_start3A_499 : memref<2048xi32, #tpu.memory_space<hbm>>) target(%arg22 : memref<2048xi32, #tpu.memory_space<vmem>>) target_semaphore(%run_scoped3A : memref<!tpu.dma_semaphore, #tpu.memory_space<semaphore_mem>>)
      %dma_wait3A_500 = tpu.memref_slice %arg7[%add3A_30, %mul3A_32] : memref<16x4096xi32, #tpu.memory_space<hbm>> -> memref<1x2048xi32, #tpu.memory_space<hbm>>
      %dma_wait3A_501 = tpu.memref_squeeze %dma_wait3A_500 : memref<1x2048xi32, #tpu.memory_space<hbm>> -> memref<2048xi32, #tpu.memory_space<hbm>>
      %dma_wait3A_502 = tpu.memref_slice %arg7[%add3A_30, %mul3A_32] : memref<16x4096xi32, #tpu.memory_space<hbm>> -> memref<1x2048xi32, #tpu.memory_space<hbm>>
      %dma_wait3A_503 = tpu.memref_squeeze %dma_wait3A_502 : memref<1x2048xi32, #tpu.memory_space<hbm>> -> memref<2048xi32, #tpu.memory_space<hbm>>
      tpu.wait_dma2 semaphore(%run_scoped3A : memref<!tpu.dma_semaphore, #tpu.memory_space<semaphore_mem>>) src(%dma_wait3A_503 : memref<2048xi32, #tpu.memory_space<hbm>>) dst(%arg22 : memref<2048xi32, #tpu.memory_space<vmem>>)
      tpu.yield
    }) : () -> ()
    %broadcast_in_dim3A = arith.constant 0.000000e+00 : f32
    %broadcast_in_dim3A_160 = vector.broadcast %broadcast_in_dim3A : f32 to vector<16xf32>
    %swap3A = arith.constant 0 : index
    %swap3A_161 = tpu.vector_load %arg28[%swap3A] {strides = array<i32>} : memref<512xf32, #tpu.memory_space<vmem>>, vector<16xf32>,
    tpu.vector_store %arg28[%swap3A], %broadcast_in_dim3A_160 {strides = array<i32>} : memref<512xf32, #tpu.memory_space<vmem>>, vector<16xf32>,
    %broadcast_in_dim3A_162 = arith.constant 0.000000e+00 : f32
    %broadcast_in_dim3A_163 = vector.broadcast %broadcast_in_dim3A_162 : f32 to vector<16xf32>
    %swap3A_164 = arith.constant 0 : index
    %swap3A_165 = tpu.vector_load %arg29[%swap3A_164] {strides = array<i32>} : memref<512xf32, #tpu.memory_space<vmem>>, vector<16xf32>,
    tpu.vector_store %arg29[%swap3A_164], %broadcast_in_dim3A_163 {strides = array<i32>} : memref<512xf32, #tpu.memory_space<vmem>>, vector<16xf32>,
    %broadcast_in_dim3A_166 = arith.constant 0.000000e+00 : f32
    %broadcast_in_dim3A_167 = vector.broadcast %broadcast_in_dim3A_166 : f32 to vector<16xf32>
    %swap3A_168 = arith.constant 16 : index
    %swap3A_169 = tpu.vector_load %arg28[%swap3A_168] {strides = array<i32>} : memref<512xf32, #tpu.memory_space<vmem>>, vector<16xf32>,
    tpu.vector_store %arg28[%swap3A_168], %broadcast_in_dim3A_167 {strides = array<i32>} : memref<512xf32, #tpu.memory_space<vmem>>, vector<16xf32>,
    %broadcast_in_dim3A_170 = arith.constant 0.000000e+00 : f32
    %broadcast_in_dim3A_171 = vector.broadcast %broadcast_in_dim3A_170 : f32 to vector<16xf32>
    %swap3A_172 = arith.constant 16 : index
    %swap3A_173 = tpu.vector_load %arg29[%swap3A_172] {strides = array<i32>} : memref<512xf32, #tpu.memory_space<vmem>>, vector<16xf32>,
    tpu.vector_store %arg29[%swap3A_172], %broadcast_in_dim3A_171 {strides = array<i32>} : memref<512xf32, #tpu.memory_space<vmem>>, vector<16xf32>,
    %broadcast_in_dim3A_174 = arith.constant 0.000000e+00 : f32
    %broadcast_in_dim3A_175 = vector.broadcast %broadcast_in_dim3A_174 : f32 to vector<16xf32>
    %swap3A_176 = arith.constant 32 : index
    %swap3A_177 = tpu.vector_load %arg28[%swap3A_176] {strides = array<i32>} : memref<512xf32, #tpu.memory_space<vmem>>, vector<16xf32>,
    tpu.vector_store %arg28[%swap3A_176], %broadcast_in_dim3A_175 {strides = array<i32>} : memref<512xf32, #tpu.memory_space<vmem>>, vector<16xf32>,
    %broadcast_in_dim3A_178 = arith.constant 0.000000e+00 : f32
    %broadcast_in_dim3A_179 = vector.broadcast %broadcast_in_dim3A_178 : f32 to vector<16xf32>
    %swap3A_180 = arith.constant 32 : index
    %swap3A_181 = tpu.vector_load %arg29[%swap3A_180] {strides = array<i32>} : memref<512xf32, #tpu.memory_space<vmem>>, vector<16xf32>,
    tpu.vector_store %arg29[%swap3A_180], %broadcast_in_dim3A_179 {strides = array<i32>} : memref<512xf32, #tpu.memory_space<vmem>>, vector<16xf32>,
    %broadcast_in_dim3A_182 = arith.constant 0.000000e+00 : f32
    %broadcast_in_dim3A_183 = vector.broadcast %broadcast_in_dim3A_182 : f32 to vector<16xf32>
    %swap3A_184 = arith.constant 48 : index
    %swap3A_185 = tpu.vector_load %arg28[%swap3A_184] {strides = array<i32>} : memref<512xf32, #tpu.memory_space<vmem>>, vector<16xf32>,
    tpu.vector_store %arg28[%swap3A_184], %broadcast_in_dim3A_183 {strides = array<i32>} : memref<512xf32, #tpu.memory_space<vmem>>, vector<16xf32>,
    %broadcast_in_dim3A_186 = arith.constant 0.000000e+00 : f32
    %broadcast_in_dim3A_187 = vector.broadcast %broadcast_in_dim3A_186 : f32 to vector<16xf32>
    %swap3A_188 = arith.constant 48 : index
    %swap3A_189 = tpu.vector_load %arg29[%swap3A_188] {strides = array<i32>} : memref<512xf32, #tpu.memory_space<vmem>>, vector<16xf32>,
    tpu.vector_store %arg29[%swap3A_188], %broadcast_in_dim3A_187 {strides = array<i32>} : memref<512xf32, #tpu.memory_space<vmem>>, vector<16xf32>,
    %broadcast_in_dim3A_190 = arith.constant 0.000000e+00 : f32
    %broadcast_in_dim3A_191 = vector.broadcast %broadcast_in_dim3A_190 : f32 to vector<16xf32>
    %swap3A_192 = arith.constant 64 : index
    %swap3A_193 = tpu.vector_load %arg28[%swap3A_192] {strides = array<i32>} : memref<512xf32, #tpu.memory_space<vmem>>, vector<16xf32>,
    tpu.vector_store %arg28[%swap3A_192], %broadcast_in_dim3A_191 {strides = array<i32>} : memref<512xf32, #tpu.memory_space<vmem>>, vector<16xf32>,
    %broadcast_in_dim3A_194 = arith.constant 0.000000e+00 : f32
    %broadcast_in_dim3A_195 = vector.broadcast %broadcast_in_dim3A_194 : f32 to vector<16xf32>
    %swap3A_196 = arith.constant 64 : index
    %swap3A_197 = tpu.vector_load %arg29[%swap3A_196] {strides = array<i32>} : memref<512xf32, #tpu.memory_space<vmem>>, vector<16xf32>,
    tpu.vector_store %arg29[%swap3A_196], %broadcast_in_dim3A_195 {strides = array<i32>} : memref<512xf32, #tpu.memory_space<vmem>>, vector<16xf32>,
    %broadcast_in_dim3A_198 = arith.constant 0.000000e+00 : f32
    %broadcast_in_dim3A_199 = vector.broadcast %broadcast_in_dim3A_198 : f32 to vector<16xf32>
    %swap3A_200 = arith.constant 80 : index
    %swap3A_201 = tpu.vector_load %arg28[%swap3A_200] {strides = array<i32>} : memref<512xf32, #tpu.memory_space<vmem>>, vector<16xf32>,
    tpu.vector_store %arg28[%swap3A_200], %broadcast_in_dim3A_199 {strides = array<i32>} : memref<512xf32, #tpu.memory_space<vmem>>, vector<16xf32>,
    %broadcast_in_dim3A_202 = arith.constant 0.000000e+00 : f32
    %broadcast_in_dim3A_203 = vector.broadcast %broadcast_in_dim3A_202 : f32 to vector<16xf32>
    %swap3A_204 = arith.constant 80 : index
    %swap3A_205 = tpu.vector_load %arg29[%swap3A_204] {strides = array<i32>} : memref<512xf32, #tpu.memory_space<vmem>>, vector<16xf32>,
    tpu.vector_store %arg29[%swap3A_204], %broadcast_in_dim3A_203 {strides = array<i32>} : memref<512xf32, #tpu.memory_space<vmem>>, vector<16xf32>,
    %broadcast_in_dim3A_206 = arith.constant 0.000000e+00 : f32
    %broadcast_in_dim3A_207 = vector.broadcast %broadcast_in_dim3A_206 : f32 to vector<16xf32>
    %swap3A_208 = arith.constant 96 : index
    %swap3A_209 = tpu.vector_load %arg28[%swap3A_208] {strides = array<i32>} : memref<512xf32, #tpu.memory_space<vmem>>, vector<16xf32>,
    tpu.vector_store %arg28[%swap3A_208], %broadcast_in_dim3A_207 {strides = array<i32>} : memref<512xf32, #tpu.memory_space<vmem>>, vector<16xf32>,
    %broadcast_in_dim3A_210 = arith.constant 0.000000e+00 : f32
    %broadcast_in_dim3A_211 = vector.broadcast %broadcast_in_dim3A_210 : f32 to vector<16xf32>
    %swap3A_212 = arith.constant 96 : index
    %swap3A_213 = tpu.vector_load %arg29[%swap3A_212] {strides = array<i32>} : memref<512xf32, #tpu.memory_space<vmem>>, vector<16xf32>,
    tpu.vector_store %arg29[%swap3A_212], %broadcast_in_dim3A_211 {strides = array<i32>} : memref<512xf32, #tpu.memory_space<vmem>>, vector<16xf32>,
    %broadcast_in_dim3A_214 = arith.constant 0.000000e+00 : f32
    %broadcast_in_dim3A_215 = vector.broadcast %broadcast_in_dim3A_214 : f32 to vector<16xf32>
    %swap3A_216 = arith.constant 112 : index
    %swap3A_217 = tpu.vector_load %arg28[%swap3A_216] {strides = array<i32>} : memref<512xf32, #tpu.memory_space<vmem>>, vector<16xf32>,
    tpu.vector_store %arg28[%swap3A_216], %broadcast_in_dim3A_215 {strides = array<i32>} : memref<512xf32, #tpu.memory_space<vmem>>, vector<16xf32>,
    %broadcast_in_dim3A_218 = arith.constant 0.000000e+00 : f32
    %broadcast_in_dim3A_219 = vector.broadcast %broadcast_in_dim3A_218 : f32 to vector<16xf32>
    %swap3A_220 = arith.constant 112 : index
    %swap3A_221 = tpu.vector_load %arg29[%swap3A_220] {strides = array<i32>} : memref<512xf32, #tpu.memory_space<vmem>>, vector<16xf32>,
    tpu.vector_store %arg29[%swap3A_220], %broadcast_in_dim3A_219 {strides = array<i32>} : memref<512xf32, #tpu.memory_space<vmem>>, vector<16xf32>,
    %broadcast_in_dim3A_222 = arith.constant 0.000000e+00 : f32
    %broadcast_in_dim3A_223 = vector.broadcast %broadcast_in_dim3A_222 : f32 to vector<16xf32>
    %swap3A_224 = arith.constant 128 : index
    %swap3A_225 = tpu.vector_load %arg28[%swap3A_224] {strides = array<i32>} : memref<512xf32, #tpu.memory_space<vmem>>, vector<16xf32>,
    tpu.vector_store %arg28[%swap3A_224], %broadcast_in_dim3A_223 {strides = array<i32>} : memref<512xf32, #tpu.memory_space<vmem>>, vector<16xf32>,
    %broadcast_in_dim3A_226 = arith.constant 0.000000e+00 : f32
    %broadcast_in_dim3A_227 = vector.broadcast %broadcast_in_dim3A_226 : f32 to vector<16xf32>
    %swap3A_228 = arith.constant 128 : index
    %swap3A_229 = tpu.vector_load %arg29[%swap3A_228] {strides = array<i32>} : memref<512xf32, #tpu.memory_space<vmem>>, vector<16xf32>,
    tpu.vector_store %arg29[%swap3A_228], %broadcast_in_dim3A_227 {strides = array<i32>} : memref<512xf32, #tpu.memory_space<vmem>>, vector<16xf32>,
    %broadcast_in_dim3A_230 = arith.constant 0.000000e+00 : f32
    %broadcast_in_dim3A_231 = vector.broadcast %broadcast_in_dim3A_230 : f32 to vector<16xf32>
    %swap3A_232 = arith.constant 144 : index
    %swap3A_233 = tpu.vector_load %arg28[%swap3A_232] {strides = array<i32>} : memref<512xf32, #tpu.memory_space<vmem>>, vector<16xf32>,
    tpu.vector_store %arg28[%swap3A_232], %broadcast_in_dim3A_231 {strides = array<i32>} : memref<512xf32, #tpu.memory_space<vmem>>, vector<16xf32>,
    %broadcast_in_dim3A_234 = arith.constant 0.000000e+00 : f32
    %broadcast_in_dim3A_235 = vector.broadcast %broadcast_in_dim3A_234 : f32 to vector<16xf32>
    %swap3A_236 = arith.constant 144 : index
    %swap3A_237 = tpu.vector_load %arg29[%swap3A_236] {strides = array<i32>} : memref<512xf32, #tpu.memory_space<vmem>>, vector<16xf32>,
    tpu.vector_store %arg29[%swap3A_236], %broadcast_in_dim3A_235 {strides = array<i32>} : memref<512xf32, #tpu.memory_space<vmem>>, vector<16xf32>,
    %broadcast_in_dim3A_238 = arith.constant 0.000000e+00 : f32
    %broadcast_in_dim3A_239 = vector.broadcast %broadcast_in_dim3A_238 : f32 to vector<16xf32>
    %swap3A_240 = arith.constant 160 : index
    %swap3A_241 = tpu.vector_load %arg28[%swap3A_240] {strides = array<i32>} : memref<512xf32, #tpu.memory_space<vmem>>, vector<16xf32>,
    tpu.vector_store %arg28[%swap3A_240], %broadcast_in_dim3A_239 {strides = array<i32>} : memref<512xf32, #tpu.memory_space<vmem>>, vector<16xf32>,
    %broadcast_in_dim3A_242 = arith.constant 0.000000e+00 : f32
    %broadcast_in_dim3A_243 = vector.broadcast %broadcast_in_dim3A_242 : f32 to vector<16xf32>
    %swap3A_244 = arith.constant 160 : index
    %swap3A_245 = tpu.vector_load %arg29[%swap3A_244] {strides = array<i32>} : memref<512xf32, #tpu.memory_space<vmem>>, vector<16xf32>,
    tpu.vector_store %arg29[%swap3A_244], %broadcast_in_dim3A_243 {strides = array<i32>} : memref<512xf32, #tpu.memory_space<vmem>>, vector<16xf32>,
    %broadcast_in_dim3A_246 = arith.constant 0.000000e+00 : f32
    %broadcast_in_dim3A_247 = vector.broadcast %broadcast_in_dim3A_246 : f32 to vector<16xf32>
    %swap3A_248 = arith.constant 176 : index
    %swap3A_249 = tpu.vector_load %arg28[%swap3A_248] {strides = array<i32>} : memref<512xf32, #tpu.memory_space<vmem>>, vector<16xf32>,
    tpu.vector_store %arg28[%swap3A_248], %broadcast_in_dim3A_247 {strides = array<i32>} : memref<512xf32, #tpu.memory_space<vmem>>, vector<16xf32>,
    %broadcast_in_dim3A_250 = arith.constant 0.000000e+00 : f32
    %broadcast_in_dim3A_251 = vector.broadcast %broadcast_in_dim3A_250 : f32 to vector<16xf32>
    %swap3A_252 = arith.constant 176 : index
    %swap3A_253 = tpu.vector_load %arg29[%swap3A_252] {strides = array<i32>} : memref<512xf32, #tpu.memory_space<vmem>>, vector<16xf32>,
    tpu.vector_store %arg29[%swap3A_252], %broadcast_in_dim3A_251 {strides = array<i32>} : memref<512xf32, #tpu.memory_space<vmem>>, vector<16xf32>,
    %broadcast_in_dim3A_254 = arith.constant 0.000000e+00 : f32
    %broadcast_in_dim3A_255 = vector.broadcast %broadcast_in_dim3A_254 : f32 to vector<16xf32>
    %swap3A_256 = arith.constant 192 : index
    %swap3A_257 = tpu.vector_load %arg28[%swap3A_256] {strides = array<i32>} : memref<512xf32, #tpu.memory_space<vmem>>, vector<16xf32>,
    tpu.vector_store %arg28[%swap3A_256], %broadcast_in_dim3A_255 {strides = array<i32>} : memref<512xf32, #tpu.memory_space<vmem>>, vector<16xf32>,
    %broadcast_in_dim3A_258 = arith.constant 0.000000e+00 : f32
    %broadcast_in_dim3A_259 = vector.broadcast %broadcast_in_dim3A_258 : f32 to vector<16xf32>
    %swap3A_260 = arith.constant 192 : index
    %swap3A_261 = tpu.vector_load %arg29[%swap3A_260] {strides = array<i32>} : memref<512xf32, #tpu.memory_space<vmem>>, vector<16xf32>,
    tpu.vector_store %arg29[%swap3A_260], %broadcast_in_dim3A_259 {strides = array<i32>} : memref<512xf32, #tpu.memory_space<vmem>>, vector<16xf32>,
    %broadcast_in_dim3A_262 = arith.constant 0.000000e+00 : f32
    %broadcast_in_dim3A_263 = vector.broadcast %broadcast_in_dim3A_262 : f32 to vector<16xf32>
    %swap3A_264 = arith.constant 208 : index
    %swap3A_265 = tpu.vector_load %arg28[%swap3A_264] {strides = array<i32>} : memref<512xf32, #tpu.memory_space<vmem>>, vector<16xf32>,
    tpu.vector_store %arg28[%swap3A_264], %broadcast_in_dim3A_263 {strides = array<i32>} : memref<512xf32, #tpu.memory_space<vmem>>, vector<16xf32>,
    %broadcast_in_dim3A_266 = arith.constant 0.000000e+00 : f32
    %broadcast_in_dim3A_267 = vector.broadcast %broadcast_in_dim3A_266 : f32 to vector<16xf32>
    %swap3A_268 = arith.constant 208 : index
    %swap3A_269 = tpu.vector_load %arg29[%swap3A_268] {strides = array<i32>} : memref<512xf32, #tpu.memory_space<vmem>>, vector<16xf32>,
    tpu.vector_store %arg29[%swap3A_268], %broadcast_in_dim3A_267 {strides = array<i32>} : memref<512xf32, #tpu.memory_space<vmem>>, vector<16xf32>,
    %broadcast_in_dim3A_270 = arith.constant 0.000000e+00 : f32
    %broadcast_in_dim3A_271 = vector.broadcast %broadcast_in_dim3A_270 : f32 to vector<16xf32>
    %swap3A_272 = arith.constant 224 : index
    %swap3A_273 = tpu.vector_load %arg28[%swap3A_272] {strides = array<i32>} : memref<512xf32, #tpu.memory_space<vmem>>, vector<16xf32>,
    tpu.vector_store %arg28[%swap3A_272], %broadcast_in_dim3A_271 {strides = array<i32>} : memref<512xf32, #tpu.memory_space<vmem>>, vector<16xf32>,
    %broadcast_in_dim3A_274 = arith.constant 0.000000e+00 : f32
    %broadcast_in_dim3A_275 = vector.broadcast %broadcast_in_dim3A_274 : f32 to vector<16xf32>
    %swap3A_276 = arith.constant 224 : index
    %swap3A_277 = tpu.vector_load %arg29[%swap3A_276] {strides = array<i32>} : memref<512xf32, #tpu.memory_space<vmem>>, vector<16xf32>,
    tpu.vector_store %arg29[%swap3A_276], %broadcast_in_dim3A_275 {strides = array<i32>} : memref<512xf32, #tpu.memory_space<vmem>>, vector<16xf32>,
    %broadcast_in_dim3A_278 = arith.constant 0.000000e+00 : f32
    %broadcast_in_dim3A_279 = vector.broadcast %broadcast_in_dim3A_278 : f32 to vector<16xf32>
    %swap3A_280 = arith.constant 240 : index
    %swap3A_281 = tpu.vector_load %arg28[%swap3A_280] {strides = array<i32>} : memref<512xf32, #tpu.memory_space<vmem>>, vector<16xf32>,
    tpu.vector_store %arg28[%swap3A_280], %broadcast_in_dim3A_279 {strides = array<i32>} : memref<512xf32, #tpu.memory_space<vmem>>, vector<16xf32>,
    %broadcast_in_dim3A_282 = arith.constant 0.000000e+00 : f32
    %broadcast_in_dim3A_283 = vector.broadcast %broadcast_in_dim3A_282 : f32 to vector<16xf32>
    %swap3A_284 = arith.constant 240 : index
    %swap3A_285 = tpu.vector_load %arg29[%swap3A_284] {strides = array<i32>} : memref<512xf32, #tpu.memory_space<vmem>>, vector<16xf32>,
    tpu.vector_store %arg29[%swap3A_284], %broadcast_in_dim3A_283 {strides = array<i32>} : memref<512xf32, #tpu.memory_space<vmem>>, vector<16xf32>,
    %broadcast_in_dim3A_286 = arith.constant 0.000000e+00 : f32
    %broadcast_in_dim3A_287 = vector.broadcast %broadcast_in_dim3A_286 : f32 to vector<16xf32>
    %swap3A_288 = arith.constant 256 : index
    %swap3A_289 = tpu.vector_load %arg28[%swap3A_288] {strides = array<i32>} : memref<512xf32, #tpu.memory_space<vmem>>, vector<16xf32>,
    tpu.vector_store %arg28[%swap3A_288], %broadcast_in_dim3A_287 {strides = array<i32>} : memref<512xf32, #tpu.memory_space<vmem>>, vector<16xf32>,
    %broadcast_in_dim3A_290 = arith.constant 0.000000e+00 : f32
    %broadcast_in_dim3A_291 = vector.broadcast %broadcast_in_dim3A_290 : f32 to vector<16xf32>
    %swap3A_292 = arith.constant 256 : index
    %swap3A_293 = tpu.vector_load %arg29[%swap3A_292] {strides = array<i32>} : memref<512xf32, #tpu.memory_space<vmem>>, vector<16xf32>,
    tpu.vector_store %arg29[%swap3A_292], %broadcast_in_dim3A_291 {strides = array<i32>} : memref<512xf32, #tpu.memory_space<vmem>>, vector<16xf32>,
    %broadcast_in_dim3A_294 = arith.constant 0.000000e+00 : f32
    %broadcast_in_dim3A_295 = vector.broadcast %broadcast_in_dim3A_294 : f32 to vector<16xf32>
    %swap3A_296 = arith.constant 272 : index
    %swap3A_297 = tpu.vector_load %arg28[%swap3A_296] {strides = array<i32>} : memref<512xf32, #tpu.memory_space<vmem>>, vector<16xf32>,
    tpu.vector_store %arg28[%swap3A_296], %broadcast_in_dim3A_295 {strides = array<i32>} : memref<512xf32, #tpu.memory_space<vmem>>, vector<16xf32>,
    %broadcast_in_dim3A_298 = arith.constant 0.000000e+00 : f32
    %broadcast_in_dim3A_299 = vector.broadcast %broadcast_in_dim3A_298 : f32 to vector<16xf32>
    %swap3A_300 = arith.constant 272 : index
    %swap3A_301 = tpu.vector_load %arg29[%swap3A_300] {strides = array<i32>} : memref<512xf32, #tpu.memory_space<vmem>>, vector<16xf32>,
    tpu.vector_store %arg29[%swap3A_300], %broadcast_in_dim3A_299 {strides = array<i32>} : memref<512xf32, #tpu.memory_space<vmem>>, vector<16xf32>,
    %broadcast_in_dim3A_302 = arith.constant 0.000000e+00 : f32
    %broadcast_in_dim3A_303 = vector.broadcast %broadcast_in_dim3A_302 : f32 to vector<16xf32>
    %swap3A_304 = arith.constant 288 : index
    %swap3A_305 = tpu.vector_load %arg28[%swap3A_304] {strides = array<i32>} : memref<512xf32, #tpu.memory_space<vmem>>, vector<16xf32>,
    tpu.vector_store %arg28[%swap3A_304], %broadcast_in_dim3A_303 {strides = array<i32>} : memref<512xf32, #tpu.memory_space<vmem>>, vector<16xf32>,
    %broadcast_in_dim3A_306 = arith.constant 0.000000e+00 : f32
    %broadcast_in_dim3A_307 = vector.broadcast %broadcast_in_dim3A_306 : f32 to vector<16xf32>
    %swap3A_308 = arith.constant 288 : index
    %swap3A_309 = tpu.vector_load %arg29[%swap3A_308] {strides = array<i32>} : memref<512xf32, #tpu.memory_space<vmem>>, vector<16xf32>,
    tpu.vector_store %arg29[%swap3A_308], %broadcast_in_dim3A_307 {strides = array<i32>} : memref<512xf32, #tpu.memory_space<vmem>>, vector<16xf32>,
    %broadcast_in_dim3A_310 = arith.constant 0.000000e+00 : f32
    %broadcast_in_dim3A_311 = vector.broadcast %broadcast_in_dim3A_310 : f32 to vector<16xf32>
    %swap3A_312 = arith.constant 304 : index
    %swap3A_313 = tpu.vector_load %arg28[%swap3A_312] {strides = array<i32>} : memref<512xf32, #tpu.memory_space<vmem>>, vector<16xf32>,
    tpu.vector_store %arg28[%swap3A_312], %broadcast_in_dim3A_311 {strides = array<i32>} : memref<512xf32, #tpu.memory_space<vmem>>, vector<16xf32>,
    %broadcast_in_dim3A_314 = arith.constant 0.000000e+00 : f32
    %broadcast_in_dim3A_315 = vector.broadcast %broadcast_in_dim3A_314 : f32 to vector<16xf32>
    %swap3A_316 = arith.constant 304 : index
    %swap3A_317 = tpu.vector_load %arg29[%swap3A_316] {strides = array<i32>} : memref<512xf32, #tpu.memory_space<vmem>>, vector<16xf32>,
    tpu.vector_store %arg29[%swap3A_316], %broadcast_in_dim3A_315 {strides = array<i32>} : memref<512xf32, #tpu.memory_space<vmem>>, vector<16xf32>,
    %broadcast_in_dim3A_318 = arith.constant 0.000000e+00 : f32
    %broadcast_in_dim3A_319 = vector.broadcast %broadcast_in_dim3A_318 : f32 to vector<16xf32>
    %swap3A_320 = arith.constant 320 : index
    %swap3A_321 = tpu.vector_load %arg28[%swap3A_320] {strides = array<i32>} : memref<512xf32, #tpu.memory_space<vmem>>, vector<16xf32>,
    tpu.vector_store %arg28[%swap3A_320], %broadcast_in_dim3A_319 {strides = array<i32>} : memref<512xf32, #tpu.memory_space<vmem>>, vector<16xf32>,
    %broadcast_in_dim3A_322 = arith.constant 0.000000e+00 : f32
    %broadcast_in_dim3A_323 = vector.broadcast %broadcast_in_dim3A_322 : f32 to vector<16xf32>
    %swap3A_324 = arith.constant 320 : index
    %swap3A_325 = tpu.vector_load %arg29[%swap3A_324] {strides = array<i32>} : memref<512xf32, #tpu.memory_space<vmem>>, vector<16xf32>,
    tpu.vector_store %arg29[%swap3A_324], %broadcast_in_dim3A_323 {strides = array<i32>} : memref<512xf32, #tpu.memory_space<vmem>>, vector<16xf32>,
    %broadcast_in_dim3A_326 = arith.constant 0.000000e+00 : f32
    %broadcast_in_dim3A_327 = vector.broadcast %broadcast_in_dim3A_326 : f32 to vector<16xf32>
    %swap3A_328 = arith.constant 336 : index
    %swap3A_329 = tpu.vector_load %arg28[%swap3A_328] {strides = array<i32>} : memref<512xf32, #tpu.memory_space<vmem>>, vector<16xf32>,
    tpu.vector_store %arg28[%swap3A_328], %broadcast_in_dim3A_327 {strides = array<i32>} : memref<512xf32, #tpu.memory_space<vmem>>, vector<16xf32>,
    %broadcast_in_dim3A_330 = arith.constant 0.000000e+00 : f32
    %broadcast_in_dim3A_331 = vector.broadcast %broadcast_in_dim3A_330 : f32 to vector<16xf32>
    %swap3A_332 = arith.constant 336 : index
    %swap3A_333 = tpu.vector_load %arg29[%swap3A_332] {strides = array<i32>} : memref<512xf32, #tpu.memory_space<vmem>>, vector<16xf32>,
    tpu.vector_store %arg29[%swap3A_332], %broadcast_in_dim3A_331 {strides = array<i32>} : memref<512xf32, #tpu.memory_space<vmem>>, vector<16xf32>,
    %broadcast_in_dim3A_334 = arith.constant 0.000000e+00 : f32
    %broadcast_in_dim3A_335 = vector.broadcast %broadcast_in_dim3A_334 : f32 to vector<16xf32>
    %swap3A_336 = arith.constant 352 : index
    %swap3A_337 = tpu.vector_load %arg28[%swap3A_336] {strides = array<i32>} : memref<512xf32, #tpu.memory_space<vmem>>, vector<16xf32>,
    tpu.vector_store %arg28[%swap3A_336], %broadcast_in_dim3A_335 {strides = array<i32>} : memref<512xf32, #tpu.memory_space<vmem>>, vector<16xf32>,
    %broadcast_in_dim3A_338 = arith.constant 0.000000e+00 : f32
    %broadcast_in_dim3A_339 = vector.broadcast %broadcast_in_dim3A_338 : f32 to vector<16xf32>
    %swap3A_340 = arith.constant 352 : index
    %swap3A_341 = tpu.vector_load %arg29[%swap3A_340] {strides = array<i32>} : memref<512xf32, #tpu.memory_space<vmem>>, vector<16xf32>,
    tpu.vector_store %arg29[%swap3A_340], %broadcast_in_dim3A_339 {strides = array<i32>} : memref<512xf32, #tpu.memory_space<vmem>>, vector<16xf32>,
    %broadcast_in_dim3A_342 = arith.constant 0.000000e+00 : f32
    %broadcast_in_dim3A_343 = vector.broadcast %broadcast_in_dim3A_342 : f32 to vector<16xf32>
    %swap3A_344 = arith.constant 368 : index
    %swap3A_345 = tpu.vector_load %arg28[%swap3A_344] {strides = array<i32>} : memref<512xf32, #tpu.memory_space<vmem>>, vector<16xf32>,
    tpu.vector_store %arg28[%swap3A_344], %broadcast_in_dim3A_343 {strides = array<i32>} : memref<512xf32, #tpu.memory_space<vmem>>, vector<16xf32>,
    %broadcast_in_dim3A_346 = arith.constant 0.000000e+00 : f32
    %broadcast_in_dim3A_347 = vector.broadcast %broadcast_in_dim3A_346 : f32 to vector<16xf32>
    %swap3A_348 = arith.constant 368 : index
    %swap3A_349 = tpu.vector_load %arg29[%swap3A_348] {strides = array<i32>} : memref<512xf32, #tpu.memory_space<vmem>>, vector<16xf32>,
    tpu.vector_store %arg29[%swap3A_348], %broadcast_in_dim3A_347 {strides = array<i32>} : memref<512xf32, #tpu.memory_space<vmem>>, vector<16xf32>,
    %broadcast_in_dim3A_350 = arith.constant 0.000000e+00 : f32
    %broadcast_in_dim3A_351 = vector.broadcast %broadcast_in_dim3A_350 : f32 to vector<16xf32>
    %swap3A_352 = arith.constant 384 : index
    %swap3A_353 = tpu.vector_load %arg28[%swap3A_352] {strides = array<i32>} : memref<512xf32, #tpu.memory_space<vmem>>, vector<16xf32>,
    tpu.vector_store %arg28[%swap3A_352], %broadcast_in_dim3A_351 {strides = array<i32>} : memref<512xf32, #tpu.memory_space<vmem>>, vector<16xf32>,
    %broadcast_in_dim3A_354 = arith.constant 0.000000e+00 : f32
    %broadcast_in_dim3A_355 = vector.broadcast %broadcast_in_dim3A_354 : f32 to vector<16xf32>
    %swap3A_356 = arith.constant 384 : index
    %swap3A_357 = tpu.vector_load %arg29[%swap3A_356] {strides = array<i32>} : memref<512xf32, #tpu.memory_space<vmem>>, vector<16xf32>,
    tpu.vector_store %arg29[%swap3A_356], %broadcast_in_dim3A_355 {strides = array<i32>} : memref<512xf32, #tpu.memory_space<vmem>>, vector<16xf32>,
    %broadcast_in_dim3A_358 = arith.constant 0.000000e+00 : f32
    %broadcast_in_dim3A_359 = vector.broadcast %broadcast_in_dim3A_358 : f32 to vector<16xf32>
    %swap3A_360 = arith.constant 400 : index
    %swap3A_361 = tpu.vector_load %arg28[%swap3A_360] {strides = array<i32>} : memref<512xf32, #tpu.memory_space<vmem>>, vector<16xf32>,
    tpu.vector_store %arg28[%swap3A_360], %broadcast_in_dim3A_359 {strides = array<i32>} : memref<512xf32, #tpu.memory_space<vmem>>, vector<16xf32>,
    %broadcast_in_dim3A_362 = arith.constant 0.000000e+00 : f32
    %broadcast_in_dim3A_363 = vector.broadcast %broadcast_in_dim3A_362 : f32 to vector<16xf32>
    %swap3A_364 = arith.constant 400 : index
    %swap3A_365 = tpu.vector_load %arg29[%swap3A_364] {strides = array<i32>} : memref<512xf32, #tpu.memory_space<vmem>>, vector<16xf32>,
    tpu.vector_store %arg29[%swap3A_364], %broadcast_in_dim3A_363 {strides = array<i32>} : memref<512xf32, #tpu.memory_space<vmem>>, vector<16xf32>,
    %broadcast_in_dim3A_366 = arith.constant 0.000000e+00 : f32
    %broadcast_in_dim3A_367 = vector.broadcast %broadcast_in_dim3A_366 : f32 to vector<16xf32>
    %swap3A_368 = arith.constant 416 : index
    %swap3A_369 = tpu.vector_load %arg28[%swap3A_368] {strides = array<i32>} : memref<512xf32, #tpu.memory_space<vmem>>, vector<16xf32>,
    tpu.vector_store %arg28[%swap3A_368], %broadcast_in_dim3A_367 {strides = array<i32>} : memref<512xf32, #tpu.memory_space<vmem>>, vector<16xf32>,
    %broadcast_in_dim3A_370 = arith.constant 0.000000e+00 : f32
    %broadcast_in_dim3A_371 = vector.broadcast %broadcast_in_dim3A_370 : f32 to vector<16xf32>
    %swap3A_372 = arith.constant 416 : index
    %swap3A_373 = tpu.vector_load %arg29[%swap3A_372] {strides = array<i32>} : memref<512xf32, #tpu.memory_space<vmem>>, vector<16xf32>,
    tpu.vector_store %arg29[%swap3A_372], %broadcast_in_dim3A_371 {strides = array<i32>} : memref<512xf32, #tpu.memory_space<vmem>>, vector<16xf32>,
    %broadcast_in_dim3A_374 = arith.constant 0.000000e+00 : f32
    %broadcast_in_dim3A_375 = vector.broadcast %broadcast_in_dim3A_374 : f32 to vector<16xf32>
    %swap3A_376 = arith.constant 432 : index
    %swap3A_377 = tpu.vector_load %arg28[%swap3A_376] {strides = array<i32>} : memref<512xf32, #tpu.memory_space<vmem>>, vector<16xf32>,
    tpu.vector_store %arg28[%swap3A_376], %broadcast_in_dim3A_375 {strides = array<i32>} : memref<512xf32, #tpu.memory_space<vmem>>, vector<16xf32>,
    %broadcast_in_dim3A_378 = arith.constant 0.000000e+00 : f32
    %broadcast_in_dim3A_379 = vector.broadcast %broadcast_in_dim3A_378 : f32 to vector<16xf32>
    %swap3A_380 = arith.constant 432 : index
    %swap3A_381 = tpu.vector_load %arg29[%swap3A_380] {strides = array<i32>} : memref<512xf32, #tpu.memory_space<vmem>>, vector<16xf32>,
    tpu.vector_store %arg29[%swap3A_380], %broadcast_in_dim3A_379 {strides = array<i32>} : memref<512xf32, #tpu.memory_space<vmem>>, vector<16xf32>,
    %broadcast_in_dim3A_382 = arith.constant 0.000000e+00 : f32
    %broadcast_in_dim3A_383 = vector.broadcast %broadcast_in_dim3A_382 : f32 to vector<16xf32>
    %swap3A_384 = arith.constant 448 : index
    %swap3A_385 = tpu.vector_load %arg28[%swap3A_384] {strides = array<i32>} : memref<512xf32, #tpu.memory_space<vmem>>, vector<16xf32>,
    tpu.vector_store %arg28[%swap3A_384], %broadcast_in_dim3A_383 {strides = array<i32>} : memref<512xf32, #tpu.memory_space<vmem>>, vector<16xf32>,
    %broadcast_in_dim3A_386 = arith.constant 0.000000e+00 : f32
    %broadcast_in_dim3A_387 = vector.broadcast %broadcast_in_dim3A_386 : f32 to vector<16xf32>
    %swap3A_388 = arith.constant 448 : index
    %swap3A_389 = tpu.vector_load %arg29[%swap3A_388] {strides = array<i32>} : memref<512xf32, #tpu.memory_space<vmem>>, vector<16xf32>,
    tpu.vector_store %arg29[%swap3A_388], %broadcast_in_dim3A_387 {strides = array<i32>} : memref<512xf32, #tpu.memory_space<vmem>>, vector<16xf32>,
    %broadcast_in_dim3A_390 = arith.constant 0.000000e+00 : f32
    %broadcast_in_dim3A_391 = vector.broadcast %broadcast_in_dim3A_390 : f32 to vector<16xf32>
    %swap3A_392 = arith.constant 464 : index
    %swap3A_393 = tpu.vector_load %arg28[%swap3A_392] {strides = array<i32>} : memref<512xf32, #tpu.memory_space<vmem>>, vector<16xf32>,
    tpu.vector_store %arg28[%swap3A_392], %broadcast_in_dim3A_391 {strides = array<i32>} : memref<512xf32, #tpu.memory_space<vmem>>, vector<16xf32>,
    %broadcast_in_dim3A_394 = arith.constant 0.000000e+00 : f32
    %broadcast_in_dim3A_395 = vector.broadcast %broadcast_in_dim3A_394 : f32 to vector<16xf32>
    %swap3A_396 = arith.constant 464 : index
    %swap3A_397 = tpu.vector_load %arg29[%swap3A_396] {strides = array<i32>} : memref<512xf32, #tpu.memory_space<vmem>>, vector<16xf32>,
    tpu.vector_store %arg29[%swap3A_396], %broadcast_in_dim3A_395 {strides = array<i32>} : memref<512xf32, #tpu.memory_space<vmem>>, vector<16xf32>,
    %broadcast_in_dim3A_398 = arith.constant 0.000000e+00 : f32
    %broadcast_in_dim3A_399 = vector.broadcast %broadcast_in_dim3A_398 : f32 to vector<16xf32>
    %swap3A_400 = arith.constant 480 : index
    %swap3A_401 = tpu.vector_load %arg28[%swap3A_400] {strides = array<i32>} : memref<512xf32, #tpu.memory_space<vmem>>, vector<16xf32>,
    tpu.vector_store %arg28[%swap3A_400], %broadcast_in_dim3A_399 {strides = array<i32>} : memref<512xf32, #tpu.memory_space<vmem>>, vector<16xf32>,
    %broadcast_in_dim3A_402 = arith.constant 0.000000e+00 : f32
    %broadcast_in_dim3A_403 = vector.broadcast %broadcast_in_dim3A_402 : f32 to vector<16xf32>
    %swap3A_404 = arith.constant 480 : index
    %swap3A_405 = tpu.vector_load %arg29[%swap3A_404] {strides = array<i32>} : memref<512xf32, #tpu.memory_space<vmem>>, vector<16xf32>,
    tpu.vector_store %arg29[%swap3A_404], %broadcast_in_dim3A_403 {strides = array<i32>} : memref<512xf32, #tpu.memory_space<vmem>>, vector<16xf32>,
    %broadcast_in_dim3A_406 = arith.constant 0.000000e+00 : f32
    %broadcast_in_dim3A_407 = vector.broadcast %broadcast_in_dim3A_406 : f32 to vector<16xf32>
    %swap3A_408 = arith.constant 496 : index
    %swap3A_409 = tpu.vector_load %arg28[%swap3A_408] {strides = array<i32>} : memref<512xf32, #tpu.memory_space<vmem>>, vector<16xf32>,
    tpu.vector_store %arg28[%swap3A_408], %broadcast_in_dim3A_407 {strides = array<i32>} : memref<512xf32, #tpu.memory_space<vmem>>, vector<16xf32>,
    %broadcast_in_dim3A_410 = arith.constant 0.000000e+00 : f32
    %broadcast_in_dim3A_411 = vector.broadcast %broadcast_in_dim3A_410 : f32 to vector<16xf32>
    %swap3A_412 = arith.constant 496 : index
    %swap3A_413 = tpu.vector_load %arg29[%swap3A_412] {strides = array<i32>} : memref<512xf32, #tpu.memory_space<vmem>>, vector<16xf32>,
    tpu.vector_store %arg29[%swap3A_412], %broadcast_in_dim3A_411 {strides = array<i32>} : memref<512xf32, #tpu.memory_space<vmem>>, vector<16xf32>,
    %mul3A_414 = arith.constant 32 : i32
    %mul3A_415 = arith.muli %arg1, %mul3A_414 : i32
    %mul3A_416 = arith.constant 4 : i32
    %mul3A_417 = arith.muli %mul3A_415, %mul3A_416 : i32
    "tpu.region"() ({
      %run_scoped3A = tpu.sem_alloc : memref<!tpu.dma_semaphore, #tpu.memory_space<semaphore_mem>>
      %dma_start3A_496 = arith.constant 0 : i32
      %dma_start3A_497 = tpu.memref_slice %arg30[%mul3A_417, %dma_start3A_496] : memref<2048x128xf32, #tpu.memory_space<vmem_shared>> -> memref<128x128xf32, #tpu.memory_space<vmem_shared>>
      tpu.enqueue_dma source(%arg10 : memref<128x128xf32, #tpu.memory_space<hbm>>) target(%dma_start3A_497 : memref<128x128xf32, #tpu.memory_space<vmem_shared>>) target_semaphore(%run_scoped3A : memref<!tpu.dma_semaphore, #tpu.memory_space<semaphore_mem>>)
      %dma_wait3A_498 = arith.constant 0 : i32
      %dma_wait3A_499 = tpu.memref_slice %arg30[%mul3A_417, %dma_wait3A_498] : memref<2048x128xf32, #tpu.memory_space<vmem_shared>> -> memref<128x128xf32, #tpu.memory_space<vmem_shared>>
      tpu.wait_dma2 semaphore(%run_scoped3A : memref<!tpu.dma_semaphore, #tpu.memory_space<semaphore_mem>>) src(%arg10 : memref<128x128xf32, #tpu.memory_space<hbm>>) dst(%dma_wait3A_499 : memref<128x128xf32, #tpu.memory_space<vmem_shared>>)
      tpu.yield
    }) : () -> ()
    %iota3A = tpu.iota {dimensions = array<i32: 0>} : vector<16xi32>
    %and3A_418 = arith.constant 7 : i32
    %and3A_419 = vector.broadcast %and3A_418 : i32 to vector<16xi32>
    %and3A_420 = arith.andi %iota3A, %and3A_419 : vector<16xi32>
    %shift_right_arithmetic3A = arith.constant 3 : i32
    %shift_right_arithmetic3A_421 = vector.broadcast %shift_right_arithmetic3A : i32 to vector<16xi32>
    %shift_right_arithmetic3A_422 = arith.shrsi %iota3A, %shift_right_arithmetic3A_421 : vector<16xi32>
    %mul3A_423 = arith.constant 32 : i32
    %mul3A_424 = arith.muli %arg1, %mul3A_423 : i32
    %mul3A_425 = arith.constant 4 : i32
    %mul3A_426 = arith.muli %mul3A_424, %mul3A_425 : i32
    %add3A_427 = arith.constant 20 : i32
    %add3A_428 = vector.broadcast %add3A_427 : i32 to vector<16xi32>
    %add3A_429 = arith.addi %add3A_428, %and3A_420 : vector<16xi32>
    %jit3A_430 = arith.constant 8 : i32
    %div3A_431 = arith.divsi %add3A_30, %jit3A_430 : i32
    %sign3A_432 = arith.constant 0 : i32
    %sign3A_433 = arith.cmpi sgt, %add3A_30, %sign3A_432 : i32
    %sign3A_434 = arith.extui %sign3A_433 : i1 to i32
    %sign3A_435 = arith.constant 0 : i32
    %sign3A_436 = arith.cmpi slt, %add3A_30, %sign3A_435 : i32
    %sign3A_437 = arith.extui %sign3A_436 : i1 to i32
    %sign3A_438 = arith.subi %sign3A_434, %sign3A_437 : i32
    %sign3A_439 = arith.constant 0 : i32
    %sign3A_440 = arith.cmpi sgt, %jit3A_430, %sign3A_439 : i32
    %sign3A_441 = arith.extui %sign3A_440 : i1 to i32
    %sign3A_442 = arith.constant 0 : i32
    %sign3A_443 = arith.cmpi slt, %jit3A_430, %sign3A_442 : i32
    %sign3A_444 = arith.extui %sign3A_443 : i1 to i32
    %sign3A_445 = arith.subi %sign3A_441, %sign3A_444 : i32
    %ne3A_446 = arith.cmpi ne, %sign3A_438, %sign3A_445 : i32
    %rem3A_447 = arith.remsi %add3A_30, %jit3A_430 : i32
    %ne3A_448 = arith.constant 0 : i32
    %ne3A_449 = arith.cmpi ne, %rem3A_447, %ne3A_448 : i32
    %and3A_450 = arith.andi %ne3A_446, %ne3A_449 : i1
    %sub3A_451 = arith.constant 1 : i32
    %sub3A_452 = arith.subi %div3A_431, %sub3A_451 : i32
    %select_n3A_453 = arith.select %and3A_450, %sub3A_452, %div3A_431 : i32
    %mul3A_454 = arith.constant 16 : i32
    %mul3A_455 = arith.muli %mul3A_454, %select_n3A_28 : i32
    %jit3A_456 = arith.constant 8 : i32
    %eq3A_457 = arith.constant 0 : i32
    %eq3A_458 = arith.cmpi eq, %jit3A_456, %eq3A_457 : i32
    %jit3A_459 = arith.constant 1 : i32
    %select_n3A_460 = arith.select %eq3A_458, %jit3A_459, %jit3A_456 : i32
    %rem3A_461 = arith.remsi %add3A_30, %select_n3A_460 : i32
    %ne3A_462 = arith.constant 0 : i32
    %ne3A_463 = arith.cmpi ne, %rem3A_461, %ne3A_462 : i32
    %lt3A_464 = arith.constant 0 : i32
    %lt3A_465 = arith.cmpi slt, %rem3A_461, %lt3A_464 : i32
    %lt3A_466 = arith.constant 0 : i32
    %lt3A_467 = arith.cmpi slt, %select_n3A_460, %lt3A_466 : i32
    %ne3A_468 = arith.xori %lt3A_465, %lt3A_467 : i1
    %and3A_469 = arith.andi %ne3A_468, %ne3A_463 : i1
    %add3A_470 = arith.addi %rem3A_461, %select_n3A_460 : i32
    %select_n3A_471 = arith.select %and3A_469, %add3A_470, %rem3A_461 : i32
    %dma_wait3A = arith.constant 0 : i32
    %dma_wait3A_472 = arith.constant 0 : i32
    %dma_wait3A_473 = tpu.memref_slice %arg2[%dma_wait3A, %select_n3A_453, %mul3A_455, %select_n3A_471, %dma_wait3A_472] : memref<20x2x32x8x128xf32, #tpu.memory_space<hbm>> -> memref<20x1x16x1x128xf32, #tpu.memory_space<hbm>>
    %dma_wait3A_474 = tpu.memref_squeeze %dma_wait3A_473 : memref<20x1x16x1x128xf32, #tpu.memory_space<hbm>> -> memref<20x16x128xf32, #tpu.memory_space<hbm>>
    %dma_wait3A_475 = arith.constant 0 : i32
    %dma_wait3A_476 = arith.constant 0 : i32
    %dma_wait3A_477 = tpu.memref_slice %arg2[%dma_wait3A_475, %select_n3A_453, %mul3A_455, %select_n3A_471, %dma_wait3A_476] : memref<20x2x32x8x128xf32, #tpu.memory_space<hbm>> -> memref<20x1x16x1x128xf32, #tpu.memory_space<hbm>>
    %dma_wait3A_478 = tpu.memref_squeeze %dma_wait3A_477 : memref<20x1x16x1x128xf32, #tpu.memory_space<hbm>> -> memref<20x16x128xf32, #tpu.memory_space<hbm>>
    tpu.wait_dma2 semaphore(%arg35 : memref<!tpu.dma_semaphore, #tpu.memory_space<semaphore_mem>>) src(%dma_wait3A_478 : memref<20x16x128xf32, #tpu.memory_space<hbm>>) dst(%arg15 : memref<20x16x128xf32, #tpu.memory_space<vmem>>)
    %scan3A = arith.constant 0 : i32
    %scan3A_479 = arith.constant 0 : i32
    %scan3A_480 = arith.constant 64 : i32
    %scan3A_481 = arith.addi %scan3A_479, %scan3A_480 : i32
    %scan3A_482 = arith.constant 1 : i32
    %scan3A_483 = scf.for %scan3A_496 = %scan3A_479 to %scan3A_481 step %scan3A_482 iter_args(%scan3A_497 = %scan3A) -> (i32)  : i32 {
      %mul3A_498 = arith.constant 2 : i32
      %mul3A_499 = arith.muli %scan3A_496, %mul3A_498 : i32
      %add3A_500 = arith.constant 0 : i32
      %add3A_501 = arith.addi %mul3A_499, %add3A_500 : i32
      %mul3A_502 = arith.constant 16 : i32
      %mul3A_503 = arith.muli %add3A_501, %mul3A_502 : i32
      %add3A_504 = arith.addi %mul3A_32, %mul3A_503 : i32
      %mul3A_505 = arith.constant 4096 : i32
      %mul3A_506 = arith.muli %add3A_30, %mul3A_505 : i32
      %add3A_507 = arith.addi %mul3A_506, %add3A_504 : i32
      %mul3A_508 = arith.constant 4 : i32
      %mul3A_509 = arith.muli %add3A_507, %mul3A_508 : i32
      %mul3A_510 = arith.constant 16 : i32
      %mul3A_511 = arith.muli %add3A_501, %mul3A_510 : i32
      %add3A_512 = arith.constant 0 : i32
      %add3A_513 = arith.addi %mul3A_511, %add3A_512 : i32
      %get3A = arith.index_cast %add3A_513 : i32 to index
      %get3A_514 = tpu.vector_load %arg18[%get3A] {strides = array<i32>} : memref<2048xi32, #tpu.memory_space<vmem>>, vector<16xi32>,
      %get3A_515 = arith.index_cast %add3A_513 : i32 to index
      %get3A_516 = tpu.vector_load %arg19[%get3A_515] {strides = array<i32>} : memref<2048xi32, #tpu.memory_space<vmem>>, vector<16xi32>,
      %get3A_517 = arith.index_cast %add3A_513 : i32 to index
      %get3A_518 = tpu.vector_load %arg20[%get3A_517] {strides = array<i32>} : memref<2048xi32, #tpu.memory_space<vmem>>, vector<16xi32>,
      %get3A_519 = arith.index_cast %add3A_513 : i32 to index
      %get3A_520 = tpu.vector_load %arg21[%get3A_519] {strides = array<i32>} : memref<2048xi32, #tpu.memory_space<vmem>>, vector<16xi32>,
      %and3A_521 = arith.andi %get3A_518, %get3A_520 : vector<16xi32>
      %ne3A_522 = arith.constant 0 : i32
      %ne3A_523 = vector.broadcast %ne3A_522 : i32 to vector<16xi32>
      %ne3A_524 = arith.cmpi ne, %and3A_521, %ne3A_523 : vector<16xi32>
      %get3A_525 = arith.index_cast %add3A_513 : i32 to index
      %get3A_526 = tpu.vector_load %arg22[%get3A_525] {strides = array<i32>} : memref<2048xi32, #tpu.memory_space<vmem>>, vector<16xi32>,
      %ne3A_527 = arith.constant 0 : i32
      %ne3A_528 = vector.broadcast %ne3A_527 : i32 to vector<16xi32>
      %ne3A_529 = arith.cmpi ne, %get3A_526, %ne3A_528 : vector<16xi32>
      %select_n3A_530 = arith.select %ne3A_529, %get3A_516, %get3A_514 : vector<16xi1>, vector<16xi32>
      %mul3A_531 = arith.constant 16 : i32
      %mul3A_532 = arith.muli %add3A_501, %mul3A_531 : i32
      %add3A_533 = arith.constant 0 : i32
      %add3A_534 = arith.addi %mul3A_532, %add3A_533 : i32
      %add3A_535 = vector.broadcast %add3A_534 : i32 to vector<16xi32>
      %add3A_536 = arith.addi %add3A_535, %iota3A : vector<16xi32>
      %shift_right_arithmetic3A_537 = arith.constant 7 : i32
      %shift_right_arithmetic3A_538 = vector.broadcast %shift_right_arithmetic3A_537 : i32 to vector<16xi32>
      %shift_right_arithmetic3A_539 = arith.shrsi %add3A_536, %shift_right_arithmetic3A_538 : vector<16xi32>
      %and3A_540 = arith.constant 127 : i32
      %and3A_541 = vector.broadcast %and3A_540 : i32 to vector<16xi32>
      %and3A_542 = arith.andi %add3A_536, %and3A_541 : vector<16xi32>
      %gather3A = tpu.vector_load_idx %arg15[%select_n3A_530, %shift_right_arithmetic3A_539, %and3A_542] : memref<20x16x128xf32, #tpu.memory_space<vmem>>[vector<16xi32>, vector<16xi32>, vector<16xi32>], vector<16xf32>,
      %jit3A_543 = arith.constant 0.000000e+00 : f32
      %broadcast_in_dim3A_544 = vector.broadcast %jit3A_543 : f32 to vector<16xf32>
      %select_n3A_545 = arith.select %ne3A_524, %gather3A, %broadcast_in_dim3A_544 : vector<16xi1>, vector<16xf32>
      %swap3A_546 = arith.index_cast %add3A_513 : i32 to index
      %swap3A_547 = tpu.vector_load %arg27[%swap3A_546] {strides = array<i32>} : memref<2048xf32, #tpu.memory_space<vmem>>, vector<16xf32>,
      tpu.vector_store %arg27[%swap3A_546], %select_n3A_545 {strides = array<i32>} : memref<2048xf32, #tpu.memory_space<vmem>>, vector<16xf32>,
      %mul3A_548 = arith.constant 16 : i32
      %mul3A_549 = vector.broadcast %mul3A_548 : i32 to vector<16xi32>
      %mul3A_550 = arith.muli %get3A_514, %mul3A_549 : vector<16xi32>
      %add3A_551 = arith.addi %mul3A_550, %iota3A : vector<16xi32>
      tpu.vector_store_idx %arg28[%add3A_551], %select_n3A_545 {add = true} : memref<512xf32, #tpu.memory_space<vmem>>[vector<16xi32>], vector<16xf32>,
      %jit3A_552 = arith.constant 1.000000e+00 : f32
      %jit3A_553 = arith.constant 0.000000e+00 : f32
      %broadcast_in_dim3A_554 = vector.broadcast %jit3A_552 : f32 to vector<16xf32>
      %broadcast_in_dim3A_555 = vector.broadcast %jit3A_553 : f32 to vector<16xf32>
      %select_n3A_556 = arith.select %ne3A_524, %broadcast_in_dim3A_554, %broadcast_in_dim3A_555 : vector<16xi1>, vector<16xf32>
      %mul3A_557 = arith.constant 16 : i32
      %mul3A_558 = vector.broadcast %mul3A_557 : i32 to vector<16xi32>
      %mul3A_559 = arith.muli %get3A_514, %mul3A_558 : vector<16xi32>
      %add3A_560 = arith.addi %mul3A_559, %iota3A : vector<16xi32>
      tpu.vector_store_idx %arg29[%add3A_560], %select_n3A_556 {add = true} : memref<512xf32, #tpu.memory_space<vmem>>[vector<16xi32>], vector<16xf32>,
      %mul3A_561 = arith.constant 16 : i32
      %mul3A_562 = vector.broadcast %mul3A_561 : i32 to vector<16xi32>
      %mul3A_563 = arith.muli %get3A_516, %mul3A_562 : vector<16xi32>
      %add3A_564 = arith.addi %mul3A_563, %iota3A : vector<16xi32>
      tpu.vector_store_idx %arg29[%add3A_564], %select_n3A_556 {add = true} : memref<512xf32, #tpu.memory_space<vmem>>[vector<16xi32>], vector<16xf32>,
      %select_n3A_565 = arith.select %ne3A_524, %get3A_514, %add3A_429 : vector<16xi1>, vector<16xi32>
      %swap3A_566 = arith.constant 0 : index
      %swap3A_567 = tpu.vector_load %arg23[%swap3A_566] {strides = array<i32>} : memref<128xi32, #tpu.memory_space<vmem>>, vector<16xi32>,
      tpu.vector_store %arg23[%swap3A_566], %select_n3A_565 {strides = array<i32>} : memref<128xi32, #tpu.memory_space<vmem>>, vector<16xi32>,
      %select_n3A_568 = arith.select %ne3A_524, %get3A_516, %add3A_429 : vector<16xi1>, vector<16xi32>
      %swap3A_569 = arith.constant 0 : index
      %swap3A_570 = tpu.vector_load %arg24[%swap3A_569] {strides = array<i32>} : memref<128xi32, #tpu.memory_space<vmem>>, vector<16xi32>,
      tpu.vector_store %arg24[%swap3A_569], %select_n3A_568 {strides = array<i32>} : memref<128xi32, #tpu.memory_space<vmem>>, vector<16xi32>,
      %add3A_571 = arith.constant 0 : i32
      %add3A_572 = vector.broadcast %add3A_571 : i32 to vector<16xi32>
      %add3A_573 = arith.addi %add3A_572, %and3A_420 : vector<16xi32>
      %add3A_574 = arith.constant 0 : i32
      %add3A_575 = vector.broadcast %add3A_574 : i32 to vector<16xi32>
      %add3A_576 = arith.addi %add3A_575, %shift_right_arithmetic3A_422 : vector<16xi32>
      %and3A_577 = arith.constant 3 : i32
      %and3A_578 = vector.broadcast %and3A_577 : i32 to vector<16xi32>
      %and3A_579 = arith.andi %add3A_576, %and3A_578 : vector<16xi32>
      %gather3A_580 = tpu.vector_load_idx %arg23[%add3A_573] : memref<128xi32, #tpu.memory_space<vmem>>[vector<16xi32>], vector<16xi32>,
      %gather3A_581 = tpu.vector_load_idx %arg24[%add3A_573] : memref<128xi32, #tpu.memory_space<vmem>>[vector<16xi32>], vector<16xi32>,
      %mul3A_582 = arith.constant 4 : i32
      %mul3A_583 = vector.broadcast %mul3A_582 : i32 to vector<16xi32>
      %mul3A_584 = arith.muli %gather3A_580, %mul3A_583 : vector<16xi32>
      %add3A_585 = vector.broadcast %mul3A_426 : i32 to vector<16xi32>
      %add3A_586 = arith.addi %add3A_585, %mul3A_584 : vector<16xi32>
      %add3A_587 = arith.addi %add3A_586, %and3A_579 : vector<16xi32>
      %swap3A_588 = arith.constant 0 : i32
      %swap3A_589 = arith.index_cast %swap3A_588 : i32 to index
      %swap3A_590 = arith.constant 0 : index
      %swap3A_591 = tpu.vector_load %arg25[%swap3A_589, %swap3A_590] {strides = array<i32>} : memref<2x64xi32, #tpu.memory_space<vmem>>, vector<16xi32>,
      tpu.vector_store %arg25[%swap3A_589, %swap3A_590], %add3A_587 {strides = array<i32>} : memref<2x64xi32, #tpu.memory_space<vmem>>, vector<16xi32>,
      %mul3A_592 = arith.constant 4 : i32
      %mul3A_593 = vector.broadcast %mul3A_592 : i32 to vector<16xi32>
      %mul3A_594 = arith.muli %gather3A_581, %mul3A_593 : vector<16xi32>
      %add3A_595 = vector.broadcast %mul3A_426 : i32 to vector<16xi32>
      %add3A_596 = arith.addi %add3A_595, %mul3A_594 : vector<16xi32>
      %add3A_597 = arith.addi %add3A_596, %and3A_579 : vector<16xi32>
      %swap3A_598 = arith.constant 0 : i32
      %swap3A_599 = arith.index_cast %swap3A_598 : i32 to index
      %swap3A_600 = arith.constant 0 : index
      %swap3A_601 = tpu.vector_load %arg26[%swap3A_599, %swap3A_600] {strides = array<i32>} : memref<2x64xi32, #tpu.memory_space<vmem>>, vector<16xi32>,
      tpu.vector_store %arg26[%swap3A_599, %swap3A_600], %add3A_597 {strides = array<i32>} : memref<2x64xi32, #tpu.memory_space<vmem>>, vector<16xi32>,
      %add3A_602 = arith.constant 0 : i32
      %add3A_603 = vector.broadcast %add3A_602 : i32 to vector<16xi32>
      %add3A_604 = arith.addi %add3A_603, %and3A_420 : vector<16xi32>
      %add3A_605 = arith.constant 2 : i32
      %add3A_606 = vector.broadcast %add3A_605 : i32 to vector<16xi32>
      %add3A_607 = arith.addi %add3A_606, %shift_right_arithmetic3A_422 : vector<16xi32>
      %and3A_608 = arith.constant 3 : i32
      %and3A_609 = vector.broadcast %and3A_608 : i32 to vector<16xi32>
      %and3A_610 = arith.andi %add3A_607, %and3A_609 : vector<16xi32>
      %gather3A_611 = tpu.vector_load_idx %arg23[%add3A_604] : memref<128xi32, #tpu.memory_space<vmem>>[vector<16xi32>], vector<16xi32>,
      %gather3A_612 = tpu.vector_load_idx %arg24[%add3A_604] : memref<128xi32, #tpu.memory_space<vmem>>[vector<16xi32>], vector<16xi32>,
      %mul3A_613 = arith.constant 4 : i32
      %mul3A_614 = vector.broadcast %mul3A_613 : i32 to vector<16xi32>
      %mul3A_615 = arith.muli %gather3A_611, %mul3A_614 : vector<16xi32>
      %add3A_616 = vector.broadcast %mul3A_426 : i32 to vector<16xi32>
      %add3A_617 = arith.addi %add3A_616, %mul3A_615 : vector<16xi32>
      %add3A_618 = arith.addi %add3A_617, %and3A_610 : vector<16xi32>
      %swap3A_619 = arith.constant 0 : i32
      %swap3A_620 = arith.index_cast %swap3A_619 : i32 to index
      %swap3A_621 = arith.constant 16 : index
      %swap3A_622 = tpu.vector_load %arg25[%swap3A_620, %swap3A_621] {strides = array<i32>} : memref<2x64xi32, #tpu.memory_space<vmem>>, vector<16xi32>,
      tpu.vector_store %arg25[%swap3A_620, %swap3A_621], %add3A_618 {strides = array<i32>} : memref<2x64xi32, #tpu.memory_space<vmem>>, vector<16xi32>,
      %mul3A_623 = arith.constant 4 : i32
      %mul3A_624 = vector.broadcast %mul3A_623 : i32 to vector<16xi32>
      %mul3A_625 = arith.muli %gather3A_612, %mul3A_624 : vector<16xi32>
      %add3A_626 = vector.broadcast %mul3A_426 : i32 to vector<16xi32>
      %add3A_627 = arith.addi %add3A_626, %mul3A_625 : vector<16xi32>
      %add3A_628 = arith.addi %add3A_627, %and3A_610 : vector<16xi32>
      %swap3A_629 = arith.constant 0 : i32
      %swap3A_630 = arith.index_cast %swap3A_629 : i32 to index
      %swap3A_631 = arith.constant 16 : index
      %swap3A_632 = tpu.vector_load %arg26[%swap3A_630, %swap3A_631] {strides = array<i32>} : memref<2x64xi32, #tpu.memory_space<vmem>>, vector<16xi32>,
      tpu.vector_store %arg26[%swap3A_630, %swap3A_631], %add3A_628 {strides = array<i32>} : memref<2x64xi32, #tpu.memory_space<vmem>>, vector<16xi32>,
      %add3A_633 = arith.constant 8 : i32
      %add3A_634 = vector.broadcast %add3A_633 : i32 to vector<16xi32>
      %add3A_635 = arith.addi %add3A_634, %and3A_420 : vector<16xi32>
      %add3A_636 = arith.constant 4 : i32
      %add3A_637 = vector.broadcast %add3A_636 : i32 to vector<16xi32>
      %add3A_638 = arith.addi %add3A_637, %shift_right_arithmetic3A_422 : vector<16xi32>
      %and3A_639 = arith.constant 3 : i32
      %and3A_640 = vector.broadcast %and3A_639 : i32 to vector<16xi32>
      %and3A_641 = arith.andi %add3A_638, %and3A_640 : vector<16xi32>
      %gather3A_642 = tpu.vector_load_idx %arg23[%add3A_635] : memref<128xi32, #tpu.memory_space<vmem>>[vector<16xi32>], vector<16xi32>,
      %gather3A_643 = tpu.vector_load_idx %arg24[%add3A_635] : memref<128xi32, #tpu.memory_space<vmem>>[vector<16xi32>], vector<16xi32>,
      %mul3A_644 = arith.constant 4 : i32
      %mul3A_645 = vector.broadcast %mul3A_644 : i32 to vector<16xi32>
      %mul3A_646 = arith.muli %gather3A_642, %mul3A_645 : vector<16xi32>
      %add3A_647 = vector.broadcast %mul3A_426 : i32 to vector<16xi32>
      %add3A_648 = arith.addi %add3A_647, %mul3A_646 : vector<16xi32>
      %add3A_649 = arith.addi %add3A_648, %and3A_641 : vector<16xi32>
      %swap3A_650 = arith.constant 0 : i32
      %swap3A_651 = arith.index_cast %swap3A_650 : i32 to index
      %swap3A_652 = arith.constant 32 : index
      %swap3A_653 = tpu.vector_load %arg25[%swap3A_651, %swap3A_652] {strides = array<i32>} : memref<2x64xi32, #tpu.memory_space<vmem>>, vector<16xi32>,
      tpu.vector_store %arg25[%swap3A_651, %swap3A_652], %add3A_649 {strides = array<i32>} : memref<2x64xi32, #tpu.memory_space<vmem>>, vector<16xi32>,
      %mul3A_654 = arith.constant 4 : i32
      %mul3A_655 = vector.broadcast %mul3A_654 : i32 to vector<16xi32>
      %mul3A_656 = arith.muli %gather3A_643, %mul3A_655 : vector<16xi32>
      %add3A_657 = vector.broadcast %mul3A_426 : i32 to vector<16xi32>
      %add3A_658 = arith.addi %add3A_657, %mul3A_656 : vector<16xi32>
      %add3A_659 = arith.addi %add3A_658, %and3A_641 : vector<16xi32>
      %swap3A_660 = arith.constant 0 : i32
      %swap3A_661 = arith.index_cast %swap3A_660 : i32 to index
      %swap3A_662 = arith.constant 32 : index
      %swap3A_663 = tpu.vector_load %arg26[%swap3A_661, %swap3A_662] {strides = array<i32>} : memref<2x64xi32, #tpu.memory_space<vmem>>, vector<16xi32>,
      tpu.vector_store %arg26[%swap3A_661, %swap3A_662], %add3A_659 {strides = array<i32>} : memref<2x64xi32, #tpu.memory_space<vmem>>, vector<16xi32>,
      %add3A_664 = arith.constant 8 : i32
      %add3A_665 = vector.broadcast %add3A_664 : i32 to vector<16xi32>
      %add3A_666 = arith.addi %add3A_665, %and3A_420 : vector<16xi32>
      %add3A_667 = arith.constant 6 : i32
      %add3A_668 = vector.broadcast %add3A_667 : i32 to vector<16xi32>
      %add3A_669 = arith.addi %add3A_668, %shift_right_arithmetic3A_422 : vector<16xi32>
      %and3A_670 = arith.constant 3 : i32
      %and3A_671 = vector.broadcast %and3A_670 : i32 to vector<16xi32>
      %and3A_672 = arith.andi %add3A_669, %and3A_671 : vector<16xi32>
      %gather3A_673 = tpu.vector_load_idx %arg23[%add3A_666] : memref<128xi32, #tpu.memory_space<vmem>>[vector<16xi32>], vector<16xi32>,
      %gather3A_674 = tpu.vector_load_idx %arg24[%add3A_666] : memref<128xi32, #tpu.memory_space<vmem>>[vector<16xi32>], vector<16xi32>,
      %mul3A_675 = arith.constant 4 : i32
      %mul3A_676 = vector.broadcast %mul3A_675 : i32 to vector<16xi32>
      %mul3A_677 = arith.muli %gather3A_673, %mul3A_676 : vector<16xi32>
      %add3A_678 = vector.broadcast %mul3A_426 : i32 to vector<16xi32>
      %add3A_679 = arith.addi %add3A_678, %mul3A_677 : vector<16xi32>
      %add3A_680 = arith.addi %add3A_679, %and3A_672 : vector<16xi32>
      %swap3A_681 = arith.constant 0 : i32
      %swap3A_682 = arith.index_cast %swap3A_681 : i32 to index
      %swap3A_683 = arith.constant 48 : index
      %swap3A_684 = tpu.vector_load %arg25[%swap3A_682, %swap3A_683] {strides = array<i32>} : memref<2x64xi32, #tpu.memory_space<vmem>>, vector<16xi32>,
      tpu.vector_store %arg25[%swap3A_682, %swap3A_683], %add3A_680 {strides = array<i32>} : memref<2x64xi32, #tpu.memory_space<vmem>>, vector<16xi32>,
      %mul3A_685 = arith.constant 4 : i32
      %mul3A_686 = vector.broadcast %mul3A_685 : i32 to vector<16xi32>
      %mul3A_687 = arith.muli %gather3A_674, %mul3A_686 : vector<16xi32>
      %add3A_688 = vector.broadcast %mul3A_426 : i32 to vector<16xi32>
      %add3A_689 = arith.addi %add3A_688, %mul3A_687 : vector<16xi32>
      %add3A_690 = arith.addi %add3A_689, %and3A_672 : vector<16xi32>
      %swap3A_691 = arith.constant 0 : i32
      %swap3A_692 = arith.index_cast %swap3A_691 : i32 to index
      %swap3A_693 = arith.constant 48 : index
      %swap3A_694 = tpu.vector_load %arg26[%swap3A_692, %swap3A_693] {strides = array<i32>} : memref<2x64xi32, #tpu.memory_space<vmem>>, vector<16xi32>,
      tpu.vector_store %arg26[%swap3A_692, %swap3A_693], %add3A_690 {strides = array<i32>} : memref<2x64xi32, #tpu.memory_space<vmem>>, vector<16xi32>,
      %dma_wait3A_695 = arith.constant 0 : i32
      %dma_wait3A_696 = arith.constant 0 : i32
      %dma_wait3A_697 = arith.constant 0 : i32
      %dma_wait3A_698 = arith.constant 0 : i32
      %dma_wait3A_699 = tpu.memref_slice %arg16[%dma_wait3A_695, %dma_wait3A_697, %dma_wait3A_698] : memref<2x64x128xf32, #tpu.memory_space<vmem>> -> memref<1x64x128xf32, #tpu.memory_space<vmem>>
      %dma_wait3A_700 = tpu.memref_squeeze %dma_wait3A_699 : memref<1x64x128xf32, #tpu.memory_space<vmem>> -> memref<64x128xf32, #tpu.memory_space<vmem>>
      %dma_wait3A_701 = arith.constant 0 : i32
      %dma_wait3A_702 = tpu.memref_slice %arg8[%mul3A_509, %dma_wait3A_701] : memref<262144x128xf32, #tpu.memory_space<hbm>> -> memref<64x128xf32, #tpu.memory_space<hbm>>
      %dma_wait3A_703 = tpu.memref_slice %arg31[%dma_wait3A_696] : memref<2x!tpu.dma_semaphore, #tpu.memory_space<semaphore_mem>> -> memref<1x!tpu.dma_semaphore, #tpu.memory_space<semaphore_mem>>
      %dma_wait3A_704 = tpu.memref_squeeze %dma_wait3A_703 : memref<1x!tpu.dma_semaphore, #tpu.memory_space<semaphore_mem>> -> memref<!tpu.dma_semaphore, #tpu.memory_space<semaphore_mem>>
      %dma_wait3A_705 = arith.constant 0 : i32
      %dma_wait3A_706 = arith.constant 0 : i32
      %dma_wait3A_707 = tpu.memref_slice %arg16[%dma_wait3A_695, %dma_wait3A_705, %dma_wait3A_706] : memref<2x64x128xf32, #tpu.memory_space<vmem>> -> memref<1x64x128xf32, #tpu.memory_space<vmem>>
      %dma_wait3A_708 = tpu.memref_squeeze %dma_wait3A_707 : memref<1x64x128xf32, #tpu.memory_space<vmem>> -> memref<64x128xf32, #tpu.memory_space<vmem>>
      %dma_wait3A_709 = arith.constant 0 : i32
      %dma_wait3A_710 = tpu.memref_slice %arg8[%mul3A_509, %dma_wait3A_709] : memref<262144x128xf32, #tpu.memory_space<hbm>> -> memref<64x128xf32, #tpu.memory_space<hbm>>
      tpu.wait_dma2 semaphore(%dma_wait3A_704 : memref<!tpu.dma_semaphore, #tpu.memory_space<semaphore_mem>>) src(%dma_wait3A_710 : memref<64x128xf32, #tpu.memory_space<hbm>>) dst(%dma_wait3A_708 : memref<64x128xf32, #tpu.memory_space<vmem>>)
      %dma_wait3A_711 = arith.constant 0 : i32
      %dma_wait3A_712 = arith.constant 0 : i32
      %dma_wait3A_713 = arith.constant 0 : i32
      %dma_wait3A_714 = arith.constant 0 : i32
      %dma_wait3A_715 = tpu.memref_slice %arg17[%dma_wait3A_711, %dma_wait3A_713, %dma_wait3A_714] : memref<2x64x128xf32, #tpu.memory_space<vmem>> -> memref<1x64x128xf32, #tpu.memory_space<vmem>>
      %dma_wait3A_716 = tpu.memref_squeeze %dma_wait3A_715 : memref<1x64x128xf32, #tpu.memory_space<vmem>> -> memref<64x128xf32, #tpu.memory_space<vmem>>
      %dma_wait3A_717 = arith.constant 0 : i32
      %dma_wait3A_718 = tpu.memref_slice %arg9[%mul3A_509, %dma_wait3A_717] : memref<262144x128xf32, #tpu.memory_space<hbm>> -> memref<64x128xf32, #tpu.memory_space<hbm>>
      %dma_wait3A_719 = tpu.memref_slice %arg32[%dma_wait3A_712] : memref<2x!tpu.dma_semaphore, #tpu.memory_space<semaphore_mem>> -> memref<1x!tpu.dma_semaphore, #tpu.memory_space<semaphore_mem>>
      %dma_wait3A_720 = tpu.memref_squeeze %dma_wait3A_719 : memref<1x!tpu.dma_semaphore, #tpu.memory_space<semaphore_mem>> -> memref<!tpu.dma_semaphore, #tpu.memory_space<semaphore_mem>>
      %dma_wait3A_721 = arith.constant 0 : i32
      %dma_wait3A_722 = arith.constant 0 : i32
      %dma_wait3A_723 = tpu.memref_slice %arg17[%dma_wait3A_711, %dma_wait3A_721, %dma_wait3A_722] : memref<2x64x128xf32, #tpu.memory_space<vmem>> -> memref<1x64x128xf32, #tpu.memory_space<vmem>>
      %dma_wait3A_724 = tpu.memref_squeeze %dma_wait3A_723 : memref<1x64x128xf32, #tpu.memory_space<vmem>> -> memref<64x128xf32, #tpu.memory_space<vmem>>
      %dma_wait3A_725 = arith.constant 0 : i32
      %dma_wait3A_726 = tpu.memref_slice %arg9[%mul3A_509, %dma_wait3A_725] : memref<262144x128xf32, #tpu.memory_space<hbm>> -> memref<64x128xf32, #tpu.memory_space<hbm>>
      tpu.wait_dma2 semaphore(%dma_wait3A_720 : memref<!tpu.dma_semaphore, #tpu.memory_space<semaphore_mem>>) src(%dma_wait3A_726 : memref<64x128xf32, #tpu.memory_space<hbm>>) dst(%dma_wait3A_724 : memref<64x128xf32, #tpu.memory_space<vmem>>)
      %dma_start3A_727 = arith.constant 0 : i32
      %dma_start3A_728 = arith.constant 0 : i32
      %dma_start3A_729 = arith.constant 0 : i32
      %dma_start3A_730 = arith.constant 0 : i32
      %dma_start3A_731 = arith.constant 0 : i32
      %dma_start3A_732 = tpu.memref_slice %arg16[%dma_start3A_727, %dma_start3A_730, %dma_start3A_731] : memref<2x64x128xf32, #tpu.memory_space<vmem>> -> memref<1x64x128xf32, #tpu.memory_space<vmem>>
      %dma_start3A_733 = tpu.memref_squeeze %dma_start3A_732 : memref<1x64x128xf32, #tpu.memory_space<vmem>> -> memref<64x128xf32, #tpu.memory_space<vmem>>
      %dma_start3A_734 = arith.constant 0 : i32
      %dma_start3A_735 = tpu.memref_slice %arg25[%dma_start3A_728, %dma_start3A_734] : memref<2x64xi32, #tpu.memory_space<vmem>> -> memref<1x64xi32, #tpu.memory_space<vmem>>
      %dma_start3A_736 = tpu.memref_squeeze %dma_start3A_735 : memref<1x64xi32, #tpu.memory_space<vmem>> -> memref<64xi32, #tpu.memory_space<vmem>>
      %dma_start3A_737 = arith.constant 0 : i32
      %dma_start3A_738 = arith.constant 0 : i32
      %dma_start3A_739 = tpu.memref_slice %arg30[%dma_start3A_737, %dma_start3A_738] : memref<2048x128xf32, #tpu.memory_space<vmem_shared>> -> memref<2048x128xf32, #tpu.memory_space<vmem_shared>>
      %dma_start3A_740 = tpu.memref_slice %arg33[%dma_start3A_729] : memref<2x!tpu.dma_semaphore, #tpu.memory_space<semaphore_mem>> -> memref<1x!tpu.dma_semaphore, #tpu.memory_space<semaphore_mem>>
      %dma_start3A_741 = tpu.memref_squeeze %dma_start3A_740 : memref<1x!tpu.dma_semaphore, #tpu.memory_space<semaphore_mem>> -> memref<!tpu.dma_semaphore, #tpu.memory_space<semaphore_mem>>
      tpu.enqueue_indirect_dma source(%dma_start3A_733 : memref<64x128xf32, #tpu.memory_space<vmem>>) target(%dma_start3A_739 : memref<2048x128xf32, #tpu.memory_space<vmem_shared>>) offsets(%dma_start3A_736 : memref<64xi32, #tpu.memory_space<vmem>>) semaphore(%dma_start3A_741 : memref<!tpu.dma_semaphore, #tpu.memory_space<semaphore_mem>>) {add = true}
      %dma_start3A_742 = arith.constant 0 : i32
      %dma_start3A_743 = arith.constant 0 : i32
      %dma_start3A_744 = arith.constant 0 : i32
      %dma_start3A_745 = arith.constant 0 : i32
      %dma_start3A_746 = arith.constant 0 : i32
      %dma_start3A_747 = tpu.memref_slice %arg17[%dma_start3A_742, %dma_start3A_745, %dma_start3A_746] : memref<2x64x128xf32, #tpu.memory_space<vmem>> -> memref<1x64x128xf32, #tpu.memory_space<vmem>>
      %dma_start3A_748 = tpu.memref_squeeze %dma_start3A_747 : memref<1x64x128xf32, #tpu.memory_space<vmem>> -> memref<64x128xf32, #tpu.memory_space<vmem>>
      %dma_start3A_749 = arith.constant 0 : i32
      %dma_start3A_750 = tpu.memref_slice %arg26[%dma_start3A_743, %dma_start3A_749] : memref<2x64xi32, #tpu.memory_space<vmem>> -> memref<1x64xi32, #tpu.memory_space<vmem>>
      %dma_start3A_751 = tpu.memref_squeeze %dma_start3A_750 : memref<1x64xi32, #tpu.memory_space<vmem>> -> memref<64xi32, #tpu.memory_space<vmem>>
      %dma_start3A_752 = arith.constant 0 : i32
      %dma_start3A_753 = arith.constant 0 : i32
      %dma_start3A_754 = tpu.memref_slice %arg30[%dma_start3A_752, %dma_start3A_753] : memref<2048x128xf32, #tpu.memory_space<vmem_shared>> -> memref<2048x128xf32, #tpu.memory_space<vmem_shared>>
      %dma_start3A_755 = tpu.memref_slice %arg34[%dma_start3A_744] : memref<2x!tpu.dma_semaphore, #tpu.memory_space<semaphore_mem>> -> memref<1x!tpu.dma_semaphore, #tpu.memory_space<semaphore_mem>>
      %dma_start3A_756 = tpu.memref_squeeze %dma_start3A_755 : memref<1x!tpu.dma_semaphore, #tpu.memory_space<semaphore_mem>> -> memref<!tpu.dma_semaphore, #tpu.memory_space<semaphore_mem>>
      tpu.enqueue_indirect_dma source(%dma_start3A_748 : memref<64x128xf32, #tpu.memory_space<vmem>>) target(%dma_start3A_754 : memref<2048x128xf32, #tpu.memory_space<vmem_shared>>) offsets(%dma_start3A_751 : memref<64xi32, #tpu.memory_space<vmem>>) semaphore(%dma_start3A_756 : memref<!tpu.dma_semaphore, #tpu.memory_space<semaphore_mem>>) {add = true}
      %dma_wait3A_757 = arith.constant 0 : i32
      %dma_wait3A_758 = arith.constant 0 : i32
      %dma_wait3A_759 = arith.constant 0 : i32
      %dma_wait3A_760 = arith.constant 0 : i32
      %dma_wait3A_761 = arith.constant 0 : i32
      %dma_wait3A_762 = tpu.memref_slice %arg16[%dma_wait3A_757, %dma_wait3A_760, %dma_wait3A_761] : memref<2x64x128xf32, #tpu.memory_space<vmem>> -> memref<1x64x128xf32, #tpu.memory_space<vmem>>
      %dma_wait3A_763 = tpu.memref_squeeze %dma_wait3A_762 : memref<1x64x128xf32, #tpu.memory_space<vmem>> -> memref<64x128xf32, #tpu.memory_space<vmem>>
      %dma_wait3A_764 = arith.constant 0 : i32
      %dma_wait3A_765 = tpu.memref_slice %arg25[%dma_wait3A_758, %dma_wait3A_764] : memref<2x64xi32, #tpu.memory_space<vmem>> -> memref<1x64xi32, #tpu.memory_space<vmem>>
      %dma_wait3A_766 = tpu.memref_squeeze %dma_wait3A_765 : memref<1x64xi32, #tpu.memory_space<vmem>> -> memref<64xi32, #tpu.memory_space<vmem>>
      %dma_wait3A_767 = arith.constant 0 : i32
      %dma_wait3A_768 = arith.constant 0 : i32
      %dma_wait3A_769 = tpu.memref_slice %arg30[%dma_wait3A_767, %dma_wait3A_768] : memref<2048x128xf32, #tpu.memory_space<vmem_shared>> -> memref<2048x128xf32, #tpu.memory_space<vmem_shared>>
      %dma_wait3A_770 = tpu.memref_slice %arg33[%dma_wait3A_759] : memref<2x!tpu.dma_semaphore, #tpu.memory_space<semaphore_mem>> -> memref<1x!tpu.dma_semaphore, #tpu.memory_space<semaphore_mem>>
      %dma_wait3A_771 = tpu.memref_squeeze %dma_wait3A_770 : memref<1x!tpu.dma_semaphore, #tpu.memory_space<semaphore_mem>> -> memref<!tpu.dma_semaphore, #tpu.memory_space<semaphore_mem>>
      tpu.wait_indirect_dma semaphore(%dma_wait3A_771 : memref<!tpu.dma_semaphore, #tpu.memory_space<semaphore_mem>>) src(%dma_wait3A_763 : memref<64x128xf32, #tpu.memory_space<vmem>>) dst(%dma_wait3A_769 : memref<2048x128xf32, #tpu.memory_space<vmem_shared>>)
      %dma_wait3A_772 = arith.constant 0 : i32
      %dma_wait3A_773 = arith.constant 0 : i32
      %dma_wait3A_774 = arith.constant 0 : i32
      %dma_wait3A_775 = arith.constant 0 : i32
      %dma_wait3A_776 = arith.constant 0 : i32
      %dma_wait3A_777 = tpu.memref_slice %arg17[%dma_wait3A_772, %dma_wait3A_775, %dma_wait3A_776] : memref<2x64x128xf32, #tpu.memory_space<vmem>> -> memref<1x64x128xf32, #tpu.memory_space<vmem>>
      %dma_wait3A_778 = tpu.memref_squeeze %dma_wait3A_777 : memref<1x64x128xf32, #tpu.memory_space<vmem>> -> memref<64x128xf32, #tpu.memory_space<vmem>>
      %dma_wait3A_779 = arith.constant 0 : i32
      %dma_wait3A_780 = tpu.memref_slice %arg26[%dma_wait3A_773, %dma_wait3A_779] : memref<2x64xi32, #tpu.memory_space<vmem>> -> memref<1x64xi32, #tpu.memory_space<vmem>>
      %dma_wait3A_781 = tpu.memref_squeeze %dma_wait3A_780 : memref<1x64xi32, #tpu.memory_space<vmem>> -> memref<64xi32, #tpu.memory_space<vmem>>
      %dma_wait3A_782 = arith.constant 0 : i32
      %dma_wait3A_783 = arith.constant 0 : i32
      %dma_wait3A_784 = tpu.memref_slice %arg30[%dma_wait3A_782, %dma_wait3A_783] : memref<2048x128xf32, #tpu.memory_space<vmem_shared>> -> memref<2048x128xf32, #tpu.memory_space<vmem_shared>>
      %dma_wait3A_785 = tpu.memref_slice %arg34[%dma_wait3A_774] : memref<2x!tpu.dma_semaphore, #tpu.memory_space<semaphore_mem>> -> memref<1x!tpu.dma_semaphore, #tpu.memory_space<semaphore_mem>>
      %dma_wait3A_786 = tpu.memref_squeeze %dma_wait3A_785 : memref<1x!tpu.dma_semaphore, #tpu.memory_space<semaphore_mem>> -> memref<!tpu.dma_semaphore, #tpu.memory_space<semaphore_mem>>
      tpu.wait_indirect_dma semaphore(%dma_wait3A_786 : memref<!tpu.dma_semaphore, #tpu.memory_space<semaphore_mem>>) src(%dma_wait3A_778 : memref<64x128xf32, #tpu.memory_space<vmem>>) dst(%dma_wait3A_784 : memref<2048x128xf32, #tpu.memory_space<vmem_shared>>)
      %add3A_787 = arith.constant 128 : i32
      %add3A_788 = arith.addi %mul3A_509, %add3A_787 : i32
      %add3A_789 = arith.constant 2 : i32
      %add3A_790 = arith.addi %add3A_501, %add3A_789 : i32
      %lt3A_791 = arith.constant 128 : i32
      %lt3A_792 = arith.cmpi slt, %add3A_790, %lt3A_791 : i32
      %convert_element_type3A = arith.extui %lt3A_792 : i1 to i32
      %cond3A = arith.constant 0 : i32
      %cond3A_793 = arith.cmpi ne, %convert_element_type3A, %cond3A : i32
      scf.if %cond3A_793 {
        %dma_start3A_1095 = arith.constant 0 : i32
        %dma_start3A_1096 = arith.constant 0 : i32
        %dma_start3A_1097 = arith.constant 0 : i32
        %dma_start3A_1098 = arith.constant 0 : i32
        %dma_start3A_1099 = tpu.memref_slice %arg16[%dma_start3A_1095, %dma_start3A_1097, %dma_start3A_1098] : memref<2x64x128xf32, #tpu.memory_space<vmem>> -> memref<1x64x128xf32, #tpu.memory_space<vmem>>
        %dma_start3A_1100 = tpu.memref_squeeze %dma_start3A_1099 : memref<1x64x128xf32, #tpu.memory_space<vmem>> -> memref<64x128xf32, #tpu.memory_space<vmem>>
        %dma_start3A_1101 = arith.constant 0 : i32
        %dma_start3A_1102 = tpu.memref_slice %arg8[%add3A_788, %dma_start3A_1101] : memref<262144x128xf32, #tpu.memory_space<hbm>> -> memref<64x128xf32, #tpu.memory_space<hbm>>
        %dma_start3A_1103 = tpu.memref_slice %arg31[%dma_start3A_1096] : memref<2x!tpu.dma_semaphore, #tpu.memory_space<semaphore_mem>> -> memref<1x!tpu.dma_semaphore, #tpu.memory_space<semaphore_mem>>
        %dma_start3A_1104 = tpu.memref_squeeze %dma_start3A_1103 : memref<1x!tpu.dma_semaphore, #tpu.memory_space<semaphore_mem>> -> memref<!tpu.dma_semaphore, #tpu.memory_space<semaphore_mem>>
        %dma_start3A_1105 = arith.constant 0 : i32
        %dma_start3A_1106 = arith.constant 0 : i32
        %dma_start3A_1107 = tpu.memref_slice %arg16[%dma_start3A_1095, %dma_start3A_1105, %dma_start3A_1106] : memref<2x64x128xf32, #tpu.memory_space<vmem>> -> memref<1x64x128xf32, #tpu.memory_space<vmem>>
        %dma_start3A_1108 = tpu.memref_squeeze %dma_start3A_1107 : memref<1x64x128xf32, #tpu.memory_space<vmem>> -> memref<64x128xf32, #tpu.memory_space<vmem>>
        %dma_start3A_1109 = arith.constant 0 : i32
        %dma_start3A_1110 = tpu.memref_slice %arg8[%add3A_788, %dma_start3A_1109] : memref<262144x128xf32, #tpu.memory_space<hbm>> -> memref<64x128xf32, #tpu.memory_space<hbm>>
        tpu.enqueue_dma source(%dma_start3A_1110 : memref<64x128xf32, #tpu.memory_space<hbm>>) target(%dma_start3A_1108 : memref<64x128xf32, #tpu.memory_space<vmem>>) target_semaphore(%dma_start3A_1104 : memref<!tpu.dma_semaphore, #tpu.memory_space<semaphore_mem>>)
        %dma_start3A_1111 = arith.constant 0 : i32
        %dma_start3A_1112 = arith.constant 0 : i32
        %dma_start3A_1113 = arith.constant 0 : i32
        %dma_start3A_1114 = arith.constant 0 : i32
        %dma_start3A_1115 = tpu.memref_slice %arg17[%dma_start3A_1111, %dma_start3A_1113, %dma_start3A_1114] : memref<2x64x128xf32, #tpu.memory_space<vmem>> -> memref<1x64x128xf32, #tpu.memory_space<vmem>>
        %dma_start3A_1116 = tpu.memref_squeeze %dma_start3A_1115 : memref<1x64x128xf32, #tpu.memory_space<vmem>> -> memref<64x128xf32, #tpu.memory_space<vmem>>
        %dma_start3A_1117 = arith.constant 0 : i32
        %dma_start3A_1118 = tpu.memref_slice %arg9[%add3A_788, %dma_start3A_1117] : memref<262144x128xf32, #tpu.memory_space<hbm>> -> memref<64x128xf32, #tpu.memory_space<hbm>>
        %dma_start3A_1119 = tpu.memref_slice %arg32[%dma_start3A_1112] : memref<2x!tpu.dma_semaphore, #tpu.memory_space<semaphore_mem>> -> memref<1x!tpu.dma_semaphore, #tpu.memory_space<semaphore_mem>>
        %dma_start3A_1120 = tpu.memref_squeeze %dma_start3A_1119 : memref<1x!tpu.dma_semaphore, #tpu.memory_space<semaphore_mem>> -> memref<!tpu.dma_semaphore, #tpu.memory_space<semaphore_mem>>
        %dma_start3A_1121 = arith.constant 0 : i32
        %dma_start3A_1122 = arith.constant 0 : i32
        %dma_start3A_1123 = tpu.memref_slice %arg17[%dma_start3A_1111, %dma_start3A_1121, %dma_start3A_1122] : memref<2x64x128xf32, #tpu.memory_space<vmem>> -> memref<1x64x128xf32, #tpu.memory_space<vmem>>
        %dma_start3A_1124 = tpu.memref_squeeze %dma_start3A_1123 : memref<1x64x128xf32, #tpu.memory_space<vmem>> -> memref<64x128xf32, #tpu.memory_space<vmem>>
        %dma_start3A_1125 = arith.constant 0 : i32
        %dma_start3A_1126 = tpu.memref_slice %arg9[%add3A_788, %dma_start3A_1125] : memref<262144x128xf32, #tpu.memory_space<hbm>> -> memref<64x128xf32, #tpu.memory_space<hbm>>
        tpu.enqueue_dma source(%dma_start3A_1126 : memref<64x128xf32, #tpu.memory_space<hbm>>) target(%dma_start3A_1124 : memref<64x128xf32, #tpu.memory_space<vmem>>) target_semaphore(%dma_start3A_1120 : memref<!tpu.dma_semaphore, #tpu.memory_space<semaphore_mem>>)
      } else {
      }
      %mul3A_794 = arith.constant 2 : i32
      %mul3A_795 = arith.muli %scan3A_496, %mul3A_794 : i32
      %add3A_796 = arith.constant 1 : i32
      %add3A_797 = arith.addi %mul3A_795, %add3A_796 : i32
      %mul3A_798 = arith.constant 16 : i32
      %mul3A_799 = arith.muli %add3A_797, %mul3A_798 : i32
      %add3A_800 = arith.addi %mul3A_32, %mul3A_799 : i32
      %mul3A_801 = arith.constant 4096 : i32
      %mul3A_802 = arith.muli %add3A_30, %mul3A_801 : i32
      %add3A_803 = arith.addi %mul3A_802, %add3A_800 : i32
      %mul3A_804 = arith.constant 4 : i32
      %mul3A_805 = arith.muli %add3A_803, %mul3A_804 : i32
      %mul3A_806 = arith.constant 16 : i32
      %mul3A_807 = arith.muli %add3A_797, %mul3A_806 : i32
      %add3A_808 = arith.constant 0 : i32
      %add3A_809 = arith.addi %mul3A_807, %add3A_808 : i32
      %get3A_810 = arith.index_cast %add3A_809 : i32 to index
      %get3A_811 = tpu.vector_load %arg18[%get3A_810] {strides = array<i32>} : memref<2048xi32, #tpu.memory_space<vmem>>, vector<16xi32>,
      %get3A_812 = arith.index_cast %add3A_809 : i32 to index
      %get3A_813 = tpu.vector_load %arg19[%get3A_812] {strides = array<i32>} : memref<2048xi32, #tpu.memory_space<vmem>>, vector<16xi32>,
      %get3A_814 = arith.index_cast %add3A_809 : i32 to index
      %get3A_815 = tpu.vector_load %arg20[%get3A_814] {strides = array<i32>} : memref<2048xi32, #tpu.memory_space<vmem>>, vector<16xi32>,
      %get3A_816 = arith.index_cast %add3A_809 : i32 to index
      %get3A_817 = tpu.vector_load %arg21[%get3A_816] {strides = array<i32>} : memref<2048xi32, #tpu.memory_space<vmem>>, vector<16xi32>,
      %and3A_818 = arith.andi %get3A_815, %get3A_817 : vector<16xi32>
      %ne3A_819 = arith.constant 0 : i32
      %ne3A_820 = vector.broadcast %ne3A_819 : i32 to vector<16xi32>
      %ne3A_821 = arith.cmpi ne, %and3A_818, %ne3A_820 : vector<16xi32>
      %get3A_822 = arith.index_cast %add3A_809 : i32 to index
      %get3A_823 = tpu.vector_load %arg22[%get3A_822] {strides = array<i32>} : memref<2048xi32, #tpu.memory_space<vmem>>, vector<16xi32>,
      %ne3A_824 = arith.constant 0 : i32
      %ne3A_825 = vector.broadcast %ne3A_824 : i32 to vector<16xi32>
      %ne3A_826 = arith.cmpi ne, %get3A_823, %ne3A_825 : vector<16xi32>
      %select_n3A_827 = arith.select %ne3A_826, %get3A_813, %get3A_811 : vector<16xi1>, vector<16xi32>
      %mul3A_828 = arith.constant 16 : i32
      %mul3A_829 = arith.muli %add3A_797, %mul3A_828 : i32
      %add3A_830 = arith.constant 0 : i32
      %add3A_831 = arith.addi %mul3A_829, %add3A_830 : i32
      %add3A_832 = vector.broadcast %add3A_831 : i32 to vector<16xi32>
      %add3A_833 = arith.addi %add3A_832, %iota3A : vector<16xi32>
      %shift_right_arithmetic3A_834 = arith.constant 7 : i32
      %shift_right_arithmetic3A_835 = vector.broadcast %shift_right_arithmetic3A_834 : i32 to vector<16xi32>
      %shift_right_arithmetic3A_836 = arith.shrsi %add3A_833, %shift_right_arithmetic3A_835 : vector<16xi32>
      %and3A_837 = arith.constant 127 : i32
      %and3A_838 = vector.broadcast %and3A_837 : i32 to vector<16xi32>
      %and3A_839 = arith.andi %add3A_833, %and3A_838 : vector<16xi32>
      %gather3A_840 = tpu.vector_load_idx %arg15[%select_n3A_827, %shift_right_arithmetic3A_836, %and3A_839] : memref<20x16x128xf32, #tpu.memory_space<vmem>>[vector<16xi32>, vector<16xi32>, vector<16xi32>], vector<16xf32>,
      %jit3A_841 = arith.constant 0.000000e+00 : f32
      %broadcast_in_dim3A_842 = vector.broadcast %jit3A_841 : f32 to vector<16xf32>
      %select_n3A_843 = arith.select %ne3A_821, %gather3A_840, %broadcast_in_dim3A_842 : vector<16xi1>, vector<16xf32>
      %swap3A_844 = arith.index_cast %add3A_809 : i32 to index
      %swap3A_845 = tpu.vector_load %arg27[%swap3A_844] {strides = array<i32>} : memref<2048xf32, #tpu.memory_space<vmem>>, vector<16xf32>,
      tpu.vector_store %arg27[%swap3A_844], %select_n3A_843 {strides = array<i32>} : memref<2048xf32, #tpu.memory_space<vmem>>, vector<16xf32>,
      %mul3A_846 = arith.constant 16 : i32
      %mul3A_847 = vector.broadcast %mul3A_846 : i32 to vector<16xi32>
      %mul3A_848 = arith.muli %get3A_811, %mul3A_847 : vector<16xi32>
      %add3A_849 = arith.addi %mul3A_848, %iota3A : vector<16xi32>
      tpu.vector_store_idx %arg28[%add3A_849], %select_n3A_843 {add = true} : memref<512xf32, #tpu.memory_space<vmem>>[vector<16xi32>], vector<16xf32>,
      %jit3A_850 = arith.constant 1.000000e+00 : f32
      %jit3A_851 = arith.constant 0.000000e+00 : f32
      %broadcast_in_dim3A_852 = vector.broadcast %jit3A_850 : f32 to vector<16xf32>
      %broadcast_in_dim3A_853 = vector.broadcast %jit3A_851 : f32 to vector<16xf32>
      %select_n3A_854 = arith.select %ne3A_821, %broadcast_in_dim3A_852, %broadcast_in_dim3A_853 : vector<16xi1>, vector<16xf32>
      %mul3A_855 = arith.constant 16 : i32
      %mul3A_856 = vector.broadcast %mul3A_855 : i32 to vector<16xi32>
      %mul3A_857 = arith.muli %get3A_811, %mul3A_856 : vector<16xi32>
      %add3A_858 = arith.addi %mul3A_857, %iota3A : vector<16xi32>
      tpu.vector_store_idx %arg29[%add3A_858], %select_n3A_854 {add = true} : memref<512xf32, #tpu.memory_space<vmem>>[vector<16xi32>], vector<16xf32>,
      %mul3A_859 = arith.constant 16 : i32
      %mul3A_860 = vector.broadcast %mul3A_859 : i32 to vector<16xi32>
      %mul3A_861 = arith.muli %get3A_813, %mul3A_860 : vector<16xi32>
      %add3A_862 = arith.addi %mul3A_861, %iota3A : vector<16xi32>
      tpu.vector_store_idx %arg29[%add3A_862], %select_n3A_854 {add = true} : memref<512xf32, #tpu.memory_space<vmem>>[vector<16xi32>], vector<16xf32>,
      %select_n3A_863 = arith.select %ne3A_821, %get3A_811, %add3A_429 : vector<16xi1>, vector<16xi32>
      %swap3A_864 = arith.constant 0 : index
      %swap3A_865 = tpu.vector_load %arg23[%swap3A_864] {strides = array<i32>} : memref<128xi32, #tpu.memory_space<vmem>>, vector<16xi32>,
      tpu.vector_store %arg23[%swap3A_864], %select_n3A_863 {strides = array<i32>} : memref<128xi32, #tpu.memory_space<vmem>>, vector<16xi32>,
      %select_n3A_866 = arith.select %ne3A_821, %get3A_813, %add3A_429 : vector<16xi1>, vector<16xi32>
      %swap3A_867 = arith.constant 0 : index
      %swap3A_868 = tpu.vector_load %arg24[%swap3A_867] {strides = array<i32>} : memref<128xi32, #tpu.memory_space<vmem>>, vector<16xi32>,
      tpu.vector_store %arg24[%swap3A_867], %select_n3A_866 {strides = array<i32>} : memref<128xi32, #tpu.memory_space<vmem>>, vector<16xi32>,
      %add3A_869 = arith.constant 0 : i32
      %add3A_870 = vector.broadcast %add3A_869 : i32 to vector<16xi32>
      %add3A_871 = arith.addi %add3A_870, %and3A_420 : vector<16xi32>
      %add3A_872 = arith.constant 0 : i32
      %add3A_873 = vector.broadcast %add3A_872 : i32 to vector<16xi32>
      %add3A_874 = arith.addi %add3A_873, %shift_right_arithmetic3A_422 : vector<16xi32>
      %and3A_875 = arith.constant 3 : i32
      %and3A_876 = vector.broadcast %and3A_875 : i32 to vector<16xi32>
      %and3A_877 = arith.andi %add3A_874, %and3A_876 : vector<16xi32>
      %gather3A_878 = tpu.vector_load_idx %arg23[%add3A_871] : memref<128xi32, #tpu.memory_space<vmem>>[vector<16xi32>], vector<16xi32>,
      %gather3A_879 = tpu.vector_load_idx %arg24[%add3A_871] : memref<128xi32, #tpu.memory_space<vmem>>[vector<16xi32>], vector<16xi32>,
      %mul3A_880 = arith.constant 4 : i32
      %mul3A_881 = vector.broadcast %mul3A_880 : i32 to vector<16xi32>
      %mul3A_882 = arith.muli %gather3A_878, %mul3A_881 : vector<16xi32>
      %add3A_883 = vector.broadcast %mul3A_426 : i32 to vector<16xi32>
      %add3A_884 = arith.addi %add3A_883, %mul3A_882 : vector<16xi32>
      %add3A_885 = arith.addi %add3A_884, %and3A_877 : vector<16xi32>
      %swap3A_886 = arith.constant 1 : i32
      %swap3A_887 = arith.index_cast %swap3A_886 : i32 to index
      %swap3A_888 = arith.constant 0 : index
      %swap3A_889 = tpu.vector_load %arg25[%swap3A_887, %swap3A_888] {strides = array<i32>} : memref<2x64xi32, #tpu.memory_space<vmem>>, vector<16xi32>,
      tpu.vector_store %arg25[%swap3A_887, %swap3A_888], %add3A_885 {strides = array<i32>} : memref<2x64xi32, #tpu.memory_space<vmem>>, vector<16xi32>,
      %mul3A_890 = arith.constant 4 : i32
      %mul3A_891 = vector.broadcast %mul3A_890 : i32 to vector<16xi32>
      %mul3A_892 = arith.muli %gather3A_879, %mul3A_891 : vector<16xi32>
      %add3A_893 = vector.broadcast %mul3A_426 : i32 to vector<16xi32>
      %add3A_894 = arith.addi %add3A_893, %mul3A_892 : vector<16xi32>
      %add3A_895 = arith.addi %add3A_894, %and3A_877 : vector<16xi32>
      %swap3A_896 = arith.constant 1 : i32
      %swap3A_897 = arith.index_cast %swap3A_896 : i32 to index
      %swap3A_898 = arith.constant 0 : index
      %swap3A_899 = tpu.vector_load %arg26[%swap3A_897, %swap3A_898] {strides = array<i32>} : memref<2x64xi32, #tpu.memory_space<vmem>>, vector<16xi32>,
      tpu.vector_store %arg26[%swap3A_897, %swap3A_898], %add3A_895 {strides = array<i32>} : memref<2x64xi32, #tpu.memory_space<vmem>>, vector<16xi32>,
      %add3A_900 = arith.constant 0 : i32
      %add3A_901 = vector.broadcast %add3A_900 : i32 to vector<16xi32>
      %add3A_902 = arith.addi %add3A_901, %and3A_420 : vector<16xi32>
      %add3A_903 = arith.constant 2 : i32
      %add3A_904 = vector.broadcast %add3A_903 : i32 to vector<16xi32>
      %add3A_905 = arith.addi %add3A_904, %shift_right_arithmetic3A_422 : vector<16xi32>
      %and3A_906 = arith.constant 3 : i32
      %and3A_907 = vector.broadcast %and3A_906 : i32 to vector<16xi32>
      %and3A_908 = arith.andi %add3A_905, %and3A_907 : vector<16xi32>
      %gather3A_909 = tpu.vector_load_idx %arg23[%add3A_902] : memref<128xi32, #tpu.memory_space<vmem>>[vector<16xi32>], vector<16xi32>,
      %gather3A_910 = tpu.vector_load_idx %arg24[%add3A_902] : memref<128xi32, #tpu.memory_space<vmem>>[vector<16xi32>], vector<16xi32>,
      %mul3A_911 = arith.constant 4 : i32
      %mul3A_912 = vector.broadcast %mul3A_911 : i32 to vector<16xi32>
      %mul3A_913 = arith.muli %gather3A_909, %mul3A_912 : vector<16xi32>
      %add3A_914 = vector.broadcast %mul3A_426 : i32 to vector<16xi32>
      %add3A_915 = arith.addi %add3A_914, %mul3A_913 : vector<16xi32>
      %add3A_916 = arith.addi %add3A_915, %and3A_908 : vector<16xi32>
      %swap3A_917 = arith.constant 1 : i32
      %swap3A_918 = arith.index_cast %swap3A_917 : i32 to index
      %swap3A_919 = arith.constant 16 : index
      %swap3A_920 = tpu.vector_load %arg25[%swap3A_918, %swap3A_919] {strides = array<i32>} : memref<2x64xi32, #tpu.memory_space<vmem>>, vector<16xi32>,
      tpu.vector_store %arg25[%swap3A_918, %swap3A_919], %add3A_916 {strides = array<i32>} : memref<2x64xi32, #tpu.memory_space<vmem>>, vector<16xi32>,
      %mul3A_921 = arith.constant 4 : i32
      %mul3A_922 = vector.broadcast %mul3A_921 : i32 to vector<16xi32>
      %mul3A_923 = arith.muli %gather3A_910, %mul3A_922 : vector<16xi32>
      %add3A_924 = vector.broadcast %mul3A_426 : i32 to vector<16xi32>
      %add3A_925 = arith.addi %add3A_924, %mul3A_923 : vector<16xi32>
      %add3A_926 = arith.addi %add3A_925, %and3A_908 : vector<16xi32>
      %swap3A_927 = arith.constant 1 : i32
      %swap3A_928 = arith.index_cast %swap3A_927 : i32 to index
      %swap3A_929 = arith.constant 16 : index
      %swap3A_930 = tpu.vector_load %arg26[%swap3A_928, %swap3A_929] {strides = array<i32>} : memref<2x64xi32, #tpu.memory_space<vmem>>, vector<16xi32>,
      tpu.vector_store %arg26[%swap3A_928, %swap3A_929], %add3A_926 {strides = array<i32>} : memref<2x64xi32, #tpu.memory_space<vmem>>, vector<16xi32>,
      %add3A_931 = arith.constant 8 : i32
      %add3A_932 = vector.broadcast %add3A_931 : i32 to vector<16xi32>
      %add3A_933 = arith.addi %add3A_932, %and3A_420 : vector<16xi32>
      %add3A_934 = arith.constant 4 : i32
      %add3A_935 = vector.broadcast %add3A_934 : i32 to vector<16xi32>
      %add3A_936 = arith.addi %add3A_935, %shift_right_arithmetic3A_422 : vector<16xi32>
      %and3A_937 = arith.constant 3 : i32
      %and3A_938 = vector.broadcast %and3A_937 : i32 to vector<16xi32>
      %and3A_939 = arith.andi %add3A_936, %and3A_938 : vector<16xi32>
      %gather3A_940 = tpu.vector_load_idx %arg23[%add3A_933] : memref<128xi32, #tpu.memory_space<vmem>>[vector<16xi32>], vector<16xi32>,
      %gather3A_941 = tpu.vector_load_idx %arg24[%add3A_933] : memref<128xi32, #tpu.memory_space<vmem>>[vector<16xi32>], vector<16xi32>,
      %mul3A_942 = arith.constant 4 : i32
      %mul3A_943 = vector.broadcast %mul3A_942 : i32 to vector<16xi32>
      %mul3A_944 = arith.muli %gather3A_940, %mul3A_943 : vector<16xi32>
      %add3A_945 = vector.broadcast %mul3A_426 : i32 to vector<16xi32>
      %add3A_946 = arith.addi %add3A_945, %mul3A_944 : vector<16xi32>
      %add3A_947 = arith.addi %add3A_946, %and3A_939 : vector<16xi32>
      %swap3A_948 = arith.constant 1 : i32
      %swap3A_949 = arith.index_cast %swap3A_948 : i32 to index
      %swap3A_950 = arith.constant 32 : index
      %swap3A_951 = tpu.vector_load %arg25[%swap3A_949, %swap3A_950] {strides = array<i32>} : memref<2x64xi32, #tpu.memory_space<vmem>>, vector<16xi32>,
      tpu.vector_store %arg25[%swap3A_949, %swap3A_950], %add3A_947 {strides = array<i32>} : memref<2x64xi32, #tpu.memory_space<vmem>>, vector<16xi32>,
      %mul3A_952 = arith.constant 4 : i32
      %mul3A_953 = vector.broadcast %mul3A_952 : i32 to vector<16xi32>
      %mul3A_954 = arith.muli %gather3A_941, %mul3A_953 : vector<16xi32>
      %add3A_955 = vector.broadcast %mul3A_426 : i32 to vector<16xi32>
      %add3A_956 = arith.addi %add3A_955, %mul3A_954 : vector<16xi32>
      %add3A_957 = arith.addi %add3A_956, %and3A_939 : vector<16xi32>
      %swap3A_958 = arith.constant 1 : i32
      %swap3A_959 = arith.index_cast %swap3A_958 : i32 to index
      %swap3A_960 = arith.constant 32 : index
      %swap3A_961 = tpu.vector_load %arg26[%swap3A_959, %swap3A_960] {strides = array<i32>} : memref<2x64xi32, #tpu.memory_space<vmem>>, vector<16xi32>,
      tpu.vector_store %arg26[%swap3A_959, %swap3A_960], %add3A_957 {strides = array<i32>} : memref<2x64xi32, #tpu.memory_space<vmem>>, vector<16xi32>,
      %add3A_962 = arith.constant 8 : i32
      %add3A_963 = vector.broadcast %add3A_962 : i32 to vector<16xi32>
      %add3A_964 = arith.addi %add3A_963, %and3A_420 : vector<16xi32>
      %add3A_965 = arith.constant 6 : i32
      %add3A_966 = vector.broadcast %add3A_965 : i32 to vector<16xi32>
      %add3A_967 = arith.addi %add3A_966, %shift_right_arithmetic3A_422 : vector<16xi32>
      %and3A_968 = arith.constant 3 : i32
      %and3A_969 = vector.broadcast %and3A_968 : i32 to vector<16xi32>
      %and3A_970 = arith.andi %add3A_967, %and3A_969 : vector<16xi32>
      %gather3A_971 = tpu.vector_load_idx %arg23[%add3A_964] : memref<128xi32, #tpu.memory_space<vmem>>[vector<16xi32>], vector<16xi32>,
      %gather3A_972 = tpu.vector_load_idx %arg24[%add3A_964] : memref<128xi32, #tpu.memory_space<vmem>>[vector<16xi32>], vector<16xi32>,
      %mul3A_973 = arith.constant 4 : i32
      %mul3A_974 = vector.broadcast %mul3A_973 : i32 to vector<16xi32>
      %mul3A_975 = arith.muli %gather3A_971, %mul3A_974 : vector<16xi32>
      %add3A_976 = vector.broadcast %mul3A_426 : i32 to vector<16xi32>
      %add3A_977 = arith.addi %add3A_976, %mul3A_975 : vector<16xi32>
      %add3A_978 = arith.addi %add3A_977, %and3A_970 : vector<16xi32>
      %swap3A_979 = arith.constant 1 : i32
      %swap3A_980 = arith.index_cast %swap3A_979 : i32 to index
      %swap3A_981 = arith.constant 48 : index
      %swap3A_982 = tpu.vector_load %arg25[%swap3A_980, %swap3A_981] {strides = array<i32>} : memref<2x64xi32, #tpu.memory_space<vmem>>, vector<16xi32>,
      tpu.vector_store %arg25[%swap3A_980, %swap3A_981], %add3A_978 {strides = array<i32>} : memref<2x64xi32, #tpu.memory_space<vmem>>, vector<16xi32>,
      %mul3A_983 = arith.constant 4 : i32
      %mul3A_984 = vector.broadcast %mul3A_983 : i32 to vector<16xi32>
      %mul3A_985 = arith.muli %gather3A_972, %mul3A_984 : vector<16xi32>
      %add3A_986 = vector.broadcast %mul3A_426 : i32 to vector<16xi32>
      %add3A_987 = arith.addi %add3A_986, %mul3A_985 : vector<16xi32>
      %add3A_988 = arith.addi %add3A_987, %and3A_970 : vector<16xi32>
      %swap3A_989 = arith.constant 1 : i32
      %swap3A_990 = arith.index_cast %swap3A_989 : i32 to index
      %swap3A_991 = arith.constant 48 : index
      %swap3A_992 = tpu.vector_load %arg26[%swap3A_990, %swap3A_991] {strides = array<i32>} : memref<2x64xi32, #tpu.memory_space<vmem>>, vector<16xi32>,
      tpu.vector_store %arg26[%swap3A_990, %swap3A_991], %add3A_988 {strides = array<i32>} : memref<2x64xi32, #tpu.memory_space<vmem>>, vector<16xi32>,
      %dma_wait3A_993 = arith.constant 1 : i32
      %dma_wait3A_994 = arith.constant 1 : i32
      %dma_wait3A_995 = arith.constant 0 : i32
      %dma_wait3A_996 = arith.constant 0 : i32
      %dma_wait3A_997 = tpu.memref_slice %arg16[%dma_wait3A_993, %dma_wait3A_995, %dma_wait3A_996] : memref<2x64x128xf32, #tpu.memory_space<vmem>> -> memref<1x64x128xf32, #tpu.memory_space<vmem>>
      %dma_wait3A_998 = tpu.memref_squeeze %dma_wait3A_997 : memref<1x64x128xf32, #tpu.memory_space<vmem>> -> memref<64x128xf32, #tpu.memory_space<vmem>>
      %dma_wait3A_999 = arith.constant 0 : i32
      %dma_wait3A_1000 = tpu.memref_slice %arg8[%mul3A_805, %dma_wait3A_999] : memref<262144x128xf32, #tpu.memory_space<hbm>> -> memref<64x128xf32, #tpu.memory_space<hbm>>
      %dma_wait3A_1001 = tpu.memref_slice %arg31[%dma_wait3A_994] : memref<2x!tpu.dma_semaphore, #tpu.memory_space<semaphore_mem>> -> memref<1x!tpu.dma_semaphore, #tpu.memory_space<semaphore_mem>>
      %dma_wait3A_1002 = tpu.memref_squeeze %dma_wait3A_1001 : memref<1x!tpu.dma_semaphore, #tpu.memory_space<semaphore_mem>> -> memref<!tpu.dma_semaphore, #tpu.memory_space<semaphore_mem>>
      %dma_wait3A_1003 = arith.constant 0 : i32
      %dma_wait3A_1004 = arith.constant 0 : i32
      %dma_wait3A_1005 = tpu.memref_slice %arg16[%dma_wait3A_993, %dma_wait3A_1003, %dma_wait3A_1004] : memref<2x64x128xf32, #tpu.memory_space<vmem>> -> memref<1x64x128xf32, #tpu.memory_space<vmem>>
      %dma_wait3A_1006 = tpu.memref_squeeze %dma_wait3A_1005 : memref<1x64x128xf32, #tpu.memory_space<vmem>> -> memref<64x128xf32, #tpu.memory_space<vmem>>
      %dma_wait3A_1007 = arith.constant 0 : i32
      %dma_wait3A_1008 = tpu.memref_slice %arg8[%mul3A_805, %dma_wait3A_1007] : memref<262144x128xf32, #tpu.memory_space<hbm>> -> memref<64x128xf32, #tpu.memory_space<hbm>>
      tpu.wait_dma2 semaphore(%dma_wait3A_1002 : memref<!tpu.dma_semaphore, #tpu.memory_space<semaphore_mem>>) src(%dma_wait3A_1008 : memref<64x128xf32, #tpu.memory_space<hbm>>) dst(%dma_wait3A_1006 : memref<64x128xf32, #tpu.memory_space<vmem>>)
      %dma_wait3A_1009 = arith.constant 1 : i32
      %dma_wait3A_1010 = arith.constant 1 : i32
      %dma_wait3A_1011 = arith.constant 0 : i32
      %dma_wait3A_1012 = arith.constant 0 : i32
      %dma_wait3A_1013 = tpu.memref_slice %arg17[%dma_wait3A_1009, %dma_wait3A_1011, %dma_wait3A_1012] : memref<2x64x128xf32, #tpu.memory_space<vmem>> -> memref<1x64x128xf32, #tpu.memory_space<vmem>>
      %dma_wait3A_1014 = tpu.memref_squeeze %dma_wait3A_1013 : memref<1x64x128xf32, #tpu.memory_space<vmem>> -> memref<64x128xf32, #tpu.memory_space<vmem>>
      %dma_wait3A_1015 = arith.constant 0 : i32
      %dma_wait3A_1016 = tpu.memref_slice %arg9[%mul3A_805, %dma_wait3A_1015] : memref<262144x128xf32, #tpu.memory_space<hbm>> -> memref<64x128xf32, #tpu.memory_space<hbm>>
      %dma_wait3A_1017 = tpu.memref_slice %arg32[%dma_wait3A_1010] : memref<2x!tpu.dma_semaphore, #tpu.memory_space<semaphore_mem>> -> memref<1x!tpu.dma_semaphore, #tpu.memory_space<semaphore_mem>>
      %dma_wait3A_1018 = tpu.memref_squeeze %dma_wait3A_1017 : memref<1x!tpu.dma_semaphore, #tpu.memory_space<semaphore_mem>> -> memref<!tpu.dma_semaphore, #tpu.memory_space<semaphore_mem>>
      %dma_wait3A_1019 = arith.constant 0 : i32
      %dma_wait3A_1020 = arith.constant 0 : i32
      %dma_wait3A_1021 = tpu.memref_slice %arg17[%dma_wait3A_1009, %dma_wait3A_1019, %dma_wait3A_1020] : memref<2x64x128xf32, #tpu.memory_space<vmem>> -> memref<1x64x128xf32, #tpu.memory_space<vmem>>
      %dma_wait3A_1022 = tpu.memref_squeeze %dma_wait3A_1021 : memref<1x64x128xf32, #tpu.memory_space<vmem>> -> memref<64x128xf32, #tpu.memory_space<vmem>>
      %dma_wait3A_1023 = arith.constant 0 : i32
      %dma_wait3A_1024 = tpu.memref_slice %arg9[%mul3A_805, %dma_wait3A_1023] : memref<262144x128xf32, #tpu.memory_space<hbm>> -> memref<64x128xf32, #tpu.memory_space<hbm>>
      tpu.wait_dma2 semaphore(%dma_wait3A_1018 : memref<!tpu.dma_semaphore, #tpu.memory_space<semaphore_mem>>) src(%dma_wait3A_1024 : memref<64x128xf32, #tpu.memory_space<hbm>>) dst(%dma_wait3A_1022 : memref<64x128xf32, #tpu.memory_space<vmem>>)
      %dma_start3A_1025 = arith.constant 1 : i32
      %dma_start3A_1026 = arith.constant 1 : i32
      %dma_start3A_1027 = arith.constant 1 : i32
      %dma_start3A_1028 = arith.constant 0 : i32
      %dma_start3A_1029 = arith.constant 0 : i32
      %dma_start3A_1030 = tpu.memref_slice %arg16[%dma_start3A_1025, %dma_start3A_1028, %dma_start3A_1029] : memref<2x64x128xf32, #tpu.memory_space<vmem>> -> memref<1x64x128xf32, #tpu.memory_space<vmem>>
      %dma_start3A_1031 = tpu.memref_squeeze %dma_start3A_1030 : memref<1x64x128xf32, #tpu.memory_space<vmem>> -> memref<64x128xf32, #tpu.memory_space<vmem>>
      %dma_start3A_1032 = arith.constant 0 : i32
      %dma_start3A_1033 = tpu.memref_slice %arg25[%dma_start3A_1026, %dma_start3A_1032] : memref<2x64xi32, #tpu.memory_space<vmem>> -> memref<1x64xi32, #tpu.memory_space<vmem>>
      %dma_start3A_1034 = tpu.memref_squeeze %dma_start3A_1033 : memref<1x64xi32, #tpu.memory_space<vmem>> -> memref<64xi32, #tpu.memory_space<vmem>>
      %dma_start3A_1035 = arith.constant 0 : i32
      %dma_start3A_1036 = arith.constant 0 : i32
      %dma_start3A_1037 = tpu.memref_slice %arg30[%dma_start3A_1035, %dma_start3A_1036] : memref<2048x128xf32, #tpu.memory_space<vmem_shared>> -> memref<2048x128xf32, #tpu.memory_space<vmem_shared>>
      %dma_start3A_1038 = tpu.memref_slice %arg33[%dma_start3A_1027] : memref<2x!tpu.dma_semaphore, #tpu.memory_space<semaphore_mem>> -> memref<1x!tpu.dma_semaphore, #tpu.memory_space<semaphore_mem>>
      %dma_start3A_1039 = tpu.memref_squeeze %dma_start3A_1038 : memref<1x!tpu.dma_semaphore, #tpu.memory_space<semaphore_mem>> -> memref<!tpu.dma_semaphore, #tpu.memory_space<semaphore_mem>>
      tpu.enqueue_indirect_dma source(%dma_start3A_1031 : memref<64x128xf32, #tpu.memory_space<vmem>>) target(%dma_start3A_1037 : memref<2048x128xf32, #tpu.memory_space<vmem_shared>>) offsets(%dma_start3A_1034 : memref<64xi32, #tpu.memory_space<vmem>>) semaphore(%dma_start3A_1039 : memref<!tpu.dma_semaphore, #tpu.memory_space<semaphore_mem>>) {add = true}
      %dma_start3A_1040 = arith.constant 1 : i32
      %dma_start3A_1041 = arith.constant 1 : i32
      %dma_start3A_1042 = arith.constant 1 : i32
      %dma_start3A_1043 = arith.constant 0 : i32
      %dma_start3A_1044 = arith.constant 0 : i32
      %dma_start3A_1045 = tpu.memref_slice %arg17[%dma_start3A_1040, %dma_start3A_1043, %dma_start3A_1044] : memref<2x64x128xf32, #tpu.memory_space<vmem>> -> memref<1x64x128xf32, #tpu.memory_space<vmem>>
      %dma_start3A_1046 = tpu.memref_squeeze %dma_start3A_1045 : memref<1x64x128xf32, #tpu.memory_space<vmem>> -> memref<64x128xf32, #tpu.memory_space<vmem>>
      %dma_start3A_1047 = arith.constant 0 : i32
      %dma_start3A_1048 = tpu.memref_slice %arg26[%dma_start3A_1041, %dma_start3A_1047] : memref<2x64xi32, #tpu.memory_space<vmem>> -> memref<1x64xi32, #tpu.memory_space<vmem>>
      %dma_start3A_1049 = tpu.memref_squeeze %dma_start3A_1048 : memref<1x64xi32, #tpu.memory_space<vmem>> -> memref<64xi32, #tpu.memory_space<vmem>>
      %dma_start3A_1050 = arith.constant 0 : i32
      %dma_start3A_1051 = arith.constant 0 : i32
      %dma_start3A_1052 = tpu.memref_slice %arg30[%dma_start3A_1050, %dma_start3A_1051] : memref<2048x128xf32, #tpu.memory_space<vmem_shared>> -> memref<2048x128xf32, #tpu.memory_space<vmem_shared>>
      %dma_start3A_1053 = tpu.memref_slice %arg34[%dma_start3A_1042] : memref<2x!tpu.dma_semaphore, #tpu.memory_space<semaphore_mem>> -> memref<1x!tpu.dma_semaphore, #tpu.memory_space<semaphore_mem>>
      %dma_start3A_1054 = tpu.memref_squeeze %dma_start3A_1053 : memref<1x!tpu.dma_semaphore, #tpu.memory_space<semaphore_mem>> -> memref<!tpu.dma_semaphore, #tpu.memory_space<semaphore_mem>>
      tpu.enqueue_indirect_dma source(%dma_start3A_1046 : memref<64x128xf32, #tpu.memory_space<vmem>>) target(%dma_start3A_1052 : memref<2048x128xf32, #tpu.memory_space<vmem_shared>>) offsets(%dma_start3A_1049 : memref<64xi32, #tpu.memory_space<vmem>>) semaphore(%dma_start3A_1054 : memref<!tpu.dma_semaphore, #tpu.memory_space<semaphore_mem>>) {add = true}
      %dma_wait3A_1055 = arith.constant 1 : i32
      %dma_wait3A_1056 = arith.constant 1 : i32
      %dma_wait3A_1057 = arith.constant 1 : i32
      %dma_wait3A_1058 = arith.constant 0 : i32
      %dma_wait3A_1059 = arith.constant 0 : i32
      %dma_wait3A_1060 = tpu.memref_slice %arg16[%dma_wait3A_1055, %dma_wait3A_1058, %dma_wait3A_1059] : memref<2x64x128xf32, #tpu.memory_space<vmem>> -> memref<1x64x128xf32, #tpu.memory_space<vmem>>
      %dma_wait3A_1061 = tpu.memref_squeeze %dma_wait3A_1060 : memref<1x64x128xf32, #tpu.memory_space<vmem>> -> memref<64x128xf32, #tpu.memory_space<vmem>>
      %dma_wait3A_1062 = arith.constant 0 : i32
      %dma_wait3A_1063 = tpu.memref_slice %arg25[%dma_wait3A_1056, %dma_wait3A_1062] : memref<2x64xi32, #tpu.memory_space<vmem>> -> memref<1x64xi32, #tpu.memory_space<vmem>>
      %dma_wait3A_1064 = tpu.memref_squeeze %dma_wait3A_1063 : memref<1x64xi32, #tpu.memory_space<vmem>> -> memref<64xi32, #tpu.memory_space<vmem>>
      %dma_wait3A_1065 = arith.constant 0 : i32
      %dma_wait3A_1066 = arith.constant 0 : i32
      %dma_wait3A_1067 = tpu.memref_slice %arg30[%dma_wait3A_1065, %dma_wait3A_1066] : memref<2048x128xf32, #tpu.memory_space<vmem_shared>> -> memref<2048x128xf32, #tpu.memory_space<vmem_shared>>
      %dma_wait3A_1068 = tpu.memref_slice %arg33[%dma_wait3A_1057] : memref<2x!tpu.dma_semaphore, #tpu.memory_space<semaphore_mem>> -> memref<1x!tpu.dma_semaphore, #tpu.memory_space<semaphore_mem>>
      %dma_wait3A_1069 = tpu.memref_squeeze %dma_wait3A_1068 : memref<1x!tpu.dma_semaphore, #tpu.memory_space<semaphore_mem>> -> memref<!tpu.dma_semaphore, #tpu.memory_space<semaphore_mem>>
      tpu.wait_indirect_dma semaphore(%dma_wait3A_1069 : memref<!tpu.dma_semaphore, #tpu.memory_space<semaphore_mem>>) src(%dma_wait3A_1061 : memref<64x128xf32, #tpu.memory_space<vmem>>) dst(%dma_wait3A_1067 : memref<2048x128xf32, #tpu.memory_space<vmem_shared>>)
      %dma_wait3A_1070 = arith.constant 1 : i32
      %dma_wait3A_1071 = arith.constant 1 : i32
      %dma_wait3A_1072 = arith.constant 1 : i32
      %dma_wait3A_1073 = arith.constant 0 : i32
      %dma_wait3A_1074 = arith.constant 0 : i32
      %dma_wait3A_1075 = tpu.memref_slice %arg17[%dma_wait3A_1070, %dma_wait3A_1073, %dma_wait3A_1074] : memref<2x64x128xf32, #tpu.memory_space<vmem>> -> memref<1x64x128xf32, #tpu.memory_space<vmem>>
      %dma_wait3A_1076 = tpu.memref_squeeze %dma_wait3A_1075 : memref<1x64x128xf32, #tpu.memory_space<vmem>> -> memref<64x128xf32, #tpu.memory_space<vmem>>
      %dma_wait3A_1077 = arith.constant 0 : i32
      %dma_wait3A_1078 = tpu.memref_slice %arg26[%dma_wait3A_1071, %dma_wait3A_1077] : memref<2x64xi32, #tpu.memory_space<vmem>> -> memref<1x64xi32, #tpu.memory_space<vmem>>
      %dma_wait3A_1079 = tpu.memref_squeeze %dma_wait3A_1078 : memref<1x64xi32, #tpu.memory_space<vmem>> -> memref<64xi32, #tpu.memory_space<vmem>>
      %dma_wait3A_1080 = arith.constant 0 : i32
      %dma_wait3A_1081 = arith.constant 0 : i32
      %dma_wait3A_1082 = tpu.memref_slice %arg30[%dma_wait3A_1080, %dma_wait3A_1081] : memref<2048x128xf32, #tpu.memory_space<vmem_shared>> -> memref<2048x128xf32, #tpu.memory_space<vmem_shared>>
      %dma_wait3A_1083 = tpu.memref_slice %arg34[%dma_wait3A_1072] : memref<2x!tpu.dma_semaphore, #tpu.memory_space<semaphore_mem>> -> memref<1x!tpu.dma_semaphore, #tpu.memory_space<semaphore_mem>>
      %dma_wait3A_1084 = tpu.memref_squeeze %dma_wait3A_1083 : memref<1x!tpu.dma_semaphore, #tpu.memory_space<semaphore_mem>> -> memref<!tpu.dma_semaphore, #tpu.memory_space<semaphore_mem>>
      tpu.wait_indirect_dma semaphore(%dma_wait3A_1084 : memref<!tpu.dma_semaphore, #tpu.memory_space<semaphore_mem>>) src(%dma_wait3A_1076 : memref<64x128xf32, #tpu.memory_space<vmem>>) dst(%dma_wait3A_1082 : memref<2048x128xf32, #tpu.memory_space<vmem_shared>>)
      %add3A_1085 = arith.constant 128 : i32
      %add3A_1086 = arith.addi %mul3A_805, %add3A_1085 : i32
      %add3A_1087 = arith.constant 2 : i32
      %add3A_1088 = arith.addi %add3A_797, %add3A_1087 : i32
      %lt3A_1089 = arith.constant 128 : i32
      %lt3A_1090 = arith.cmpi slt, %add3A_1088, %lt3A_1089 : i32
      %convert_element_type3A_1091 = arith.extui %lt3A_1090 : i1 to i32
      %cond3A_1092 = arith.constant 0 : i32
      %cond3A_1093 = arith.cmpi ne, %convert_element_type3A_1091, %cond3A_1092 : i32
      scf.if %cond3A_1093 {
        %dma_start3A_1095 = arith.constant 1 : i32
        %dma_start3A_1096 = arith.constant 1 : i32
        %dma_start3A_1097 = arith.constant 0 : i32
        %dma_start3A_1098 = arith.constant 0 : i32
        %dma_start3A_1099 = tpu.memref_slice %arg16[%dma_start3A_1095, %dma_start3A_1097, %dma_start3A_1098] : memref<2x64x128xf32, #tpu.memory_space<vmem>> -> memref<1x64x128xf32, #tpu.memory_space<vmem>>
        %dma_start3A_1100 = tpu.memref_squeeze %dma_start3A_1099 : memref<1x64x128xf32, #tpu.memory_space<vmem>> -> memref<64x128xf32, #tpu.memory_space<vmem>>
        %dma_start3A_1101 = arith.constant 0 : i32
        %dma_start3A_1102 = tpu.memref_slice %arg8[%add3A_1086, %dma_start3A_1101] : memref<262144x128xf32, #tpu.memory_space<hbm>> -> memref<64x128xf32, #tpu.memory_space<hbm>>
        %dma_start3A_1103 = tpu.memref_slice %arg31[%dma_start3A_1096] : memref<2x!tpu.dma_semaphore, #tpu.memory_space<semaphore_mem>> -> memref<1x!tpu.dma_semaphore, #tpu.memory_space<semaphore_mem>>
        %dma_start3A_1104 = tpu.memref_squeeze %dma_start3A_1103 : memref<1x!tpu.dma_semaphore, #tpu.memory_space<semaphore_mem>> -> memref<!tpu.dma_semaphore, #tpu.memory_space<semaphore_mem>>
        %dma_start3A_1105 = arith.constant 0 : i32
        %dma_start3A_1106 = arith.constant 0 : i32
        %dma_start3A_1107 = tpu.memref_slice %arg16[%dma_start3A_1095, %dma_start3A_1105, %dma_start3A_1106] : memref<2x64x128xf32, #tpu.memory_space<vmem>> -> memref<1x64x128xf32, #tpu.memory_space<vmem>>
        %dma_start3A_1108 = tpu.memref_squeeze %dma_start3A_1107 : memref<1x64x128xf32, #tpu.memory_space<vmem>> -> memref<64x128xf32, #tpu.memory_space<vmem>>
        %dma_start3A_1109 = arith.constant 0 : i32
        %dma_start3A_1110 = tpu.memref_slice %arg8[%add3A_1086, %dma_start3A_1109] : memref<262144x128xf32, #tpu.memory_space<hbm>> -> memref<64x128xf32, #tpu.memory_space<hbm>>
        tpu.enqueue_dma source(%dma_start3A_1110 : memref<64x128xf32, #tpu.memory_space<hbm>>) target(%dma_start3A_1108 : memref<64x128xf32, #tpu.memory_space<vmem>>) target_semaphore(%dma_start3A_1104 : memref<!tpu.dma_semaphore, #tpu.memory_space<semaphore_mem>>)
        %dma_start3A_1111 = arith.constant 1 : i32
        %dma_start3A_1112 = arith.constant 1 : i32
        %dma_start3A_1113 = arith.constant 0 : i32
        %dma_start3A_1114 = arith.constant 0 : i32
        %dma_start3A_1115 = tpu.memref_slice %arg17[%dma_start3A_1111, %dma_start3A_1113, %dma_start3A_1114] : memref<2x64x128xf32, #tpu.memory_space<vmem>> -> memref<1x64x128xf32, #tpu.memory_space<vmem>>
        %dma_start3A_1116 = tpu.memref_squeeze %dma_start3A_1115 : memref<1x64x128xf32, #tpu.memory_space<vmem>> -> memref<64x128xf32, #tpu.memory_space<vmem>>
        %dma_start3A_1117 = arith.constant 0 : i32
        %dma_start3A_1118 = tpu.memref_slice %arg9[%add3A_1086, %dma_start3A_1117] : memref<262144x128xf32, #tpu.memory_space<hbm>> -> memref<64x128xf32, #tpu.memory_space<hbm>>
        %dma_start3A_1119 = tpu.memref_slice %arg32[%dma_start3A_1112] : memref<2x!tpu.dma_semaphore, #tpu.memory_space<semaphore_mem>> -> memref<1x!tpu.dma_semaphore, #tpu.memory_space<semaphore_mem>>
        %dma_start3A_1120 = tpu.memref_squeeze %dma_start3A_1119 : memref<1x!tpu.dma_semaphore, #tpu.memory_space<semaphore_mem>> -> memref<!tpu.dma_semaphore, #tpu.memory_space<semaphore_mem>>
        %dma_start3A_1121 = arith.constant 0 : i32
        %dma_start3A_1122 = arith.constant 0 : i32
        %dma_start3A_1123 = tpu.memref_slice %arg17[%dma_start3A_1111, %dma_start3A_1121, %dma_start3A_1122] : memref<2x64x128xf32, #tpu.memory_space<vmem>> -> memref<1x64x128xf32, #tpu.memory_space<vmem>>
        %dma_start3A_1124 = tpu.memref_squeeze %dma_start3A_1123 : memref<1x64x128xf32, #tpu.memory_space<vmem>> -> memref<64x128xf32, #tpu.memory_space<vmem>>
        %dma_start3A_1125 = arith.constant 0 : i32
        %dma_start3A_1126 = tpu.memref_slice %arg9[%add3A_1086, %dma_start3A_1125] : memref<262144x128xf32, #tpu.memory_space<hbm>> -> memref<64x128xf32, #tpu.memory_space<hbm>>
        tpu.enqueue_dma source(%dma_start3A_1126 : memref<64x128xf32, #tpu.memory_space<hbm>>) target(%dma_start3A_1124 : memref<64x128xf32, #tpu.memory_space<vmem>>) target_semaphore(%dma_start3A_1120 : memref<!tpu.dma_semaphore, #tpu.memory_space<semaphore_mem>>)
      } else {
      }
      %scan3A_1094 = arith.constant 0 : i32
      scf.yield %scan3A_1094 : i32
    }
    %scan3A_484 = arith.constant 64 : i32
    "tpu.region"() ({
      %run_scoped3A = tpu.sem_alloc : memref<!tpu.dma_semaphore, #tpu.memory_space<semaphore_mem>>
      %dma_start3A_496 = tpu.memref_slice %arg11[%add3A_30, %mul3A_32] : memref<16x4096xf32, #tpu.memory_space<hbm>> -> memref<1x2048xf32, #tpu.memory_space<hbm>>
      %dma_start3A_497 = tpu.memref_squeeze %dma_start3A_496 : memref<1x2048xf32, #tpu.memory_space<hbm>> -> memref<2048xf32, #tpu.memory_space<hbm>>
      %dma_start3A_498 = tpu.memref_slice %arg11[%add3A_30, %mul3A_32] : memref<16x4096xf32, #tpu.memory_space<hbm>> -> memref<1x2048xf32, #tpu.memory_space<hbm>>
      %dma_start3A_499 = tpu.memref_squeeze %dma_start3A_498 : memref<1x2048xf32, #tpu.memory_space<hbm>> -> memref<2048xf32, #tpu.memory_space<hbm>>
      tpu.enqueue_dma source(%arg27 : memref<2048xf32, #tpu.memory_space<vmem>>) target(%dma_start3A_499 : memref<2048xf32, #tpu.memory_space<hbm>>) target_semaphore(%run_scoped3A : memref<!tpu.dma_semaphore, #tpu.memory_space<semaphore_mem>>)
      %dma_wait3A_500 = tpu.memref_slice %arg11[%add3A_30, %mul3A_32] : memref<16x4096xf32, #tpu.memory_space<hbm>> -> memref<1x2048xf32, #tpu.memory_space<hbm>>
      %dma_wait3A_501 = tpu.memref_squeeze %dma_wait3A_500 : memref<1x2048xf32, #tpu.memory_space<hbm>> -> memref<2048xf32, #tpu.memory_space<hbm>>
      %dma_wait3A_502 = tpu.memref_slice %arg11[%add3A_30, %mul3A_32] : memref<16x4096xf32, #tpu.memory_space<hbm>> -> memref<1x2048xf32, #tpu.memory_space<hbm>>
      %dma_wait3A_503 = tpu.memref_squeeze %dma_wait3A_502 : memref<1x2048xf32, #tpu.memory_space<hbm>> -> memref<2048xf32, #tpu.memory_space<hbm>>
      tpu.wait_dma2 semaphore(%run_scoped3A : memref<!tpu.dma_semaphore, #tpu.memory_space<semaphore_mem>>) src(%arg27 : memref<2048xf32, #tpu.memory_space<vmem>>) dst(%dma_wait3A_503 : memref<2048xf32, #tpu.memory_space<hbm>>)
      tpu.yield
    }) : () -> ()
    "tpu.region"() ({
      %run_scoped3A = tpu.sem_alloc : memref<!tpu.dma_semaphore, #tpu.memory_space<semaphore_mem>>
      %dma_start3A_496 = arith.constant 0 : i32
      %dma_start3A_497 = tpu.memref_slice %arg13[%add3A_30, %select_n3A_28, %dma_start3A_496] : memref<16x2x512xf32, #tpu.memory_space<hbm>> -> memref<1x1x512xf32, #tpu.memory_space<hbm>>
      %dma_start3A_498 = tpu.memref_squeeze %dma_start3A_497 : memref<1x1x512xf32, #tpu.memory_space<hbm>> -> memref<512xf32, #tpu.memory_space<hbm>>
      %dma_start3A_499 = arith.constant 0 : i32
      %dma_start3A_500 = tpu.memref_slice %arg13[%add3A_30, %select_n3A_28, %dma_start3A_499] : memref<16x2x512xf32, #tpu.memory_space<hbm>> -> memref<1x1x512xf32, #tpu.memory_space<hbm>>
      %dma_start3A_501 = tpu.memref_squeeze %dma_start3A_500 : memref<1x1x512xf32, #tpu.memory_space<hbm>> -> memref<512xf32, #tpu.memory_space<hbm>>
      tpu.enqueue_dma source(%arg28 : memref<512xf32, #tpu.memory_space<vmem>>) target(%dma_start3A_501 : memref<512xf32, #tpu.memory_space<hbm>>) target_semaphore(%run_scoped3A : memref<!tpu.dma_semaphore, #tpu.memory_space<semaphore_mem>>)
      %dma_wait3A_502 = arith.constant 0 : i32
      %dma_wait3A_503 = tpu.memref_slice %arg13[%add3A_30, %select_n3A_28, %dma_wait3A_502] : memref<16x2x512xf32, #tpu.memory_space<hbm>> -> memref<1x1x512xf32, #tpu.memory_space<hbm>>
      %dma_wait3A_504 = tpu.memref_squeeze %dma_wait3A_503 : memref<1x1x512xf32, #tpu.memory_space<hbm>> -> memref<512xf32, #tpu.memory_space<hbm>>
      %dma_wait3A_505 = arith.constant 0 : i32
      %dma_wait3A_506 = tpu.memref_slice %arg13[%add3A_30, %select_n3A_28, %dma_wait3A_505] : memref<16x2x512xf32, #tpu.memory_space<hbm>> -> memref<1x1x512xf32, #tpu.memory_space<hbm>>
      %dma_wait3A_507 = tpu.memref_squeeze %dma_wait3A_506 : memref<1x1x512xf32, #tpu.memory_space<hbm>> -> memref<512xf32, #tpu.memory_space<hbm>>
      tpu.wait_dma2 semaphore(%run_scoped3A : memref<!tpu.dma_semaphore, #tpu.memory_space<semaphore_mem>>) src(%arg28 : memref<512xf32, #tpu.memory_space<vmem>>) dst(%dma_wait3A_507 : memref<512xf32, #tpu.memory_space<hbm>>)
      tpu.yield
    }) : () -> ()
    "tpu.region"() ({
      %run_scoped3A = tpu.sem_alloc : memref<!tpu.dma_semaphore, #tpu.memory_space<semaphore_mem>>
      %dma_start3A_496 = arith.constant 0 : i32
      %dma_start3A_497 = tpu.memref_slice %arg14[%add3A_30, %select_n3A_28, %dma_start3A_496] : memref<16x2x512xf32, #tpu.memory_space<hbm>> -> memref<1x1x512xf32, #tpu.memory_space<hbm>>
      %dma_start3A_498 = tpu.memref_squeeze %dma_start3A_497 : memref<1x1x512xf32, #tpu.memory_space<hbm>> -> memref<512xf32, #tpu.memory_space<hbm>>
      %dma_start3A_499 = arith.constant 0 : i32
      %dma_start3A_500 = tpu.memref_slice %arg14[%add3A_30, %select_n3A_28, %dma_start3A_499] : memref<16x2x512xf32, #tpu.memory_space<hbm>> -> memref<1x1x512xf32, #tpu.memory_space<hbm>>
      %dma_start3A_501 = tpu.memref_squeeze %dma_start3A_500 : memref<1x1x512xf32, #tpu.memory_space<hbm>> -> memref<512xf32, #tpu.memory_space<hbm>>
      tpu.enqueue_dma source(%arg29 : memref<512xf32, #tpu.memory_space<vmem>>) target(%dma_start3A_501 : memref<512xf32, #tpu.memory_space<hbm>>) target_semaphore(%run_scoped3A : memref<!tpu.dma_semaphore, #tpu.memory_space<semaphore_mem>>)
      %dma_wait3A_502 = arith.constant 0 : i32
      %dma_wait3A_503 = tpu.memref_slice %arg14[%add3A_30, %select_n3A_28, %dma_wait3A_502] : memref<16x2x512xf32, #tpu.memory_space<hbm>> -> memref<1x1x512xf32, #tpu.memory_space<hbm>>
      %dma_wait3A_504 = tpu.memref_squeeze %dma_wait3A_503 : memref<1x1x512xf32, #tpu.memory_space<hbm>> -> memref<512xf32, #tpu.memory_space<hbm>>
      %dma_wait3A_505 = arith.constant 0 : i32
      %dma_wait3A_506 = tpu.memref_slice %arg14[%add3A_30, %select_n3A_28, %dma_wait3A_505] : memref<16x2x512xf32, #tpu.memory_space<hbm>> -> memref<1x1x512xf32, #tpu.memory_space<hbm>>
      %dma_wait3A_507 = tpu.memref_squeeze %dma_wait3A_506 : memref<1x1x512xf32, #tpu.memory_space<hbm>> -> memref<512xf32, #tpu.memory_space<hbm>>
      tpu.wait_dma2 semaphore(%run_scoped3A : memref<!tpu.dma_semaphore, #tpu.memory_space<semaphore_mem>>) src(%arg29 : memref<512xf32, #tpu.memory_space<vmem>>) dst(%dma_wait3A_507 : memref<512xf32, #tpu.memory_space<hbm>>)
      tpu.yield
    }) : () -> ()
    %mul3A_485 = arith.constant 32 : i32
    %mul3A_486 = arith.muli %arg1, %mul3A_485 : i32
    %mul3A_487 = arith.constant 4 : i32
    %mul3A_488 = arith.muli %mul3A_486, %mul3A_487 : i32
    %mul3A_489 = arith.constant 2 : i32
    %mul3A_490 = arith.muli %add3A_30, %mul3A_489 : i32
    %add3A_491 = arith.addi %mul3A_490, %select_n3A_28 : i32
    %mul3A_492 = arith.constant 20 : i32
    %mul3A_493 = arith.muli %add3A_491, %mul3A_492 : i32
    %mul3A_494 = arith.constant 4 : i32
    %mul3A_495 = arith.muli %mul3A_493, %mul3A_494 : i32
    "tpu.region"() ({
      %run_scoped3A = tpu.sem_alloc : memref<!tpu.dma_semaphore, #tpu.memory_space<semaphore_mem>>
      %dma_start3A_496 = arith.constant 0 : i32
      %dma_start3A_497 = tpu.memref_slice %arg12[%mul3A_495, %dma_start3A_496] : memref<2560x128xf32, #tpu.memory_space<hbm>> -> memref<80x128xf32, #tpu.memory_space<hbm>>
      %dma_start3A_498 = arith.constant 0 : i32
      %dma_start3A_499 = tpu.memref_slice %arg30[%mul3A_488, %dma_start3A_498] : memref<2048x128xf32, #tpu.memory_space<vmem_shared>> -> memref<80x128xf32, #tpu.memory_space<vmem_shared>>
      tpu.enqueue_dma source(%dma_start3A_499 : memref<80x128xf32, #tpu.memory_space<vmem_shared>>) target(%dma_start3A_497 : memref<80x128xf32, #tpu.memory_space<hbm>>) target_semaphore(%run_scoped3A : memref<!tpu.dma_semaphore, #tpu.memory_space<semaphore_mem>>)
      %dma_wait3A_500 = arith.constant 0 : i32
      %dma_wait3A_501 = tpu.memref_slice %arg12[%mul3A_495, %dma_wait3A_500] : memref<2560x128xf32, #tpu.memory_space<hbm>> -> memref<80x128xf32, #tpu.memory_space<hbm>>
      %dma_wait3A_502 = arith.constant 0 : i32
      %dma_wait3A_503 = tpu.memref_slice %arg30[%mul3A_488, %dma_wait3A_502] : memref<2048x128xf32, #tpu.memory_space<vmem_shared>> -> memref<80x128xf32, #tpu.memory_space<vmem_shared>>
      tpu.wait_dma2 semaphore(%run_scoped3A : memref<!tpu.dma_semaphore, #tpu.memory_space<semaphore_mem>>) src(%dma_wait3A_503 : memref<80x128xf32, #tpu.memory_space<vmem_shared>>) dst(%dma_wait3A_501 : memref<80x128xf32, #tpu.memory_space<hbm>>)
      tpu.yield
    }) : () -> ()
    return
  }
}

module attributes {stable_mosaic.version = 14 : i64} {
  func.func @_tc_body(%arg0: memref<16x2x20x512xf32, #tpu.memory_space<vmem>>, %arg1: memref<16x2x512xf32, #tpu.memory_space<vmem>>, %arg2: memref<16x2x512xf32, #tpu.memory_space<vmem>>, %arg3: memref<512x32xf32, #tpu.memory_space<vmem>>, %arg4: memref<20x512x64xf32, #tpu.memory_space<vmem>>, %arg5: memref<20x512x64xf32, #tpu.memory_space<vmem>>, %arg6: memref<20x512x32xf32, #tpu.memory_space<vmem>>, %arg7: memref<20x512x32xf32, #tpu.memory_space<vmem>>, %arg8: memref<1x64xf32, #tpu.memory_space<vmem>>, %arg9: memref<1x64xf32, #tpu.memory_space<vmem>>, %arg10: memref<1x32xf32, #tpu.memory_space<vmem>>, %arg11: memref<1x32xf32, #tpu.memory_space<vmem>>, %arg12: memref<64x640xf32, #tpu.memory_space<vmem>>, %arg13: memref<1x640xf32, #tpu.memory_space<vmem>>, %arg14: memref<64x32xf32, #tpu.memory_space<vmem>>, %arg15: memref<1x32xf32, #tpu.memory_space<vmem>>, %arg16: memref<1x32xf32, #tpu.memory_space<vmem>>, %arg17: memref<1x1xf32, #tpu.memory_space<vmem>>, %arg18: memref<16x128xf32, #tpu.memory_space<vmem>>) attributes {dimension_semantics = [], scalar_prefetch = 0 : i64, scratch_operands = 0 : i64, tpu.core_type = #tpu.core_type<tc>} {
    %get3A = arith.constant 0 : index
    %get3A_0 = arith.constant 0 : index
    %get3A_1 = vector.load %arg3[%get3A, %get3A_0] : memref<512x32xf32, #tpu.memory_space<vmem>>, vector<512x32xf32>
    %get3A_2 = arith.constant 0 : index
    %get3A_3 = arith.constant 0 : index
    %get3A_4 = arith.constant 0 : index
    %get3A_5 = vector.load %arg1[%get3A_2, %get3A_3, %get3A_4] : memref<16x2x512xf32, #tpu.memory_space<vmem>>, vector<16x2x512xf32>
    %reduce_sum3A = arith.constant dense<0.000000e+00> : vector<16x512xf32>
    %reduce_sum3A_6 = vector.multi_reduction <add>, %get3A_5, %reduce_sum3A [1] : vector<16x2x512xf32> to vector<16x512xf32>
    %dot_general3A = arith.constant dense<0.000000e+00> : vector<16x32xf32>
    %dot_general3A_7 = tpu.matmul %reduce_sum3A_6, %get3A_1, %dot_general3A {dimension_numbers = #tpu.dot_dimension_numbers<[1], [0], [0], [1], [0, 0, 1, 1], [], []>, transpose_lhs_hint = false} : vector<16x512xf32>, vector<512x32xf32>, vector<16x32xf32> -> vector<16x32xf32>
    %get3A_8 = arith.constant 0 : index
    %get3A_9 = arith.constant 0 : index
    %get3A_10 = arith.constant 0 : index
    %get3A_11 = vector.load %arg2[%get3A_8, %get3A_9, %get3A_10] : memref<16x2x512xf32, #tpu.memory_space<vmem>>, vector<16x2x512xf32>
    %reduce_sum3A_12 = arith.constant dense<0.000000e+00> : vector<16x512xf32>
    %reduce_sum3A_13 = vector.multi_reduction <add>, %get3A_11, %reduce_sum3A_12 [1] : vector<16x2x512xf32> to vector<16x512xf32>
    %dot_general3A_14 = arith.constant dense<0.000000e+00> : vector<16x32xf32>
    %dot_general3A_15 = tpu.matmul %reduce_sum3A_13, %get3A_1, %dot_general3A_14 {dimension_numbers = #tpu.dot_dimension_numbers<[1], [0], [0], [1], [0, 0, 1, 1], [], []>, transpose_lhs_hint = false} : vector<16x512xf32>, vector<512x32xf32>, vector<16x32xf32> -> vector<16x32xf32>
    %get3A_16 = arith.constant 0 : index
    %get3A_17 = arith.constant 0 : index
    %get3A_18 = arith.constant 0 : index
    %get3A_19 = arith.constant 0 : index
    %get3A_20 = vector.load %arg0[%get3A_16, %get3A_17, %get3A_18, %get3A_19] : memref<16x2x20x512xf32, #tpu.memory_space<vmem>>, vector<16x2x20x512xf32>
    %reduce_sum3A_21 = arith.constant dense<0.000000e+00> : vector<16x20x512xf32>
    %reduce_sum3A_22 = vector.multi_reduction <add>, %get3A_20, %reduce_sum3A_21 [1] : vector<16x2x20x512xf32> to vector<16x20x512xf32>
    %slice3A = vector.extract_strided_slice %dot_general3A_15 {offsets = [0, 0], sizes = [16, 20], strides = [1, 1]} : vector<16x32xf32> to vector<16x20xf32>
    %max3A = arith.constant 1.000000e+00 : f32
    %max3A_23 = vector.broadcast %max3A : f32 to vector<16x20xf32>
    %max3A_24 = arith.maximumf %slice3A, %max3A_23 : vector<16x20xf32>
    %broadcast_in_dim3A = vector.shape_cast %max3A_24 : vector<16x20xf32> to vector<16x20x1xf32>
    %div3A = vector.broadcast %broadcast_in_dim3A : vector<16x20x1xf32> to vector<16x20x512xf32>
    %div3A_25 = arith.divf %reduce_sum3A_22, %div3A : vector<16x20x512xf32>
    %broadcast_in_dim3A_26 = arith.constant 0.000000e+00 : f32
    %broadcast_in_dim3A_27 = vector.broadcast %broadcast_in_dim3A_26 : f32 to vector<16x64xf32>
    %broadcast_in_dim3A_28 = arith.constant 0.000000e+00 : f32
    %broadcast_in_dim3A_29 = vector.broadcast %broadcast_in_dim3A_28 : f32 to vector<16x64xf32>
    %broadcast_in_dim3A_30 = arith.constant 0.000000e+00 : f32
    %broadcast_in_dim3A_31 = vector.broadcast %broadcast_in_dim3A_30 : f32 to vector<16x32xf32>
    %broadcast_in_dim3A_32 = arith.constant 0.000000e+00 : f32
    %broadcast_in_dim3A_33 = vector.broadcast %broadcast_in_dim3A_32 : f32 to vector<16x32xf32>
    %slice3A_34 = vector.extract_strided_slice %div3A_25 {offsets = [0, 0, 0], sizes = [16, 1, 512], strides = [1, 1, 1]} : vector<16x20x512xf32> to vector<16x1x512xf32>
    %squeeze3A = vector.shape_cast %slice3A_34 : vector<16x1x512xf32> to vector<16x512xf32>
    %get3A_35 = arith.constant 0 : index
    %get3A_36 = arith.constant 0 : index
    %get3A_37 = arith.constant 0 : index
    %get3A_38 = vector.load %arg4[%get3A_35, %get3A_36, %get3A_37] : memref<20x512x64xf32, #tpu.memory_space<vmem>>, vector<1x512x64xf32>
    %get3A_39 = vector.shape_cast %get3A_38 : vector<1x512x64xf32> to vector<512x64xf32>
    %dot_general3A_40 = arith.constant dense<0.000000e+00> : vector<16x64xf32>
    %dot_general3A_41 = tpu.matmul %squeeze3A, %get3A_39, %dot_general3A_40 {dimension_numbers = #tpu.dot_dimension_numbers<[1], [0], [0], [1], [0, 0, 1, 1], [], []>, transpose_lhs_hint = false} : vector<16x512xf32>, vector<512x64xf32>, vector<16x64xf32> -> vector<16x64xf32>
    %add3A = arith.addf %broadcast_in_dim3A_27, %dot_general3A_41 : vector<16x64xf32>
    %get3A_42 = arith.constant 0 : index
    %get3A_43 = arith.constant 0 : index
    %get3A_44 = arith.constant 0 : index
    %get3A_45 = vector.load %arg5[%get3A_42, %get3A_43, %get3A_44] : memref<20x512x64xf32, #tpu.memory_space<vmem>>, vector<1x512x64xf32>
    %get3A_46 = vector.shape_cast %get3A_45 : vector<1x512x64xf32> to vector<512x64xf32>
    %dot_general3A_47 = arith.constant dense<0.000000e+00> : vector<16x64xf32>
    %dot_general3A_48 = tpu.matmul %squeeze3A, %get3A_46, %dot_general3A_47 {dimension_numbers = #tpu.dot_dimension_numbers<[1], [0], [0], [1], [0, 0, 1, 1], [], []>, transpose_lhs_hint = false} : vector<16x512xf32>, vector<512x64xf32>, vector<16x64xf32> -> vector<16x64xf32>
    %add3A_49 = arith.addf %broadcast_in_dim3A_29, %dot_general3A_48 : vector<16x64xf32>
    %get3A_50 = arith.constant 0 : index
    %get3A_51 = arith.constant 0 : index
    %get3A_52 = arith.constant 0 : index
    %get3A_53 = vector.load %arg6[%get3A_50, %get3A_51, %get3A_52] : memref<20x512x32xf32, #tpu.memory_space<vmem>>, vector<1x512x32xf32>
    %get3A_54 = vector.shape_cast %get3A_53 : vector<1x512x32xf32> to vector<512x32xf32>
    %dot_general3A_55 = arith.constant dense<0.000000e+00> : vector<16x32xf32>
    %dot_general3A_56 = tpu.matmul %squeeze3A, %get3A_54, %dot_general3A_55 {dimension_numbers = #tpu.dot_dimension_numbers<[1], [0], [0], [1], [0, 0, 1, 1], [], []>, transpose_lhs_hint = false} : vector<16x512xf32>, vector<512x32xf32>, vector<16x32xf32> -> vector<16x32xf32>
    %add3A_57 = arith.addf %broadcast_in_dim3A_31, %dot_general3A_56 : vector<16x32xf32>
    %get3A_58 = arith.constant 0 : index
    %get3A_59 = arith.constant 0 : index
    %get3A_60 = arith.constant 0 : index
    %get3A_61 = vector.load %arg7[%get3A_58, %get3A_59, %get3A_60] : memref<20x512x32xf32, #tpu.memory_space<vmem>>, vector<1x512x32xf32>
    %get3A_62 = vector.shape_cast %get3A_61 : vector<1x512x32xf32> to vector<512x32xf32>
    %dot_general3A_63 = arith.constant dense<0.000000e+00> : vector<16x32xf32>
    %dot_general3A_64 = tpu.matmul %squeeze3A, %get3A_62, %dot_general3A_63 {dimension_numbers = #tpu.dot_dimension_numbers<[1], [0], [0], [1], [0, 0, 1, 1], [], []>, transpose_lhs_hint = false} : vector<16x512xf32>, vector<512x32xf32>, vector<16x32xf32> -> vector<16x32xf32>
    %add3A_65 = arith.addf %broadcast_in_dim3A_33, %dot_general3A_64 : vector<16x32xf32>
    %slice3A_66 = vector.extract_strided_slice %div3A_25 {offsets = [0, 1, 0], sizes = [16, 1, 512], strides = [1, 1, 1]} : vector<16x20x512xf32> to vector<16x1x512xf32>
    %squeeze3A_67 = vector.shape_cast %slice3A_66 : vector<16x1x512xf32> to vector<16x512xf32>
    %get3A_68 = arith.constant 1 : index
    %get3A_69 = arith.constant 0 : index
    %get3A_70 = arith.constant 0 : index
    %get3A_71 = vector.load %arg4[%get3A_68, %get3A_69, %get3A_70] : memref<20x512x64xf32, #tpu.memory_space<vmem>>, vector<1x512x64xf32>
    %get3A_72 = vector.shape_cast %get3A_71 : vector<1x512x64xf32> to vector<512x64xf32>
    %dot_general3A_73 = arith.constant dense<0.000000e+00> : vector<16x64xf32>
    %dot_general3A_74 = tpu.matmul %squeeze3A_67, %get3A_72, %dot_general3A_73 {dimension_numbers = #tpu.dot_dimension_numbers<[1], [0], [0], [1], [0, 0, 1, 1], [], []>, transpose_lhs_hint = false} : vector<16x512xf32>, vector<512x64xf32>, vector<16x64xf32> -> vector<16x64xf32>
    %add3A_75 = arith.addf %add3A, %dot_general3A_74 : vector<16x64xf32>
    %get3A_76 = arith.constant 1 : index
    %get3A_77 = arith.constant 0 : index
    %get3A_78 = arith.constant 0 : index
    %get3A_79 = vector.load %arg5[%get3A_76, %get3A_77, %get3A_78] : memref<20x512x64xf32, #tpu.memory_space<vmem>>, vector<1x512x64xf32>
    %get3A_80 = vector.shape_cast %get3A_79 : vector<1x512x64xf32> to vector<512x64xf32>
    %dot_general3A_81 = arith.constant dense<0.000000e+00> : vector<16x64xf32>
    %dot_general3A_82 = tpu.matmul %squeeze3A_67, %get3A_80, %dot_general3A_81 {dimension_numbers = #tpu.dot_dimension_numbers<[1], [0], [0], [1], [0, 0, 1, 1], [], []>, transpose_lhs_hint = false} : vector<16x512xf32>, vector<512x64xf32>, vector<16x64xf32> -> vector<16x64xf32>
    %add3A_83 = arith.addf %add3A_49, %dot_general3A_82 : vector<16x64xf32>
    %get3A_84 = arith.constant 1 : index
    %get3A_85 = arith.constant 0 : index
    %get3A_86 = arith.constant 0 : index
    %get3A_87 = vector.load %arg6[%get3A_84, %get3A_85, %get3A_86] : memref<20x512x32xf32, #tpu.memory_space<vmem>>, vector<1x512x32xf32>
    %get3A_88 = vector.shape_cast %get3A_87 : vector<1x512x32xf32> to vector<512x32xf32>
    %dot_general3A_89 = arith.constant dense<0.000000e+00> : vector<16x32xf32>
    %dot_general3A_90 = tpu.matmul %squeeze3A_67, %get3A_88, %dot_general3A_89 {dimension_numbers = #tpu.dot_dimension_numbers<[1], [0], [0], [1], [0, 0, 1, 1], [], []>, transpose_lhs_hint = false} : vector<16x512xf32>, vector<512x32xf32>, vector<16x32xf32> -> vector<16x32xf32>
    %add3A_91 = arith.addf %add3A_57, %dot_general3A_90 : vector<16x32xf32>
    %get3A_92 = arith.constant 1 : index
    %get3A_93 = arith.constant 0 : index
    %get3A_94 = arith.constant 0 : index
    %get3A_95 = vector.load %arg7[%get3A_92, %get3A_93, %get3A_94] : memref<20x512x32xf32, #tpu.memory_space<vmem>>, vector<1x512x32xf32>
    %get3A_96 = vector.shape_cast %get3A_95 : vector<1x512x32xf32> to vector<512x32xf32>
    %dot_general3A_97 = arith.constant dense<0.000000e+00> : vector<16x32xf32>
    %dot_general3A_98 = tpu.matmul %squeeze3A_67, %get3A_96, %dot_general3A_97 {dimension_numbers = #tpu.dot_dimension_numbers<[1], [0], [0], [1], [0, 0, 1, 1], [], []>, transpose_lhs_hint = false} : vector<16x512xf32>, vector<512x32xf32>, vector<16x32xf32> -> vector<16x32xf32>
    %add3A_99 = arith.addf %add3A_65, %dot_general3A_98 : vector<16x32xf32>
    %slice3A_100 = vector.extract_strided_slice %div3A_25 {offsets = [0, 2, 0], sizes = [16, 1, 512], strides = [1, 1, 1]} : vector<16x20x512xf32> to vector<16x1x512xf32>
    %squeeze3A_101 = vector.shape_cast %slice3A_100 : vector<16x1x512xf32> to vector<16x512xf32>
    %get3A_102 = arith.constant 2 : index
    %get3A_103 = arith.constant 0 : index
    %get3A_104 = arith.constant 0 : index
    %get3A_105 = vector.load %arg4[%get3A_102, %get3A_103, %get3A_104] : memref<20x512x64xf32, #tpu.memory_space<vmem>>, vector<1x512x64xf32>
    %get3A_106 = vector.shape_cast %get3A_105 : vector<1x512x64xf32> to vector<512x64xf32>
    %dot_general3A_107 = arith.constant dense<0.000000e+00> : vector<16x64xf32>
    %dot_general3A_108 = tpu.matmul %squeeze3A_101, %get3A_106, %dot_general3A_107 {dimension_numbers = #tpu.dot_dimension_numbers<[1], [0], [0], [1], [0, 0, 1, 1], [], []>, transpose_lhs_hint = false} : vector<16x512xf32>, vector<512x64xf32>, vector<16x64xf32> -> vector<16x64xf32>
    %add3A_109 = arith.addf %add3A_75, %dot_general3A_108 : vector<16x64xf32>
    %get3A_110 = arith.constant 2 : index
    %get3A_111 = arith.constant 0 : index
    %get3A_112 = arith.constant 0 : index
    %get3A_113 = vector.load %arg5[%get3A_110, %get3A_111, %get3A_112] : memref<20x512x64xf32, #tpu.memory_space<vmem>>, vector<1x512x64xf32>
    %get3A_114 = vector.shape_cast %get3A_113 : vector<1x512x64xf32> to vector<512x64xf32>
    %dot_general3A_115 = arith.constant dense<0.000000e+00> : vector<16x64xf32>
    %dot_general3A_116 = tpu.matmul %squeeze3A_101, %get3A_114, %dot_general3A_115 {dimension_numbers = #tpu.dot_dimension_numbers<[1], [0], [0], [1], [0, 0, 1, 1], [], []>, transpose_lhs_hint = false} : vector<16x512xf32>, vector<512x64xf32>, vector<16x64xf32> -> vector<16x64xf32>
    %add3A_117 = arith.addf %add3A_83, %dot_general3A_116 : vector<16x64xf32>
    %get3A_118 = arith.constant 2 : index
    %get3A_119 = arith.constant 0 : index
    %get3A_120 = arith.constant 0 : index
    %get3A_121 = vector.load %arg6[%get3A_118, %get3A_119, %get3A_120] : memref<20x512x32xf32, #tpu.memory_space<vmem>>, vector<1x512x32xf32>
    %get3A_122 = vector.shape_cast %get3A_121 : vector<1x512x32xf32> to vector<512x32xf32>
    %dot_general3A_123 = arith.constant dense<0.000000e+00> : vector<16x32xf32>
    %dot_general3A_124 = tpu.matmul %squeeze3A_101, %get3A_122, %dot_general3A_123 {dimension_numbers = #tpu.dot_dimension_numbers<[1], [0], [0], [1], [0, 0, 1, 1], [], []>, transpose_lhs_hint = false} : vector<16x512xf32>, vector<512x32xf32>, vector<16x32xf32> -> vector<16x32xf32>
    %add3A_125 = arith.addf %add3A_91, %dot_general3A_124 : vector<16x32xf32>
    %get3A_126 = arith.constant 2 : index
    %get3A_127 = arith.constant 0 : index
    %get3A_128 = arith.constant 0 : index
    %get3A_129 = vector.load %arg7[%get3A_126, %get3A_127, %get3A_128] : memref<20x512x32xf32, #tpu.memory_space<vmem>>, vector<1x512x32xf32>
    %get3A_130 = vector.shape_cast %get3A_129 : vector<1x512x32xf32> to vector<512x32xf32>
    %dot_general3A_131 = arith.constant dense<0.000000e+00> : vector<16x32xf32>
    %dot_general3A_132 = tpu.matmul %squeeze3A_101, %get3A_130, %dot_general3A_131 {dimension_numbers = #tpu.dot_dimension_numbers<[1], [0], [0], [1], [0, 0, 1, 1], [], []>, transpose_lhs_hint = false} : vector<16x512xf32>, vector<512x32xf32>, vector<16x32xf32> -> vector<16x32xf32>
    %add3A_133 = arith.addf %add3A_99, %dot_general3A_132 : vector<16x32xf32>
    %slice3A_134 = vector.extract_strided_slice %div3A_25 {offsets = [0, 3, 0], sizes = [16, 1, 512], strides = [1, 1, 1]} : vector<16x20x512xf32> to vector<16x1x512xf32>
    %squeeze3A_135 = vector.shape_cast %slice3A_134 : vector<16x1x512xf32> to vector<16x512xf32>
    %get3A_136 = arith.constant 3 : index
    %get3A_137 = arith.constant 0 : index
    %get3A_138 = arith.constant 0 : index
    %get3A_139 = vector.load %arg4[%get3A_136, %get3A_137, %get3A_138] : memref<20x512x64xf32, #tpu.memory_space<vmem>>, vector<1x512x64xf32>
    %get3A_140 = vector.shape_cast %get3A_139 : vector<1x512x64xf32> to vector<512x64xf32>
    %dot_general3A_141 = arith.constant dense<0.000000e+00> : vector<16x64xf32>
    %dot_general3A_142 = tpu.matmul %squeeze3A_135, %get3A_140, %dot_general3A_141 {dimension_numbers = #tpu.dot_dimension_numbers<[1], [0], [0], [1], [0, 0, 1, 1], [], []>, transpose_lhs_hint = false} : vector<16x512xf32>, vector<512x64xf32>, vector<16x64xf32> -> vector<16x64xf32>
    %add3A_143 = arith.addf %add3A_109, %dot_general3A_142 : vector<16x64xf32>
    %get3A_144 = arith.constant 3 : index
    %get3A_145 = arith.constant 0 : index
    %get3A_146 = arith.constant 0 : index
    %get3A_147 = vector.load %arg5[%get3A_144, %get3A_145, %get3A_146] : memref<20x512x64xf32, #tpu.memory_space<vmem>>, vector<1x512x64xf32>
    %get3A_148 = vector.shape_cast %get3A_147 : vector<1x512x64xf32> to vector<512x64xf32>
    %dot_general3A_149 = arith.constant dense<0.000000e+00> : vector<16x64xf32>
    %dot_general3A_150 = tpu.matmul %squeeze3A_135, %get3A_148, %dot_general3A_149 {dimension_numbers = #tpu.dot_dimension_numbers<[1], [0], [0], [1], [0, 0, 1, 1], [], []>, transpose_lhs_hint = false} : vector<16x512xf32>, vector<512x64xf32>, vector<16x64xf32> -> vector<16x64xf32>
    %add3A_151 = arith.addf %add3A_117, %dot_general3A_150 : vector<16x64xf32>
    %get3A_152 = arith.constant 3 : index
    %get3A_153 = arith.constant 0 : index
    %get3A_154 = arith.constant 0 : index
    %get3A_155 = vector.load %arg6[%get3A_152, %get3A_153, %get3A_154] : memref<20x512x32xf32, #tpu.memory_space<vmem>>, vector<1x512x32xf32>
    %get3A_156 = vector.shape_cast %get3A_155 : vector<1x512x32xf32> to vector<512x32xf32>
    %dot_general3A_157 = arith.constant dense<0.000000e+00> : vector<16x32xf32>
    %dot_general3A_158 = tpu.matmul %squeeze3A_135, %get3A_156, %dot_general3A_157 {dimension_numbers = #tpu.dot_dimension_numbers<[1], [0], [0], [1], [0, 0, 1, 1], [], []>, transpose_lhs_hint = false} : vector<16x512xf32>, vector<512x32xf32>, vector<16x32xf32> -> vector<16x32xf32>
    %add3A_159 = arith.addf %add3A_125, %dot_general3A_158 : vector<16x32xf32>
    %get3A_160 = arith.constant 3 : index
    %get3A_161 = arith.constant 0 : index
    %get3A_162 = arith.constant 0 : index
    %get3A_163 = vector.load %arg7[%get3A_160, %get3A_161, %get3A_162] : memref<20x512x32xf32, #tpu.memory_space<vmem>>, vector<1x512x32xf32>
    %get3A_164 = vector.shape_cast %get3A_163 : vector<1x512x32xf32> to vector<512x32xf32>
    %dot_general3A_165 = arith.constant dense<0.000000e+00> : vector<16x32xf32>
    %dot_general3A_166 = tpu.matmul %squeeze3A_135, %get3A_164, %dot_general3A_165 {dimension_numbers = #tpu.dot_dimension_numbers<[1], [0], [0], [1], [0, 0, 1, 1], [], []>, transpose_lhs_hint = false} : vector<16x512xf32>, vector<512x32xf32>, vector<16x32xf32> -> vector<16x32xf32>
    %add3A_167 = arith.addf %add3A_133, %dot_general3A_166 : vector<16x32xf32>
    %slice3A_168 = vector.extract_strided_slice %div3A_25 {offsets = [0, 4, 0], sizes = [16, 1, 512], strides = [1, 1, 1]} : vector<16x20x512xf32> to vector<16x1x512xf32>
    %squeeze3A_169 = vector.shape_cast %slice3A_168 : vector<16x1x512xf32> to vector<16x512xf32>
    %get3A_170 = arith.constant 4 : index
    %get3A_171 = arith.constant 0 : index
    %get3A_172 = arith.constant 0 : index
    %get3A_173 = vector.load %arg4[%get3A_170, %get3A_171, %get3A_172] : memref<20x512x64xf32, #tpu.memory_space<vmem>>, vector<1x512x64xf32>
    %get3A_174 = vector.shape_cast %get3A_173 : vector<1x512x64xf32> to vector<512x64xf32>
    %dot_general3A_175 = arith.constant dense<0.000000e+00> : vector<16x64xf32>
    %dot_general3A_176 = tpu.matmul %squeeze3A_169, %get3A_174, %dot_general3A_175 {dimension_numbers = #tpu.dot_dimension_numbers<[1], [0], [0], [1], [0, 0, 1, 1], [], []>, transpose_lhs_hint = false} : vector<16x512xf32>, vector<512x64xf32>, vector<16x64xf32> -> vector<16x64xf32>
    %add3A_177 = arith.addf %add3A_143, %dot_general3A_176 : vector<16x64xf32>
    %get3A_178 = arith.constant 4 : index
    %get3A_179 = arith.constant 0 : index
    %get3A_180 = arith.constant 0 : index
    %get3A_181 = vector.load %arg5[%get3A_178, %get3A_179, %get3A_180] : memref<20x512x64xf32, #tpu.memory_space<vmem>>, vector<1x512x64xf32>
    %get3A_182 = vector.shape_cast %get3A_181 : vector<1x512x64xf32> to vector<512x64xf32>
    %dot_general3A_183 = arith.constant dense<0.000000e+00> : vector<16x64xf32>
    %dot_general3A_184 = tpu.matmul %squeeze3A_169, %get3A_182, %dot_general3A_183 {dimension_numbers = #tpu.dot_dimension_numbers<[1], [0], [0], [1], [0, 0, 1, 1], [], []>, transpose_lhs_hint = false} : vector<16x512xf32>, vector<512x64xf32>, vector<16x64xf32> -> vector<16x64xf32>
    %add3A_185 = arith.addf %add3A_151, %dot_general3A_184 : vector<16x64xf32>
    %get3A_186 = arith.constant 4 : index
    %get3A_187 = arith.constant 0 : index
    %get3A_188 = arith.constant 0 : index
    %get3A_189 = vector.load %arg6[%get3A_186, %get3A_187, %get3A_188] : memref<20x512x32xf32, #tpu.memory_space<vmem>>, vector<1x512x32xf32>
    %get3A_190 = vector.shape_cast %get3A_189 : vector<1x512x32xf32> to vector<512x32xf32>
    %dot_general3A_191 = arith.constant dense<0.000000e+00> : vector<16x32xf32>
    %dot_general3A_192 = tpu.matmul %squeeze3A_169, %get3A_190, %dot_general3A_191 {dimension_numbers = #tpu.dot_dimension_numbers<[1], [0], [0], [1], [0, 0, 1, 1], [], []>, transpose_lhs_hint = false} : vector<16x512xf32>, vector<512x32xf32>, vector<16x32xf32> -> vector<16x32xf32>
    %add3A_193 = arith.addf %add3A_159, %dot_general3A_192 : vector<16x32xf32>
    %get3A_194 = arith.constant 4 : index
    %get3A_195 = arith.constant 0 : index
    %get3A_196 = arith.constant 0 : index
    %get3A_197 = vector.load %arg7[%get3A_194, %get3A_195, %get3A_196] : memref<20x512x32xf32, #tpu.memory_space<vmem>>, vector<1x512x32xf32>
    %get3A_198 = vector.shape_cast %get3A_197 : vector<1x512x32xf32> to vector<512x32xf32>
    %dot_general3A_199 = arith.constant dense<0.000000e+00> : vector<16x32xf32>
    %dot_general3A_200 = tpu.matmul %squeeze3A_169, %get3A_198, %dot_general3A_199 {dimension_numbers = #tpu.dot_dimension_numbers<[1], [0], [0], [1], [0, 0, 1, 1], [], []>, transpose_lhs_hint = false} : vector<16x512xf32>, vector<512x32xf32>, vector<16x32xf32> -> vector<16x32xf32>
    %add3A_201 = arith.addf %add3A_167, %dot_general3A_200 : vector<16x32xf32>
    %slice3A_202 = vector.extract_strided_slice %div3A_25 {offsets = [0, 5, 0], sizes = [16, 1, 512], strides = [1, 1, 1]} : vector<16x20x512xf32> to vector<16x1x512xf32>
    %squeeze3A_203 = vector.shape_cast %slice3A_202 : vector<16x1x512xf32> to vector<16x512xf32>
    %get3A_204 = arith.constant 5 : index
    %get3A_205 = arith.constant 0 : index
    %get3A_206 = arith.constant 0 : index
    %get3A_207 = vector.load %arg4[%get3A_204, %get3A_205, %get3A_206] : memref<20x512x64xf32, #tpu.memory_space<vmem>>, vector<1x512x64xf32>
    %get3A_208 = vector.shape_cast %get3A_207 : vector<1x512x64xf32> to vector<512x64xf32>
    %dot_general3A_209 = arith.constant dense<0.000000e+00> : vector<16x64xf32>
    %dot_general3A_210 = tpu.matmul %squeeze3A_203, %get3A_208, %dot_general3A_209 {dimension_numbers = #tpu.dot_dimension_numbers<[1], [0], [0], [1], [0, 0, 1, 1], [], []>, transpose_lhs_hint = false} : vector<16x512xf32>, vector<512x64xf32>, vector<16x64xf32> -> vector<16x64xf32>
    %add3A_211 = arith.addf %add3A_177, %dot_general3A_210 : vector<16x64xf32>
    %get3A_212 = arith.constant 5 : index
    %get3A_213 = arith.constant 0 : index
    %get3A_214 = arith.constant 0 : index
    %get3A_215 = vector.load %arg5[%get3A_212, %get3A_213, %get3A_214] : memref<20x512x64xf32, #tpu.memory_space<vmem>>, vector<1x512x64xf32>
    %get3A_216 = vector.shape_cast %get3A_215 : vector<1x512x64xf32> to vector<512x64xf32>
    %dot_general3A_217 = arith.constant dense<0.000000e+00> : vector<16x64xf32>
    %dot_general3A_218 = tpu.matmul %squeeze3A_203, %get3A_216, %dot_general3A_217 {dimension_numbers = #tpu.dot_dimension_numbers<[1], [0], [0], [1], [0, 0, 1, 1], [], []>, transpose_lhs_hint = false} : vector<16x512xf32>, vector<512x64xf32>, vector<16x64xf32> -> vector<16x64xf32>
    %add3A_219 = arith.addf %add3A_185, %dot_general3A_218 : vector<16x64xf32>
    %get3A_220 = arith.constant 5 : index
    %get3A_221 = arith.constant 0 : index
    %get3A_222 = arith.constant 0 : index
    %get3A_223 = vector.load %arg6[%get3A_220, %get3A_221, %get3A_222] : memref<20x512x32xf32, #tpu.memory_space<vmem>>, vector<1x512x32xf32>
    %get3A_224 = vector.shape_cast %get3A_223 : vector<1x512x32xf32> to vector<512x32xf32>
    %dot_general3A_225 = arith.constant dense<0.000000e+00> : vector<16x32xf32>
    %dot_general3A_226 = tpu.matmul %squeeze3A_203, %get3A_224, %dot_general3A_225 {dimension_numbers = #tpu.dot_dimension_numbers<[1], [0], [0], [1], [0, 0, 1, 1], [], []>, transpose_lhs_hint = false} : vector<16x512xf32>, vector<512x32xf32>, vector<16x32xf32> -> vector<16x32xf32>
    %add3A_227 = arith.addf %add3A_193, %dot_general3A_226 : vector<16x32xf32>
    %get3A_228 = arith.constant 5 : index
    %get3A_229 = arith.constant 0 : index
    %get3A_230 = arith.constant 0 : index
    %get3A_231 = vector.load %arg7[%get3A_228, %get3A_229, %get3A_230] : memref<20x512x32xf32, #tpu.memory_space<vmem>>, vector<1x512x32xf32>
    %get3A_232 = vector.shape_cast %get3A_231 : vector<1x512x32xf32> to vector<512x32xf32>
    %dot_general3A_233 = arith.constant dense<0.000000e+00> : vector<16x32xf32>
    %dot_general3A_234 = tpu.matmul %squeeze3A_203, %get3A_232, %dot_general3A_233 {dimension_numbers = #tpu.dot_dimension_numbers<[1], [0], [0], [1], [0, 0, 1, 1], [], []>, transpose_lhs_hint = false} : vector<16x512xf32>, vector<512x32xf32>, vector<16x32xf32> -> vector<16x32xf32>
    %add3A_235 = arith.addf %add3A_201, %dot_general3A_234 : vector<16x32xf32>
    %slice3A_236 = vector.extract_strided_slice %div3A_25 {offsets = [0, 6, 0], sizes = [16, 1, 512], strides = [1, 1, 1]} : vector<16x20x512xf32> to vector<16x1x512xf32>
    %squeeze3A_237 = vector.shape_cast %slice3A_236 : vector<16x1x512xf32> to vector<16x512xf32>
    %get3A_238 = arith.constant 6 : index
    %get3A_239 = arith.constant 0 : index
    %get3A_240 = arith.constant 0 : index
    %get3A_241 = vector.load %arg4[%get3A_238, %get3A_239, %get3A_240] : memref<20x512x64xf32, #tpu.memory_space<vmem>>, vector<1x512x64xf32>
    %get3A_242 = vector.shape_cast %get3A_241 : vector<1x512x64xf32> to vector<512x64xf32>
    %dot_general3A_243 = arith.constant dense<0.000000e+00> : vector<16x64xf32>
    %dot_general3A_244 = tpu.matmul %squeeze3A_237, %get3A_242, %dot_general3A_243 {dimension_numbers = #tpu.dot_dimension_numbers<[1], [0], [0], [1], [0, 0, 1, 1], [], []>, transpose_lhs_hint = false} : vector<16x512xf32>, vector<512x64xf32>, vector<16x64xf32> -> vector<16x64xf32>
    %add3A_245 = arith.addf %add3A_211, %dot_general3A_244 : vector<16x64xf32>
    %get3A_246 = arith.constant 6 : index
    %get3A_247 = arith.constant 0 : index
    %get3A_248 = arith.constant 0 : index
    %get3A_249 = vector.load %arg5[%get3A_246, %get3A_247, %get3A_248] : memref<20x512x64xf32, #tpu.memory_space<vmem>>, vector<1x512x64xf32>
    %get3A_250 = vector.shape_cast %get3A_249 : vector<1x512x64xf32> to vector<512x64xf32>
    %dot_general3A_251 = arith.constant dense<0.000000e+00> : vector<16x64xf32>
    %dot_general3A_252 = tpu.matmul %squeeze3A_237, %get3A_250, %dot_general3A_251 {dimension_numbers = #tpu.dot_dimension_numbers<[1], [0], [0], [1], [0, 0, 1, 1], [], []>, transpose_lhs_hint = false} : vector<16x512xf32>, vector<512x64xf32>, vector<16x64xf32> -> vector<16x64xf32>
    %add3A_253 = arith.addf %add3A_219, %dot_general3A_252 : vector<16x64xf32>
    %get3A_254 = arith.constant 6 : index
    %get3A_255 = arith.constant 0 : index
    %get3A_256 = arith.constant 0 : index
    %get3A_257 = vector.load %arg6[%get3A_254, %get3A_255, %get3A_256] : memref<20x512x32xf32, #tpu.memory_space<vmem>>, vector<1x512x32xf32>
    %get3A_258 = vector.shape_cast %get3A_257 : vector<1x512x32xf32> to vector<512x32xf32>
    %dot_general3A_259 = arith.constant dense<0.000000e+00> : vector<16x32xf32>
    %dot_general3A_260 = tpu.matmul %squeeze3A_237, %get3A_258, %dot_general3A_259 {dimension_numbers = #tpu.dot_dimension_numbers<[1], [0], [0], [1], [0, 0, 1, 1], [], []>, transpose_lhs_hint = false} : vector<16x512xf32>, vector<512x32xf32>, vector<16x32xf32> -> vector<16x32xf32>
    %add3A_261 = arith.addf %add3A_227, %dot_general3A_260 : vector<16x32xf32>
    %get3A_262 = arith.constant 6 : index
    %get3A_263 = arith.constant 0 : index
    %get3A_264 = arith.constant 0 : index
    %get3A_265 = vector.load %arg7[%get3A_262, %get3A_263, %get3A_264] : memref<20x512x32xf32, #tpu.memory_space<vmem>>, vector<1x512x32xf32>
    %get3A_266 = vector.shape_cast %get3A_265 : vector<1x512x32xf32> to vector<512x32xf32>
    %dot_general3A_267 = arith.constant dense<0.000000e+00> : vector<16x32xf32>
    %dot_general3A_268 = tpu.matmul %squeeze3A_237, %get3A_266, %dot_general3A_267 {dimension_numbers = #tpu.dot_dimension_numbers<[1], [0], [0], [1], [0, 0, 1, 1], [], []>, transpose_lhs_hint = false} : vector<16x512xf32>, vector<512x32xf32>, vector<16x32xf32> -> vector<16x32xf32>
    %add3A_269 = arith.addf %add3A_235, %dot_general3A_268 : vector<16x32xf32>
    %slice3A_270 = vector.extract_strided_slice %div3A_25 {offsets = [0, 7, 0], sizes = [16, 1, 512], strides = [1, 1, 1]} : vector<16x20x512xf32> to vector<16x1x512xf32>
    %squeeze3A_271 = vector.shape_cast %slice3A_270 : vector<16x1x512xf32> to vector<16x512xf32>
    %get3A_272 = arith.constant 7 : index
    %get3A_273 = arith.constant 0 : index
    %get3A_274 = arith.constant 0 : index
    %get3A_275 = vector.load %arg4[%get3A_272, %get3A_273, %get3A_274] : memref<20x512x64xf32, #tpu.memory_space<vmem>>, vector<1x512x64xf32>
    %get3A_276 = vector.shape_cast %get3A_275 : vector<1x512x64xf32> to vector<512x64xf32>
    %dot_general3A_277 = arith.constant dense<0.000000e+00> : vector<16x64xf32>
    %dot_general3A_278 = tpu.matmul %squeeze3A_271, %get3A_276, %dot_general3A_277 {dimension_numbers = #tpu.dot_dimension_numbers<[1], [0], [0], [1], [0, 0, 1, 1], [], []>, transpose_lhs_hint = false} : vector<16x512xf32>, vector<512x64xf32>, vector<16x64xf32> -> vector<16x64xf32>
    %add3A_279 = arith.addf %add3A_245, %dot_general3A_278 : vector<16x64xf32>
    %get3A_280 = arith.constant 7 : index
    %get3A_281 = arith.constant 0 : index
    %get3A_282 = arith.constant 0 : index
    %get3A_283 = vector.load %arg5[%get3A_280, %get3A_281, %get3A_282] : memref<20x512x64xf32, #tpu.memory_space<vmem>>, vector<1x512x64xf32>
    %get3A_284 = vector.shape_cast %get3A_283 : vector<1x512x64xf32> to vector<512x64xf32>
    %dot_general3A_285 = arith.constant dense<0.000000e+00> : vector<16x64xf32>
    %dot_general3A_286 = tpu.matmul %squeeze3A_271, %get3A_284, %dot_general3A_285 {dimension_numbers = #tpu.dot_dimension_numbers<[1], [0], [0], [1], [0, 0, 1, 1], [], []>, transpose_lhs_hint = false} : vector<16x512xf32>, vector<512x64xf32>, vector<16x64xf32> -> vector<16x64xf32>
    %add3A_287 = arith.addf %add3A_253, %dot_general3A_286 : vector<16x64xf32>
    %get3A_288 = arith.constant 7 : index
    %get3A_289 = arith.constant 0 : index
    %get3A_290 = arith.constant 0 : index
    %get3A_291 = vector.load %arg6[%get3A_288, %get3A_289, %get3A_290] : memref<20x512x32xf32, #tpu.memory_space<vmem>>, vector<1x512x32xf32>
    %get3A_292 = vector.shape_cast %get3A_291 : vector<1x512x32xf32> to vector<512x32xf32>
    %dot_general3A_293 = arith.constant dense<0.000000e+00> : vector<16x32xf32>
    %dot_general3A_294 = tpu.matmul %squeeze3A_271, %get3A_292, %dot_general3A_293 {dimension_numbers = #tpu.dot_dimension_numbers<[1], [0], [0], [1], [0, 0, 1, 1], [], []>, transpose_lhs_hint = false} : vector<16x512xf32>, vector<512x32xf32>, vector<16x32xf32> -> vector<16x32xf32>
    %add3A_295 = arith.addf %add3A_261, %dot_general3A_294 : vector<16x32xf32>
    %get3A_296 = arith.constant 7 : index
    %get3A_297 = arith.constant 0 : index
    %get3A_298 = arith.constant 0 : index
    %get3A_299 = vector.load %arg7[%get3A_296, %get3A_297, %get3A_298] : memref<20x512x32xf32, #tpu.memory_space<vmem>>, vector<1x512x32xf32>
    %get3A_300 = vector.shape_cast %get3A_299 : vector<1x512x32xf32> to vector<512x32xf32>
    %dot_general3A_301 = arith.constant dense<0.000000e+00> : vector<16x32xf32>
    %dot_general3A_302 = tpu.matmul %squeeze3A_271, %get3A_300, %dot_general3A_301 {dimension_numbers = #tpu.dot_dimension_numbers<[1], [0], [0], [1], [0, 0, 1, 1], [], []>, transpose_lhs_hint = false} : vector<16x512xf32>, vector<512x32xf32>, vector<16x32xf32> -> vector<16x32xf32>
    %add3A_303 = arith.addf %add3A_269, %dot_general3A_302 : vector<16x32xf32>
    %slice3A_304 = vector.extract_strided_slice %div3A_25 {offsets = [0, 8, 0], sizes = [16, 1, 512], strides = [1, 1, 1]} : vector<16x20x512xf32> to vector<16x1x512xf32>
    %squeeze3A_305 = vector.shape_cast %slice3A_304 : vector<16x1x512xf32> to vector<16x512xf32>
    %get3A_306 = arith.constant 8 : index
    %get3A_307 = arith.constant 0 : index
    %get3A_308 = arith.constant 0 : index
    %get3A_309 = vector.load %arg4[%get3A_306, %get3A_307, %get3A_308] : memref<20x512x64xf32, #tpu.memory_space<vmem>>, vector<1x512x64xf32>
    %get3A_310 = vector.shape_cast %get3A_309 : vector<1x512x64xf32> to vector<512x64xf32>
    %dot_general3A_311 = arith.constant dense<0.000000e+00> : vector<16x64xf32>
    %dot_general3A_312 = tpu.matmul %squeeze3A_305, %get3A_310, %dot_general3A_311 {dimension_numbers = #tpu.dot_dimension_numbers<[1], [0], [0], [1], [0, 0, 1, 1], [], []>, transpose_lhs_hint = false} : vector<16x512xf32>, vector<512x64xf32>, vector<16x64xf32> -> vector<16x64xf32>
    %add3A_313 = arith.addf %add3A_279, %dot_general3A_312 : vector<16x64xf32>
    %get3A_314 = arith.constant 8 : index
    %get3A_315 = arith.constant 0 : index
    %get3A_316 = arith.constant 0 : index
    %get3A_317 = vector.load %arg5[%get3A_314, %get3A_315, %get3A_316] : memref<20x512x64xf32, #tpu.memory_space<vmem>>, vector<1x512x64xf32>
    %get3A_318 = vector.shape_cast %get3A_317 : vector<1x512x64xf32> to vector<512x64xf32>
    %dot_general3A_319 = arith.constant dense<0.000000e+00> : vector<16x64xf32>
    %dot_general3A_320 = tpu.matmul %squeeze3A_305, %get3A_318, %dot_general3A_319 {dimension_numbers = #tpu.dot_dimension_numbers<[1], [0], [0], [1], [0, 0, 1, 1], [], []>, transpose_lhs_hint = false} : vector<16x512xf32>, vector<512x64xf32>, vector<16x64xf32> -> vector<16x64xf32>
    %add3A_321 = arith.addf %add3A_287, %dot_general3A_320 : vector<16x64xf32>
    %get3A_322 = arith.constant 8 : index
    %get3A_323 = arith.constant 0 : index
    %get3A_324 = arith.constant 0 : index
    %get3A_325 = vector.load %arg6[%get3A_322, %get3A_323, %get3A_324] : memref<20x512x32xf32, #tpu.memory_space<vmem>>, vector<1x512x32xf32>
    %get3A_326 = vector.shape_cast %get3A_325 : vector<1x512x32xf32> to vector<512x32xf32>
    %dot_general3A_327 = arith.constant dense<0.000000e+00> : vector<16x32xf32>
    %dot_general3A_328 = tpu.matmul %squeeze3A_305, %get3A_326, %dot_general3A_327 {dimension_numbers = #tpu.dot_dimension_numbers<[1], [0], [0], [1], [0, 0, 1, 1], [], []>, transpose_lhs_hint = false} : vector<16x512xf32>, vector<512x32xf32>, vector<16x32xf32> -> vector<16x32xf32>
    %add3A_329 = arith.addf %add3A_295, %dot_general3A_328 : vector<16x32xf32>
    %get3A_330 = arith.constant 8 : index
    %get3A_331 = arith.constant 0 : index
    %get3A_332 = arith.constant 0 : index
    %get3A_333 = vector.load %arg7[%get3A_330, %get3A_331, %get3A_332] : memref<20x512x32xf32, #tpu.memory_space<vmem>>, vector<1x512x32xf32>
    %get3A_334 = vector.shape_cast %get3A_333 : vector<1x512x32xf32> to vector<512x32xf32>
    %dot_general3A_335 = arith.constant dense<0.000000e+00> : vector<16x32xf32>
    %dot_general3A_336 = tpu.matmul %squeeze3A_305, %get3A_334, %dot_general3A_335 {dimension_numbers = #tpu.dot_dimension_numbers<[1], [0], [0], [1], [0, 0, 1, 1], [], []>, transpose_lhs_hint = false} : vector<16x512xf32>, vector<512x32xf32>, vector<16x32xf32> -> vector<16x32xf32>
    %add3A_337 = arith.addf %add3A_303, %dot_general3A_336 : vector<16x32xf32>
    %slice3A_338 = vector.extract_strided_slice %div3A_25 {offsets = [0, 9, 0], sizes = [16, 1, 512], strides = [1, 1, 1]} : vector<16x20x512xf32> to vector<16x1x512xf32>
    %squeeze3A_339 = vector.shape_cast %slice3A_338 : vector<16x1x512xf32> to vector<16x512xf32>
    %get3A_340 = arith.constant 9 : index
    %get3A_341 = arith.constant 0 : index
    %get3A_342 = arith.constant 0 : index
    %get3A_343 = vector.load %arg4[%get3A_340, %get3A_341, %get3A_342] : memref<20x512x64xf32, #tpu.memory_space<vmem>>, vector<1x512x64xf32>
    %get3A_344 = vector.shape_cast %get3A_343 : vector<1x512x64xf32> to vector<512x64xf32>
    %dot_general3A_345 = arith.constant dense<0.000000e+00> : vector<16x64xf32>
    %dot_general3A_346 = tpu.matmul %squeeze3A_339, %get3A_344, %dot_general3A_345 {dimension_numbers = #tpu.dot_dimension_numbers<[1], [0], [0], [1], [0, 0, 1, 1], [], []>, transpose_lhs_hint = false} : vector<16x512xf32>, vector<512x64xf32>, vector<16x64xf32> -> vector<16x64xf32>
    %add3A_347 = arith.addf %add3A_313, %dot_general3A_346 : vector<16x64xf32>
    %get3A_348 = arith.constant 9 : index
    %get3A_349 = arith.constant 0 : index
    %get3A_350 = arith.constant 0 : index
    %get3A_351 = vector.load %arg5[%get3A_348, %get3A_349, %get3A_350] : memref<20x512x64xf32, #tpu.memory_space<vmem>>, vector<1x512x64xf32>
    %get3A_352 = vector.shape_cast %get3A_351 : vector<1x512x64xf32> to vector<512x64xf32>
    %dot_general3A_353 = arith.constant dense<0.000000e+00> : vector<16x64xf32>
    %dot_general3A_354 = tpu.matmul %squeeze3A_339, %get3A_352, %dot_general3A_353 {dimension_numbers = #tpu.dot_dimension_numbers<[1], [0], [0], [1], [0, 0, 1, 1], [], []>, transpose_lhs_hint = false} : vector<16x512xf32>, vector<512x64xf32>, vector<16x64xf32> -> vector<16x64xf32>
    %add3A_355 = arith.addf %add3A_321, %dot_general3A_354 : vector<16x64xf32>
    %get3A_356 = arith.constant 9 : index
    %get3A_357 = arith.constant 0 : index
    %get3A_358 = arith.constant 0 : index
    %get3A_359 = vector.load %arg6[%get3A_356, %get3A_357, %get3A_358] : memref<20x512x32xf32, #tpu.memory_space<vmem>>, vector<1x512x32xf32>
    %get3A_360 = vector.shape_cast %get3A_359 : vector<1x512x32xf32> to vector<512x32xf32>
    %dot_general3A_361 = arith.constant dense<0.000000e+00> : vector<16x32xf32>
    %dot_general3A_362 = tpu.matmul %squeeze3A_339, %get3A_360, %dot_general3A_361 {dimension_numbers = #tpu.dot_dimension_numbers<[1], [0], [0], [1], [0, 0, 1, 1], [], []>, transpose_lhs_hint = false} : vector<16x512xf32>, vector<512x32xf32>, vector<16x32xf32> -> vector<16x32xf32>
    %add3A_363 = arith.addf %add3A_329, %dot_general3A_362 : vector<16x32xf32>
    %get3A_364 = arith.constant 9 : index
    %get3A_365 = arith.constant 0 : index
    %get3A_366 = arith.constant 0 : index
    %get3A_367 = vector.load %arg7[%get3A_364, %get3A_365, %get3A_366] : memref<20x512x32xf32, #tpu.memory_space<vmem>>, vector<1x512x32xf32>
    %get3A_368 = vector.shape_cast %get3A_367 : vector<1x512x32xf32> to vector<512x32xf32>
    %dot_general3A_369 = arith.constant dense<0.000000e+00> : vector<16x32xf32>
    %dot_general3A_370 = tpu.matmul %squeeze3A_339, %get3A_368, %dot_general3A_369 {dimension_numbers = #tpu.dot_dimension_numbers<[1], [0], [0], [1], [0, 0, 1, 1], [], []>, transpose_lhs_hint = false} : vector<16x512xf32>, vector<512x32xf32>, vector<16x32xf32> -> vector<16x32xf32>
    %add3A_371 = arith.addf %add3A_337, %dot_general3A_370 : vector<16x32xf32>
    %slice3A_372 = vector.extract_strided_slice %div3A_25 {offsets = [0, 10, 0], sizes = [16, 1, 512], strides = [1, 1, 1]} : vector<16x20x512xf32> to vector<16x1x512xf32>
    %squeeze3A_373 = vector.shape_cast %slice3A_372 : vector<16x1x512xf32> to vector<16x512xf32>
    %get3A_374 = arith.constant 10 : index
    %get3A_375 = arith.constant 0 : index
    %get3A_376 = arith.constant 0 : index
    %get3A_377 = vector.load %arg4[%get3A_374, %get3A_375, %get3A_376] : memref<20x512x64xf32, #tpu.memory_space<vmem>>, vector<1x512x64xf32>
    %get3A_378 = vector.shape_cast %get3A_377 : vector<1x512x64xf32> to vector<512x64xf32>
    %dot_general3A_379 = arith.constant dense<0.000000e+00> : vector<16x64xf32>
    %dot_general3A_380 = tpu.matmul %squeeze3A_373, %get3A_378, %dot_general3A_379 {dimension_numbers = #tpu.dot_dimension_numbers<[1], [0], [0], [1], [0, 0, 1, 1], [], []>, transpose_lhs_hint = false} : vector<16x512xf32>, vector<512x64xf32>, vector<16x64xf32> -> vector<16x64xf32>
    %add3A_381 = arith.addf %add3A_347, %dot_general3A_380 : vector<16x64xf32>
    %get3A_382 = arith.constant 10 : index
    %get3A_383 = arith.constant 0 : index
    %get3A_384 = arith.constant 0 : index
    %get3A_385 = vector.load %arg5[%get3A_382, %get3A_383, %get3A_384] : memref<20x512x64xf32, #tpu.memory_space<vmem>>, vector<1x512x64xf32>
    %get3A_386 = vector.shape_cast %get3A_385 : vector<1x512x64xf32> to vector<512x64xf32>
    %dot_general3A_387 = arith.constant dense<0.000000e+00> : vector<16x64xf32>
    %dot_general3A_388 = tpu.matmul %squeeze3A_373, %get3A_386, %dot_general3A_387 {dimension_numbers = #tpu.dot_dimension_numbers<[1], [0], [0], [1], [0, 0, 1, 1], [], []>, transpose_lhs_hint = false} : vector<16x512xf32>, vector<512x64xf32>, vector<16x64xf32> -> vector<16x64xf32>
    %add3A_389 = arith.addf %add3A_355, %dot_general3A_388 : vector<16x64xf32>
    %get3A_390 = arith.constant 10 : index
    %get3A_391 = arith.constant 0 : index
    %get3A_392 = arith.constant 0 : index
    %get3A_393 = vector.load %arg6[%get3A_390, %get3A_391, %get3A_392] : memref<20x512x32xf32, #tpu.memory_space<vmem>>, vector<1x512x32xf32>
    %get3A_394 = vector.shape_cast %get3A_393 : vector<1x512x32xf32> to vector<512x32xf32>
    %dot_general3A_395 = arith.constant dense<0.000000e+00> : vector<16x32xf32>
    %dot_general3A_396 = tpu.matmul %squeeze3A_373, %get3A_394, %dot_general3A_395 {dimension_numbers = #tpu.dot_dimension_numbers<[1], [0], [0], [1], [0, 0, 1, 1], [], []>, transpose_lhs_hint = false} : vector<16x512xf32>, vector<512x32xf32>, vector<16x32xf32> -> vector<16x32xf32>
    %add3A_397 = arith.addf %add3A_363, %dot_general3A_396 : vector<16x32xf32>
    %get3A_398 = arith.constant 10 : index
    %get3A_399 = arith.constant 0 : index
    %get3A_400 = arith.constant 0 : index
    %get3A_401 = vector.load %arg7[%get3A_398, %get3A_399, %get3A_400] : memref<20x512x32xf32, #tpu.memory_space<vmem>>, vector<1x512x32xf32>
    %get3A_402 = vector.shape_cast %get3A_401 : vector<1x512x32xf32> to vector<512x32xf32>
    %dot_general3A_403 = arith.constant dense<0.000000e+00> : vector<16x32xf32>
    %dot_general3A_404 = tpu.matmul %squeeze3A_373, %get3A_402, %dot_general3A_403 {dimension_numbers = #tpu.dot_dimension_numbers<[1], [0], [0], [1], [0, 0, 1, 1], [], []>, transpose_lhs_hint = false} : vector<16x512xf32>, vector<512x32xf32>, vector<16x32xf32> -> vector<16x32xf32>
    %add3A_405 = arith.addf %add3A_371, %dot_general3A_404 : vector<16x32xf32>
    %slice3A_406 = vector.extract_strided_slice %div3A_25 {offsets = [0, 11, 0], sizes = [16, 1, 512], strides = [1, 1, 1]} : vector<16x20x512xf32> to vector<16x1x512xf32>
    %squeeze3A_407 = vector.shape_cast %slice3A_406 : vector<16x1x512xf32> to vector<16x512xf32>
    %get3A_408 = arith.constant 11 : index
    %get3A_409 = arith.constant 0 : index
    %get3A_410 = arith.constant 0 : index
    %get3A_411 = vector.load %arg4[%get3A_408, %get3A_409, %get3A_410] : memref<20x512x64xf32, #tpu.memory_space<vmem>>, vector<1x512x64xf32>
    %get3A_412 = vector.shape_cast %get3A_411 : vector<1x512x64xf32> to vector<512x64xf32>
    %dot_general3A_413 = arith.constant dense<0.000000e+00> : vector<16x64xf32>
    %dot_general3A_414 = tpu.matmul %squeeze3A_407, %get3A_412, %dot_general3A_413 {dimension_numbers = #tpu.dot_dimension_numbers<[1], [0], [0], [1], [0, 0, 1, 1], [], []>, transpose_lhs_hint = false} : vector<16x512xf32>, vector<512x64xf32>, vector<16x64xf32> -> vector<16x64xf32>
    %add3A_415 = arith.addf %add3A_381, %dot_general3A_414 : vector<16x64xf32>
    %get3A_416 = arith.constant 11 : index
    %get3A_417 = arith.constant 0 : index
    %get3A_418 = arith.constant 0 : index
    %get3A_419 = vector.load %arg5[%get3A_416, %get3A_417, %get3A_418] : memref<20x512x64xf32, #tpu.memory_space<vmem>>, vector<1x512x64xf32>
    %get3A_420 = vector.shape_cast %get3A_419 : vector<1x512x64xf32> to vector<512x64xf32>
    %dot_general3A_421 = arith.constant dense<0.000000e+00> : vector<16x64xf32>
    %dot_general3A_422 = tpu.matmul %squeeze3A_407, %get3A_420, %dot_general3A_421 {dimension_numbers = #tpu.dot_dimension_numbers<[1], [0], [0], [1], [0, 0, 1, 1], [], []>, transpose_lhs_hint = false} : vector<16x512xf32>, vector<512x64xf32>, vector<16x64xf32> -> vector<16x64xf32>
    %add3A_423 = arith.addf %add3A_389, %dot_general3A_422 : vector<16x64xf32>
    %get3A_424 = arith.constant 11 : index
    %get3A_425 = arith.constant 0 : index
    %get3A_426 = arith.constant 0 : index
    %get3A_427 = vector.load %arg6[%get3A_424, %get3A_425, %get3A_426] : memref<20x512x32xf32, #tpu.memory_space<vmem>>, vector<1x512x32xf32>
    %get3A_428 = vector.shape_cast %get3A_427 : vector<1x512x32xf32> to vector<512x32xf32>
    %dot_general3A_429 = arith.constant dense<0.000000e+00> : vector<16x32xf32>
    %dot_general3A_430 = tpu.matmul %squeeze3A_407, %get3A_428, %dot_general3A_429 {dimension_numbers = #tpu.dot_dimension_numbers<[1], [0], [0], [1], [0, 0, 1, 1], [], []>, transpose_lhs_hint = false} : vector<16x512xf32>, vector<512x32xf32>, vector<16x32xf32> -> vector<16x32xf32>
    %add3A_431 = arith.addf %add3A_397, %dot_general3A_430 : vector<16x32xf32>
    %get3A_432 = arith.constant 11 : index
    %get3A_433 = arith.constant 0 : index
    %get3A_434 = arith.constant 0 : index
    %get3A_435 = vector.load %arg7[%get3A_432, %get3A_433, %get3A_434] : memref<20x512x32xf32, #tpu.memory_space<vmem>>, vector<1x512x32xf32>
    %get3A_436 = vector.shape_cast %get3A_435 : vector<1x512x32xf32> to vector<512x32xf32>
    %dot_general3A_437 = arith.constant dense<0.000000e+00> : vector<16x32xf32>
    %dot_general3A_438 = tpu.matmul %squeeze3A_407, %get3A_436, %dot_general3A_437 {dimension_numbers = #tpu.dot_dimension_numbers<[1], [0], [0], [1], [0, 0, 1, 1], [], []>, transpose_lhs_hint = false} : vector<16x512xf32>, vector<512x32xf32>, vector<16x32xf32> -> vector<16x32xf32>
    %add3A_439 = arith.addf %add3A_405, %dot_general3A_438 : vector<16x32xf32>
    %slice3A_440 = vector.extract_strided_slice %div3A_25 {offsets = [0, 12, 0], sizes = [16, 1, 512], strides = [1, 1, 1]} : vector<16x20x512xf32> to vector<16x1x512xf32>
    %squeeze3A_441 = vector.shape_cast %slice3A_440 : vector<16x1x512xf32> to vector<16x512xf32>
    %get3A_442 = arith.constant 12 : index
    %get3A_443 = arith.constant 0 : index
    %get3A_444 = arith.constant 0 : index
    %get3A_445 = vector.load %arg4[%get3A_442, %get3A_443, %get3A_444] : memref<20x512x64xf32, #tpu.memory_space<vmem>>, vector<1x512x64xf32>
    %get3A_446 = vector.shape_cast %get3A_445 : vector<1x512x64xf32> to vector<512x64xf32>
    %dot_general3A_447 = arith.constant dense<0.000000e+00> : vector<16x64xf32>
    %dot_general3A_448 = tpu.matmul %squeeze3A_441, %get3A_446, %dot_general3A_447 {dimension_numbers = #tpu.dot_dimension_numbers<[1], [0], [0], [1], [0, 0, 1, 1], [], []>, transpose_lhs_hint = false} : vector<16x512xf32>, vector<512x64xf32>, vector<16x64xf32> -> vector<16x64xf32>
    %add3A_449 = arith.addf %add3A_415, %dot_general3A_448 : vector<16x64xf32>
    %get3A_450 = arith.constant 12 : index
    %get3A_451 = arith.constant 0 : index
    %get3A_452 = arith.constant 0 : index
    %get3A_453 = vector.load %arg5[%get3A_450, %get3A_451, %get3A_452] : memref<20x512x64xf32, #tpu.memory_space<vmem>>, vector<1x512x64xf32>
    %get3A_454 = vector.shape_cast %get3A_453 : vector<1x512x64xf32> to vector<512x64xf32>
    %dot_general3A_455 = arith.constant dense<0.000000e+00> : vector<16x64xf32>
    %dot_general3A_456 = tpu.matmul %squeeze3A_441, %get3A_454, %dot_general3A_455 {dimension_numbers = #tpu.dot_dimension_numbers<[1], [0], [0], [1], [0, 0, 1, 1], [], []>, transpose_lhs_hint = false} : vector<16x512xf32>, vector<512x64xf32>, vector<16x64xf32> -> vector<16x64xf32>
    %add3A_457 = arith.addf %add3A_423, %dot_general3A_456 : vector<16x64xf32>
    %get3A_458 = arith.constant 12 : index
    %get3A_459 = arith.constant 0 : index
    %get3A_460 = arith.constant 0 : index
    %get3A_461 = vector.load %arg6[%get3A_458, %get3A_459, %get3A_460] : memref<20x512x32xf32, #tpu.memory_space<vmem>>, vector<1x512x32xf32>
    %get3A_462 = vector.shape_cast %get3A_461 : vector<1x512x32xf32> to vector<512x32xf32>
    %dot_general3A_463 = arith.constant dense<0.000000e+00> : vector<16x32xf32>
    %dot_general3A_464 = tpu.matmul %squeeze3A_441, %get3A_462, %dot_general3A_463 {dimension_numbers = #tpu.dot_dimension_numbers<[1], [0], [0], [1], [0, 0, 1, 1], [], []>, transpose_lhs_hint = false} : vector<16x512xf32>, vector<512x32xf32>, vector<16x32xf32> -> vector<16x32xf32>
    %add3A_465 = arith.addf %add3A_431, %dot_general3A_464 : vector<16x32xf32>
    %get3A_466 = arith.constant 12 : index
    %get3A_467 = arith.constant 0 : index
    %get3A_468 = arith.constant 0 : index
    %get3A_469 = vector.load %arg7[%get3A_466, %get3A_467, %get3A_468] : memref<20x512x32xf32, #tpu.memory_space<vmem>>, vector<1x512x32xf32>
    %get3A_470 = vector.shape_cast %get3A_469 : vector<1x512x32xf32> to vector<512x32xf32>
    %dot_general3A_471 = arith.constant dense<0.000000e+00> : vector<16x32xf32>
    %dot_general3A_472 = tpu.matmul %squeeze3A_441, %get3A_470, %dot_general3A_471 {dimension_numbers = #tpu.dot_dimension_numbers<[1], [0], [0], [1], [0, 0, 1, 1], [], []>, transpose_lhs_hint = false} : vector<16x512xf32>, vector<512x32xf32>, vector<16x32xf32> -> vector<16x32xf32>
    %add3A_473 = arith.addf %add3A_439, %dot_general3A_472 : vector<16x32xf32>
    %slice3A_474 = vector.extract_strided_slice %div3A_25 {offsets = [0, 13, 0], sizes = [16, 1, 512], strides = [1, 1, 1]} : vector<16x20x512xf32> to vector<16x1x512xf32>
    %squeeze3A_475 = vector.shape_cast %slice3A_474 : vector<16x1x512xf32> to vector<16x512xf32>
    %get3A_476 = arith.constant 13 : index
    %get3A_477 = arith.constant 0 : index
    %get3A_478 = arith.constant 0 : index
    %get3A_479 = vector.load %arg4[%get3A_476, %get3A_477, %get3A_478] : memref<20x512x64xf32, #tpu.memory_space<vmem>>, vector<1x512x64xf32>
    %get3A_480 = vector.shape_cast %get3A_479 : vector<1x512x64xf32> to vector<512x64xf32>
    %dot_general3A_481 = arith.constant dense<0.000000e+00> : vector<16x64xf32>
    %dot_general3A_482 = tpu.matmul %squeeze3A_475, %get3A_480, %dot_general3A_481 {dimension_numbers = #tpu.dot_dimension_numbers<[1], [0], [0], [1], [0, 0, 1, 1], [], []>, transpose_lhs_hint = false} : vector<16x512xf32>, vector<512x64xf32>, vector<16x64xf32> -> vector<16x64xf32>
    %add3A_483 = arith.addf %add3A_449, %dot_general3A_482 : vector<16x64xf32>
    %get3A_484 = arith.constant 13 : index
    %get3A_485 = arith.constant 0 : index
    %get3A_486 = arith.constant 0 : index
    %get3A_487 = vector.load %arg5[%get3A_484, %get3A_485, %get3A_486] : memref<20x512x64xf32, #tpu.memory_space<vmem>>, vector<1x512x64xf32>
    %get3A_488 = vector.shape_cast %get3A_487 : vector<1x512x64xf32> to vector<512x64xf32>
    %dot_general3A_489 = arith.constant dense<0.000000e+00> : vector<16x64xf32>
    %dot_general3A_490 = tpu.matmul %squeeze3A_475, %get3A_488, %dot_general3A_489 {dimension_numbers = #tpu.dot_dimension_numbers<[1], [0], [0], [1], [0, 0, 1, 1], [], []>, transpose_lhs_hint = false} : vector<16x512xf32>, vector<512x64xf32>, vector<16x64xf32> -> vector<16x64xf32>
    %add3A_491 = arith.addf %add3A_457, %dot_general3A_490 : vector<16x64xf32>
    %get3A_492 = arith.constant 13 : index
    %get3A_493 = arith.constant 0 : index
    %get3A_494 = arith.constant 0 : index
    %get3A_495 = vector.load %arg6[%get3A_492, %get3A_493, %get3A_494] : memref<20x512x32xf32, #tpu.memory_space<vmem>>, vector<1x512x32xf32>
    %get3A_496 = vector.shape_cast %get3A_495 : vector<1x512x32xf32> to vector<512x32xf32>
    %dot_general3A_497 = arith.constant dense<0.000000e+00> : vector<16x32xf32>
    %dot_general3A_498 = tpu.matmul %squeeze3A_475, %get3A_496, %dot_general3A_497 {dimension_numbers = #tpu.dot_dimension_numbers<[1], [0], [0], [1], [0, 0, 1, 1], [], []>, transpose_lhs_hint = false} : vector<16x512xf32>, vector<512x32xf32>, vector<16x32xf32> -> vector<16x32xf32>
    %add3A_499 = arith.addf %add3A_465, %dot_general3A_498 : vector<16x32xf32>
    %get3A_500 = arith.constant 13 : index
    %get3A_501 = arith.constant 0 : index
    %get3A_502 = arith.constant 0 : index
    %get3A_503 = vector.load %arg7[%get3A_500, %get3A_501, %get3A_502] : memref<20x512x32xf32, #tpu.memory_space<vmem>>, vector<1x512x32xf32>
    %get3A_504 = vector.shape_cast %get3A_503 : vector<1x512x32xf32> to vector<512x32xf32>
    %dot_general3A_505 = arith.constant dense<0.000000e+00> : vector<16x32xf32>
    %dot_general3A_506 = tpu.matmul %squeeze3A_475, %get3A_504, %dot_general3A_505 {dimension_numbers = #tpu.dot_dimension_numbers<[1], [0], [0], [1], [0, 0, 1, 1], [], []>, transpose_lhs_hint = false} : vector<16x512xf32>, vector<512x32xf32>, vector<16x32xf32> -> vector<16x32xf32>
    %add3A_507 = arith.addf %add3A_473, %dot_general3A_506 : vector<16x32xf32>
    %slice3A_508 = vector.extract_strided_slice %div3A_25 {offsets = [0, 14, 0], sizes = [16, 1, 512], strides = [1, 1, 1]} : vector<16x20x512xf32> to vector<16x1x512xf32>
    %squeeze3A_509 = vector.shape_cast %slice3A_508 : vector<16x1x512xf32> to vector<16x512xf32>
    %get3A_510 = arith.constant 14 : index
    %get3A_511 = arith.constant 0 : index
    %get3A_512 = arith.constant 0 : index
    %get3A_513 = vector.load %arg4[%get3A_510, %get3A_511, %get3A_512] : memref<20x512x64xf32, #tpu.memory_space<vmem>>, vector<1x512x64xf32>
    %get3A_514 = vector.shape_cast %get3A_513 : vector<1x512x64xf32> to vector<512x64xf32>
    %dot_general3A_515 = arith.constant dense<0.000000e+00> : vector<16x64xf32>
    %dot_general3A_516 = tpu.matmul %squeeze3A_509, %get3A_514, %dot_general3A_515 {dimension_numbers = #tpu.dot_dimension_numbers<[1], [0], [0], [1], [0, 0, 1, 1], [], []>, transpose_lhs_hint = false} : vector<16x512xf32>, vector<512x64xf32>, vector<16x64xf32> -> vector<16x64xf32>
    %add3A_517 = arith.addf %add3A_483, %dot_general3A_516 : vector<16x64xf32>
    %get3A_518 = arith.constant 14 : index
    %get3A_519 = arith.constant 0 : index
    %get3A_520 = arith.constant 0 : index
    %get3A_521 = vector.load %arg5[%get3A_518, %get3A_519, %get3A_520] : memref<20x512x64xf32, #tpu.memory_space<vmem>>, vector<1x512x64xf32>
    %get3A_522 = vector.shape_cast %get3A_521 : vector<1x512x64xf32> to vector<512x64xf32>
    %dot_general3A_523 = arith.constant dense<0.000000e+00> : vector<16x64xf32>
    %dot_general3A_524 = tpu.matmul %squeeze3A_509, %get3A_522, %dot_general3A_523 {dimension_numbers = #tpu.dot_dimension_numbers<[1], [0], [0], [1], [0, 0, 1, 1], [], []>, transpose_lhs_hint = false} : vector<16x512xf32>, vector<512x64xf32>, vector<16x64xf32> -> vector<16x64xf32>
    %add3A_525 = arith.addf %add3A_491, %dot_general3A_524 : vector<16x64xf32>
    %get3A_526 = arith.constant 14 : index
    %get3A_527 = arith.constant 0 : index
    %get3A_528 = arith.constant 0 : index
    %get3A_529 = vector.load %arg6[%get3A_526, %get3A_527, %get3A_528] : memref<20x512x32xf32, #tpu.memory_space<vmem>>, vector<1x512x32xf32>
    %get3A_530 = vector.shape_cast %get3A_529 : vector<1x512x32xf32> to vector<512x32xf32>
    %dot_general3A_531 = arith.constant dense<0.000000e+00> : vector<16x32xf32>
    %dot_general3A_532 = tpu.matmul %squeeze3A_509, %get3A_530, %dot_general3A_531 {dimension_numbers = #tpu.dot_dimension_numbers<[1], [0], [0], [1], [0, 0, 1, 1], [], []>, transpose_lhs_hint = false} : vector<16x512xf32>, vector<512x32xf32>, vector<16x32xf32> -> vector<16x32xf32>
    %add3A_533 = arith.addf %add3A_499, %dot_general3A_532 : vector<16x32xf32>
    %get3A_534 = arith.constant 14 : index
    %get3A_535 = arith.constant 0 : index
    %get3A_536 = arith.constant 0 : index
    %get3A_537 = vector.load %arg7[%get3A_534, %get3A_535, %get3A_536] : memref<20x512x32xf32, #tpu.memory_space<vmem>>, vector<1x512x32xf32>
    %get3A_538 = vector.shape_cast %get3A_537 : vector<1x512x32xf32> to vector<512x32xf32>
    %dot_general3A_539 = arith.constant dense<0.000000e+00> : vector<16x32xf32>
    %dot_general3A_540 = tpu.matmul %squeeze3A_509, %get3A_538, %dot_general3A_539 {dimension_numbers = #tpu.dot_dimension_numbers<[1], [0], [0], [1], [0, 0, 1, 1], [], []>, transpose_lhs_hint = false} : vector<16x512xf32>, vector<512x32xf32>, vector<16x32xf32> -> vector<16x32xf32>
    %add3A_541 = arith.addf %add3A_507, %dot_general3A_540 : vector<16x32xf32>
    %slice3A_542 = vector.extract_strided_slice %div3A_25 {offsets = [0, 15, 0], sizes = [16, 1, 512], strides = [1, 1, 1]} : vector<16x20x512xf32> to vector<16x1x512xf32>
    %squeeze3A_543 = vector.shape_cast %slice3A_542 : vector<16x1x512xf32> to vector<16x512xf32>
    %get3A_544 = arith.constant 15 : index
    %get3A_545 = arith.constant 0 : index
    %get3A_546 = arith.constant 0 : index
    %get3A_547 = vector.load %arg4[%get3A_544, %get3A_545, %get3A_546] : memref<20x512x64xf32, #tpu.memory_space<vmem>>, vector<1x512x64xf32>
    %get3A_548 = vector.shape_cast %get3A_547 : vector<1x512x64xf32> to vector<512x64xf32>
    %dot_general3A_549 = arith.constant dense<0.000000e+00> : vector<16x64xf32>
    %dot_general3A_550 = tpu.matmul %squeeze3A_543, %get3A_548, %dot_general3A_549 {dimension_numbers = #tpu.dot_dimension_numbers<[1], [0], [0], [1], [0, 0, 1, 1], [], []>, transpose_lhs_hint = false} : vector<16x512xf32>, vector<512x64xf32>, vector<16x64xf32> -> vector<16x64xf32>
    %add3A_551 = arith.addf %add3A_517, %dot_general3A_550 : vector<16x64xf32>
    %get3A_552 = arith.constant 15 : index
    %get3A_553 = arith.constant 0 : index
    %get3A_554 = arith.constant 0 : index
    %get3A_555 = vector.load %arg5[%get3A_552, %get3A_553, %get3A_554] : memref<20x512x64xf32, #tpu.memory_space<vmem>>, vector<1x512x64xf32>
    %get3A_556 = vector.shape_cast %get3A_555 : vector<1x512x64xf32> to vector<512x64xf32>
    %dot_general3A_557 = arith.constant dense<0.000000e+00> : vector<16x64xf32>
    %dot_general3A_558 = tpu.matmul %squeeze3A_543, %get3A_556, %dot_general3A_557 {dimension_numbers = #tpu.dot_dimension_numbers<[1], [0], [0], [1], [0, 0, 1, 1], [], []>, transpose_lhs_hint = false} : vector<16x512xf32>, vector<512x64xf32>, vector<16x64xf32> -> vector<16x64xf32>
    %add3A_559 = arith.addf %add3A_525, %dot_general3A_558 : vector<16x64xf32>
    %get3A_560 = arith.constant 15 : index
    %get3A_561 = arith.constant 0 : index
    %get3A_562 = arith.constant 0 : index
    %get3A_563 = vector.load %arg6[%get3A_560, %get3A_561, %get3A_562] : memref<20x512x32xf32, #tpu.memory_space<vmem>>, vector<1x512x32xf32>
    %get3A_564 = vector.shape_cast %get3A_563 : vector<1x512x32xf32> to vector<512x32xf32>
    %dot_general3A_565 = arith.constant dense<0.000000e+00> : vector<16x32xf32>
    %dot_general3A_566 = tpu.matmul %squeeze3A_543, %get3A_564, %dot_general3A_565 {dimension_numbers = #tpu.dot_dimension_numbers<[1], [0], [0], [1], [0, 0, 1, 1], [], []>, transpose_lhs_hint = false} : vector<16x512xf32>, vector<512x32xf32>, vector<16x32xf32> -> vector<16x32xf32>
    %add3A_567 = arith.addf %add3A_533, %dot_general3A_566 : vector<16x32xf32>
    %get3A_568 = arith.constant 15 : index
    %get3A_569 = arith.constant 0 : index
    %get3A_570 = arith.constant 0 : index
    %get3A_571 = vector.load %arg7[%get3A_568, %get3A_569, %get3A_570] : memref<20x512x32xf32, #tpu.memory_space<vmem>>, vector<1x512x32xf32>
    %get3A_572 = vector.shape_cast %get3A_571 : vector<1x512x32xf32> to vector<512x32xf32>
    %dot_general3A_573 = arith.constant dense<0.000000e+00> : vector<16x32xf32>
    %dot_general3A_574 = tpu.matmul %squeeze3A_543, %get3A_572, %dot_general3A_573 {dimension_numbers = #tpu.dot_dimension_numbers<[1], [0], [0], [1], [0, 0, 1, 1], [], []>, transpose_lhs_hint = false} : vector<16x512xf32>, vector<512x32xf32>, vector<16x32xf32> -> vector<16x32xf32>
    %add3A_575 = arith.addf %add3A_541, %dot_general3A_574 : vector<16x32xf32>
    %slice3A_576 = vector.extract_strided_slice %div3A_25 {offsets = [0, 16, 0], sizes = [16, 1, 512], strides = [1, 1, 1]} : vector<16x20x512xf32> to vector<16x1x512xf32>
    %squeeze3A_577 = vector.shape_cast %slice3A_576 : vector<16x1x512xf32> to vector<16x512xf32>
    %get3A_578 = arith.constant 16 : index
    %get3A_579 = arith.constant 0 : index
    %get3A_580 = arith.constant 0 : index
    %get3A_581 = vector.load %arg4[%get3A_578, %get3A_579, %get3A_580] : memref<20x512x64xf32, #tpu.memory_space<vmem>>, vector<1x512x64xf32>
    %get3A_582 = vector.shape_cast %get3A_581 : vector<1x512x64xf32> to vector<512x64xf32>
    %dot_general3A_583 = arith.constant dense<0.000000e+00> : vector<16x64xf32>
    %dot_general3A_584 = tpu.matmul %squeeze3A_577, %get3A_582, %dot_general3A_583 {dimension_numbers = #tpu.dot_dimension_numbers<[1], [0], [0], [1], [0, 0, 1, 1], [], []>, transpose_lhs_hint = false} : vector<16x512xf32>, vector<512x64xf32>, vector<16x64xf32> -> vector<16x64xf32>
    %add3A_585 = arith.addf %add3A_551, %dot_general3A_584 : vector<16x64xf32>
    %get3A_586 = arith.constant 16 : index
    %get3A_587 = arith.constant 0 : index
    %get3A_588 = arith.constant 0 : index
    %get3A_589 = vector.load %arg5[%get3A_586, %get3A_587, %get3A_588] : memref<20x512x64xf32, #tpu.memory_space<vmem>>, vector<1x512x64xf32>
    %get3A_590 = vector.shape_cast %get3A_589 : vector<1x512x64xf32> to vector<512x64xf32>
    %dot_general3A_591 = arith.constant dense<0.000000e+00> : vector<16x64xf32>
    %dot_general3A_592 = tpu.matmul %squeeze3A_577, %get3A_590, %dot_general3A_591 {dimension_numbers = #tpu.dot_dimension_numbers<[1], [0], [0], [1], [0, 0, 1, 1], [], []>, transpose_lhs_hint = false} : vector<16x512xf32>, vector<512x64xf32>, vector<16x64xf32> -> vector<16x64xf32>
    %add3A_593 = arith.addf %add3A_559, %dot_general3A_592 : vector<16x64xf32>
    %get3A_594 = arith.constant 16 : index
    %get3A_595 = arith.constant 0 : index
    %get3A_596 = arith.constant 0 : index
    %get3A_597 = vector.load %arg6[%get3A_594, %get3A_595, %get3A_596] : memref<20x512x32xf32, #tpu.memory_space<vmem>>, vector<1x512x32xf32>
    %get3A_598 = vector.shape_cast %get3A_597 : vector<1x512x32xf32> to vector<512x32xf32>
    %dot_general3A_599 = arith.constant dense<0.000000e+00> : vector<16x32xf32>
    %dot_general3A_600 = tpu.matmul %squeeze3A_577, %get3A_598, %dot_general3A_599 {dimension_numbers = #tpu.dot_dimension_numbers<[1], [0], [0], [1], [0, 0, 1, 1], [], []>, transpose_lhs_hint = false} : vector<16x512xf32>, vector<512x32xf32>, vector<16x32xf32> -> vector<16x32xf32>
    %add3A_601 = arith.addf %add3A_567, %dot_general3A_600 : vector<16x32xf32>
    %get3A_602 = arith.constant 16 : index
    %get3A_603 = arith.constant 0 : index
    %get3A_604 = arith.constant 0 : index
    %get3A_605 = vector.load %arg7[%get3A_602, %get3A_603, %get3A_604] : memref<20x512x32xf32, #tpu.memory_space<vmem>>, vector<1x512x32xf32>
    %get3A_606 = vector.shape_cast %get3A_605 : vector<1x512x32xf32> to vector<512x32xf32>
    %dot_general3A_607 = arith.constant dense<0.000000e+00> : vector<16x32xf32>
    %dot_general3A_608 = tpu.matmul %squeeze3A_577, %get3A_606, %dot_general3A_607 {dimension_numbers = #tpu.dot_dimension_numbers<[1], [0], [0], [1], [0, 0, 1, 1], [], []>, transpose_lhs_hint = false} : vector<16x512xf32>, vector<512x32xf32>, vector<16x32xf32> -> vector<16x32xf32>
    %add3A_609 = arith.addf %add3A_575, %dot_general3A_608 : vector<16x32xf32>
    %slice3A_610 = vector.extract_strided_slice %div3A_25 {offsets = [0, 17, 0], sizes = [16, 1, 512], strides = [1, 1, 1]} : vector<16x20x512xf32> to vector<16x1x512xf32>
    %squeeze3A_611 = vector.shape_cast %slice3A_610 : vector<16x1x512xf32> to vector<16x512xf32>
    %get3A_612 = arith.constant 17 : index
    %get3A_613 = arith.constant 0 : index
    %get3A_614 = arith.constant 0 : index
    %get3A_615 = vector.load %arg4[%get3A_612, %get3A_613, %get3A_614] : memref<20x512x64xf32, #tpu.memory_space<vmem>>, vector<1x512x64xf32>
    %get3A_616 = vector.shape_cast %get3A_615 : vector<1x512x64xf32> to vector<512x64xf32>
    %dot_general3A_617 = arith.constant dense<0.000000e+00> : vector<16x64xf32>
    %dot_general3A_618 = tpu.matmul %squeeze3A_611, %get3A_616, %dot_general3A_617 {dimension_numbers = #tpu.dot_dimension_numbers<[1], [0], [0], [1], [0, 0, 1, 1], [], []>, transpose_lhs_hint = false} : vector<16x512xf32>, vector<512x64xf32>, vector<16x64xf32> -> vector<16x64xf32>
    %add3A_619 = arith.addf %add3A_585, %dot_general3A_618 : vector<16x64xf32>
    %get3A_620 = arith.constant 17 : index
    %get3A_621 = arith.constant 0 : index
    %get3A_622 = arith.constant 0 : index
    %get3A_623 = vector.load %arg5[%get3A_620, %get3A_621, %get3A_622] : memref<20x512x64xf32, #tpu.memory_space<vmem>>, vector<1x512x64xf32>
    %get3A_624 = vector.shape_cast %get3A_623 : vector<1x512x64xf32> to vector<512x64xf32>
    %dot_general3A_625 = arith.constant dense<0.000000e+00> : vector<16x64xf32>
    %dot_general3A_626 = tpu.matmul %squeeze3A_611, %get3A_624, %dot_general3A_625 {dimension_numbers = #tpu.dot_dimension_numbers<[1], [0], [0], [1], [0, 0, 1, 1], [], []>, transpose_lhs_hint = false} : vector<16x512xf32>, vector<512x64xf32>, vector<16x64xf32> -> vector<16x64xf32>
    %add3A_627 = arith.addf %add3A_593, %dot_general3A_626 : vector<16x64xf32>
    %get3A_628 = arith.constant 17 : index
    %get3A_629 = arith.constant 0 : index
    %get3A_630 = arith.constant 0 : index
    %get3A_631 = vector.load %arg6[%get3A_628, %get3A_629, %get3A_630] : memref<20x512x32xf32, #tpu.memory_space<vmem>>, vector<1x512x32xf32>
    %get3A_632 = vector.shape_cast %get3A_631 : vector<1x512x32xf32> to vector<512x32xf32>
    %dot_general3A_633 = arith.constant dense<0.000000e+00> : vector<16x32xf32>
    %dot_general3A_634 = tpu.matmul %squeeze3A_611, %get3A_632, %dot_general3A_633 {dimension_numbers = #tpu.dot_dimension_numbers<[1], [0], [0], [1], [0, 0, 1, 1], [], []>, transpose_lhs_hint = false} : vector<16x512xf32>, vector<512x32xf32>, vector<16x32xf32> -> vector<16x32xf32>
    %add3A_635 = arith.addf %add3A_601, %dot_general3A_634 : vector<16x32xf32>
    %get3A_636 = arith.constant 17 : index
    %get3A_637 = arith.constant 0 : index
    %get3A_638 = arith.constant 0 : index
    %get3A_639 = vector.load %arg7[%get3A_636, %get3A_637, %get3A_638] : memref<20x512x32xf32, #tpu.memory_space<vmem>>, vector<1x512x32xf32>
    %get3A_640 = vector.shape_cast %get3A_639 : vector<1x512x32xf32> to vector<512x32xf32>
    %dot_general3A_641 = arith.constant dense<0.000000e+00> : vector<16x32xf32>
    %dot_general3A_642 = tpu.matmul %squeeze3A_611, %get3A_640, %dot_general3A_641 {dimension_numbers = #tpu.dot_dimension_numbers<[1], [0], [0], [1], [0, 0, 1, 1], [], []>, transpose_lhs_hint = false} : vector<16x512xf32>, vector<512x32xf32>, vector<16x32xf32> -> vector<16x32xf32>
    %add3A_643 = arith.addf %add3A_609, %dot_general3A_642 : vector<16x32xf32>
    %slice3A_644 = vector.extract_strided_slice %div3A_25 {offsets = [0, 18, 0], sizes = [16, 1, 512], strides = [1, 1, 1]} : vector<16x20x512xf32> to vector<16x1x512xf32>
    %squeeze3A_645 = vector.shape_cast %slice3A_644 : vector<16x1x512xf32> to vector<16x512xf32>
    %get3A_646 = arith.constant 18 : index
    %get3A_647 = arith.constant 0 : index
    %get3A_648 = arith.constant 0 : index
    %get3A_649 = vector.load %arg4[%get3A_646, %get3A_647, %get3A_648] : memref<20x512x64xf32, #tpu.memory_space<vmem>>, vector<1x512x64xf32>
    %get3A_650 = vector.shape_cast %get3A_649 : vector<1x512x64xf32> to vector<512x64xf32>
    %dot_general3A_651 = arith.constant dense<0.000000e+00> : vector<16x64xf32>
    %dot_general3A_652 = tpu.matmul %squeeze3A_645, %get3A_650, %dot_general3A_651 {dimension_numbers = #tpu.dot_dimension_numbers<[1], [0], [0], [1], [0, 0, 1, 1], [], []>, transpose_lhs_hint = false} : vector<16x512xf32>, vector<512x64xf32>, vector<16x64xf32> -> vector<16x64xf32>
    %add3A_653 = arith.addf %add3A_619, %dot_general3A_652 : vector<16x64xf32>
    %get3A_654 = arith.constant 18 : index
    %get3A_655 = arith.constant 0 : index
    %get3A_656 = arith.constant 0 : index
    %get3A_657 = vector.load %arg5[%get3A_654, %get3A_655, %get3A_656] : memref<20x512x64xf32, #tpu.memory_space<vmem>>, vector<1x512x64xf32>
    %get3A_658 = vector.shape_cast %get3A_657 : vector<1x512x64xf32> to vector<512x64xf32>
    %dot_general3A_659 = arith.constant dense<0.000000e+00> : vector<16x64xf32>
    %dot_general3A_660 = tpu.matmul %squeeze3A_645, %get3A_658, %dot_general3A_659 {dimension_numbers = #tpu.dot_dimension_numbers<[1], [0], [0], [1], [0, 0, 1, 1], [], []>, transpose_lhs_hint = false} : vector<16x512xf32>, vector<512x64xf32>, vector<16x64xf32> -> vector<16x64xf32>
    %add3A_661 = arith.addf %add3A_627, %dot_general3A_660 : vector<16x64xf32>
    %get3A_662 = arith.constant 18 : index
    %get3A_663 = arith.constant 0 : index
    %get3A_664 = arith.constant 0 : index
    %get3A_665 = vector.load %arg6[%get3A_662, %get3A_663, %get3A_664] : memref<20x512x32xf32, #tpu.memory_space<vmem>>, vector<1x512x32xf32>
    %get3A_666 = vector.shape_cast %get3A_665 : vector<1x512x32xf32> to vector<512x32xf32>
    %dot_general3A_667 = arith.constant dense<0.000000e+00> : vector<16x32xf32>
    %dot_general3A_668 = tpu.matmul %squeeze3A_645, %get3A_666, %dot_general3A_667 {dimension_numbers = #tpu.dot_dimension_numbers<[1], [0], [0], [1], [0, 0, 1, 1], [], []>, transpose_lhs_hint = false} : vector<16x512xf32>, vector<512x32xf32>, vector<16x32xf32> -> vector<16x32xf32>
    %add3A_669 = arith.addf %add3A_635, %dot_general3A_668 : vector<16x32xf32>
    %get3A_670 = arith.constant 18 : index
    %get3A_671 = arith.constant 0 : index
    %get3A_672 = arith.constant 0 : index
    %get3A_673 = vector.load %arg7[%get3A_670, %get3A_671, %get3A_672] : memref<20x512x32xf32, #tpu.memory_space<vmem>>, vector<1x512x32xf32>
    %get3A_674 = vector.shape_cast %get3A_673 : vector<1x512x32xf32> to vector<512x32xf32>
    %dot_general3A_675 = arith.constant dense<0.000000e+00> : vector<16x32xf32>
    %dot_general3A_676 = tpu.matmul %squeeze3A_645, %get3A_674, %dot_general3A_675 {dimension_numbers = #tpu.dot_dimension_numbers<[1], [0], [0], [1], [0, 0, 1, 1], [], []>, transpose_lhs_hint = false} : vector<16x512xf32>, vector<512x32xf32>, vector<16x32xf32> -> vector<16x32xf32>
    %add3A_677 = arith.addf %add3A_643, %dot_general3A_676 : vector<16x32xf32>
    %slice3A_678 = vector.extract_strided_slice %div3A_25 {offsets = [0, 19, 0], sizes = [16, 1, 512], strides = [1, 1, 1]} : vector<16x20x512xf32> to vector<16x1x512xf32>
    %squeeze3A_679 = vector.shape_cast %slice3A_678 : vector<16x1x512xf32> to vector<16x512xf32>
    %get3A_680 = arith.constant 19 : index
    %get3A_681 = arith.constant 0 : index
    %get3A_682 = arith.constant 0 : index
    %get3A_683 = vector.load %arg4[%get3A_680, %get3A_681, %get3A_682] : memref<20x512x64xf32, #tpu.memory_space<vmem>>, vector<1x512x64xf32>
    %get3A_684 = vector.shape_cast %get3A_683 : vector<1x512x64xf32> to vector<512x64xf32>
    %dot_general3A_685 = arith.constant dense<0.000000e+00> : vector<16x64xf32>
    %dot_general3A_686 = tpu.matmul %squeeze3A_679, %get3A_684, %dot_general3A_685 {dimension_numbers = #tpu.dot_dimension_numbers<[1], [0], [0], [1], [0, 0, 1, 1], [], []>, transpose_lhs_hint = false} : vector<16x512xf32>, vector<512x64xf32>, vector<16x64xf32> -> vector<16x64xf32>
    %add3A_687 = arith.addf %add3A_653, %dot_general3A_686 : vector<16x64xf32>
    %get3A_688 = arith.constant 19 : index
    %get3A_689 = arith.constant 0 : index
    %get3A_690 = arith.constant 0 : index
    %get3A_691 = vector.load %arg5[%get3A_688, %get3A_689, %get3A_690] : memref<20x512x64xf32, #tpu.memory_space<vmem>>, vector<1x512x64xf32>
    %get3A_692 = vector.shape_cast %get3A_691 : vector<1x512x64xf32> to vector<512x64xf32>
    %dot_general3A_693 = arith.constant dense<0.000000e+00> : vector<16x64xf32>
    %dot_general3A_694 = tpu.matmul %squeeze3A_679, %get3A_692, %dot_general3A_693 {dimension_numbers = #tpu.dot_dimension_numbers<[1], [0], [0], [1], [0, 0, 1, 1], [], []>, transpose_lhs_hint = false} : vector<16x512xf32>, vector<512x64xf32>, vector<16x64xf32> -> vector<16x64xf32>
    %add3A_695 = arith.addf %add3A_661, %dot_general3A_694 : vector<16x64xf32>
    %get3A_696 = arith.constant 19 : index
    %get3A_697 = arith.constant 0 : index
    %get3A_698 = arith.constant 0 : index
    %get3A_699 = vector.load %arg6[%get3A_696, %get3A_697, %get3A_698] : memref<20x512x32xf32, #tpu.memory_space<vmem>>, vector<1x512x32xf32>
    %get3A_700 = vector.shape_cast %get3A_699 : vector<1x512x32xf32> to vector<512x32xf32>
    %dot_general3A_701 = arith.constant dense<0.000000e+00> : vector<16x32xf32>
    %dot_general3A_702 = tpu.matmul %squeeze3A_679, %get3A_700, %dot_general3A_701 {dimension_numbers = #tpu.dot_dimension_numbers<[1], [0], [0], [1], [0, 0, 1, 1], [], []>, transpose_lhs_hint = false} : vector<16x512xf32>, vector<512x32xf32>, vector<16x32xf32> -> vector<16x32xf32>
    %add3A_703 = arith.addf %add3A_669, %dot_general3A_702 : vector<16x32xf32>
    %get3A_704 = arith.constant 19 : index
    %get3A_705 = arith.constant 0 : index
    %get3A_706 = arith.constant 0 : index
    %get3A_707 = vector.load %arg7[%get3A_704, %get3A_705, %get3A_706] : memref<20x512x32xf32, #tpu.memory_space<vmem>>, vector<1x512x32xf32>
    %get3A_708 = vector.shape_cast %get3A_707 : vector<1x512x32xf32> to vector<512x32xf32>
    %dot_general3A_709 = arith.constant dense<0.000000e+00> : vector<16x32xf32>
    %dot_general3A_710 = tpu.matmul %squeeze3A_679, %get3A_708, %dot_general3A_709 {dimension_numbers = #tpu.dot_dimension_numbers<[1], [0], [0], [1], [0, 0, 1, 1], [], []>, transpose_lhs_hint = false} : vector<16x512xf32>, vector<512x32xf32>, vector<16x32xf32> -> vector<16x32xf32>
    %add3A_711 = arith.addf %add3A_677, %dot_general3A_710 : vector<16x32xf32>
    %get3A_712 = arith.constant 0 : index
    %get3A_713 = arith.constant 0 : index
    %get3A_714 = vector.load %arg8[%get3A_712, %get3A_713] : memref<1x64xf32, #tpu.memory_space<vmem>>, vector<1x64xf32>
    %add3A_715 = vector.broadcast %get3A_714 : vector<1x64xf32> to vector<16x64xf32>
    %add3A_716 = arith.addf %add3A_687, %add3A_715 : vector<16x64xf32>
    %max3A_717 = arith.constant 0.000000e+00 : f32
    %max3A_718 = vector.broadcast %max3A_717 : f32 to vector<16x64xf32>
    %max3A_719 = arith.maximumf %add3A_716, %max3A_718 : vector<16x64xf32>
    %get3A_720 = arith.constant 0 : index
    %get3A_721 = arith.constant 0 : index
    %get3A_722 = vector.load %arg9[%get3A_720, %get3A_721] : memref<1x64xf32, #tpu.memory_space<vmem>>, vector<1x64xf32>
    %add3A_723 = vector.broadcast %get3A_722 : vector<1x64xf32> to vector<16x64xf32>
    %add3A_724 = arith.addf %add3A_695, %add3A_723 : vector<16x64xf32>
    %max3A_725 = arith.constant 0.000000e+00 : f32
    %max3A_726 = vector.broadcast %max3A_725 : f32 to vector<16x64xf32>
    %max3A_727 = arith.maximumf %add3A_724, %max3A_726 : vector<16x64xf32>
    %get3A_728 = arith.constant 0 : index
    %get3A_729 = arith.constant 0 : index
    %get3A_730 = vector.load %arg10[%get3A_728, %get3A_729] : memref<1x32xf32, #tpu.memory_space<vmem>>, vector<1x32xf32>
    %add3A_731 = vector.broadcast %get3A_730 : vector<1x32xf32> to vector<16x32xf32>
    %add3A_732 = arith.addf %add3A_703, %add3A_731 : vector<16x32xf32>
    %get3A_733 = arith.constant 0 : index
    %get3A_734 = arith.constant 0 : index
    %get3A_735 = vector.load %arg11[%get3A_733, %get3A_734] : memref<1x32xf32, #tpu.memory_space<vmem>>, vector<1x32xf32>
    %add3A_736 = vector.broadcast %get3A_735 : vector<1x32xf32> to vector<16x32xf32>
    %add3A_737 = arith.addf %add3A_711, %add3A_736 : vector<16x32xf32>
    %max3A_738 = arith.constant 0.000000e+00 : f32
    %max3A_739 = vector.broadcast %max3A_738 : f32 to vector<16x32xf32>
    %max3A_740 = arith.maximumf %add3A_737, %max3A_739 : vector<16x32xf32>
    %get3A_741 = arith.constant 0 : index
    %get3A_742 = arith.constant 0 : index
    %get3A_743 = vector.load %arg12[%get3A_741, %get3A_742] : memref<64x640xf32, #tpu.memory_space<vmem>>, vector<64x640xf32>
    %dot_general3A_744 = arith.constant dense<0.000000e+00> : vector<16x640xf32>
    %dot_general3A_745 = tpu.matmul %max3A_719, %get3A_743, %dot_general3A_744 {dimension_numbers = #tpu.dot_dimension_numbers<[1], [0], [0], [1], [0, 0, 1, 1], [], []>, transpose_lhs_hint = false} : vector<16x64xf32>, vector<64x640xf32>, vector<16x640xf32> -> vector<16x640xf32>
    %get3A_746 = arith.constant 0 : index
    %get3A_747 = arith.constant 0 : index
    %get3A_748 = vector.load %arg13[%get3A_746, %get3A_747] : memref<1x640xf32, #tpu.memory_space<vmem>>, vector<1x640xf32>
    %add3A_749 = vector.broadcast %get3A_748 : vector<1x640xf32> to vector<16x640xf32>
    %add3A_750 = arith.addf %dot_general3A_745, %add3A_749 : vector<16x640xf32>
    %abs3A = math.absf %add3A_750 : vector<16x640xf32>
    %get3A_751 = arith.constant 0 : index
    %get3A_752 = arith.constant 0 : index
    %get3A_753 = vector.load %arg14[%get3A_751, %get3A_752] : memref<64x32xf32, #tpu.memory_space<vmem>>, vector<64x32xf32>
    %dot_general3A_754 = arith.constant dense<0.000000e+00> : vector<16x32xf32>
    %dot_general3A_755 = tpu.matmul %max3A_727, %get3A_753, %dot_general3A_754 {dimension_numbers = #tpu.dot_dimension_numbers<[1], [0], [0], [1], [0, 0, 1, 1], [], []>, transpose_lhs_hint = false} : vector<16x64xf32>, vector<64x32xf32>, vector<16x32xf32> -> vector<16x32xf32>
    %get3A_756 = arith.constant 0 : index
    %get3A_757 = arith.constant 0 : index
    %get3A_758 = vector.load %arg15[%get3A_756, %get3A_757] : memref<1x32xf32, #tpu.memory_space<vmem>>, vector<1x32xf32>
    %add3A_759 = vector.broadcast %get3A_758 : vector<1x32xf32> to vector<16x32xf32>
    %add3A_760 = arith.addf %dot_general3A_755, %add3A_759 : vector<16x32xf32>
    %abs3A_761 = math.absf %add3A_760 : vector<16x32xf32>
    %get3A_762 = arith.constant 0 : index
    %get3A_763 = arith.constant 0 : index
    %get3A_764 = vector.load %arg16[%get3A_762, %get3A_763] : memref<1x32xf32, #tpu.memory_space<vmem>>, vector<1x32xf32>
    %mul3A = vector.broadcast %get3A_764 : vector<1x32xf32> to vector<16x32xf32>
    %mul3A_765 = arith.mulf %max3A_740, %mul3A : vector<16x32xf32>
    %reduce_sum3A_766 = arith.constant dense<0.000000e+00> : vector<16xf32>
    %reduce_sum3A_767 = vector.multi_reduction <add>, %mul3A_765, %reduce_sum3A_766 [1] : vector<16x32xf32> to vector<16xf32>
    %broadcast_in_dim3A_768 = vector.shape_cast %reduce_sum3A_767 : vector<16xf32> to vector<16x1xf32>
    %get3A_769 = arith.constant 0 : index
    %get3A_770 = arith.constant 0 : index
    %get3A_771 = vector.load %arg17[%get3A_769, %get3A_770] : memref<1x1xf32, #tpu.memory_space<vmem>>, vector<1x1xf32>
    %add3A_772 = vector.broadcast %get3A_771 : vector<1x1xf32> to vector<16x1xf32>
    %add3A_773 = arith.addf %broadcast_in_dim3A_768, %add3A_772 : vector<16x1xf32>
    %slice3A_774 = vector.extract_strided_slice %dot_general3A_7 {offsets = [0, 0], sizes = [16, 1], strides = [1, 1]} : vector<16x32xf32> to vector<16x1xf32>
    %slice3A_775 = vector.extract_strided_slice %abs3A {offsets = [0, 0], sizes = [16, 32], strides = [1, 1]} : vector<16x640xf32> to vector<16x32xf32>
    %mul3A_776 = vector.broadcast %slice3A_774 : vector<16x1xf32> to vector<16x32xf32>
    %mul3A_777 = arith.mulf %mul3A_776, %slice3A_775 : vector<16x32xf32>
    %add3A_778 = arith.addf %add3A_732, %mul3A_777 : vector<16x32xf32>
    %slice3A_779 = vector.extract_strided_slice %dot_general3A_7 {offsets = [0, 1], sizes = [16, 1], strides = [1, 1]} : vector<16x32xf32> to vector<16x1xf32>
    %slice3A_780 = vector.extract_strided_slice %abs3A {offsets = [0, 32], sizes = [16, 32], strides = [1, 1]} : vector<16x640xf32> to vector<16x32xf32>
    %mul3A_781 = vector.broadcast %slice3A_779 : vector<16x1xf32> to vector<16x32xf32>
    %mul3A_782 = arith.mulf %mul3A_781, %slice3A_780 : vector<16x32xf32>
    %add3A_783 = arith.addf %add3A_778, %mul3A_782 : vector<16x32xf32>
    %slice3A_784 = vector.extract_strided_slice %dot_general3A_7 {offsets = [0, 2], sizes = [16, 1], strides = [1, 1]} : vector<16x32xf32> to vector<16x1xf32>
    %slice3A_785 = vector.extract_strided_slice %abs3A {offsets = [0, 64], sizes = [16, 32], strides = [1, 1]} : vector<16x640xf32> to vector<16x32xf32>
    %mul3A_786 = vector.broadcast %slice3A_784 : vector<16x1xf32> to vector<16x32xf32>
    %mul3A_787 = arith.mulf %mul3A_786, %slice3A_785 : vector<16x32xf32>
    %add3A_788 = arith.addf %add3A_783, %mul3A_787 : vector<16x32xf32>
    %slice3A_789 = vector.extract_strided_slice %dot_general3A_7 {offsets = [0, 3], sizes = [16, 1], strides = [1, 1]} : vector<16x32xf32> to vector<16x1xf32>
    %slice3A_790 = vector.extract_strided_slice %abs3A {offsets = [0, 96], sizes = [16, 32], strides = [1, 1]} : vector<16x640xf32> to vector<16x32xf32>
    %mul3A_791 = vector.broadcast %slice3A_789 : vector<16x1xf32> to vector<16x32xf32>
    %mul3A_792 = arith.mulf %mul3A_791, %slice3A_790 : vector<16x32xf32>
    %add3A_793 = arith.addf %add3A_788, %mul3A_792 : vector<16x32xf32>
    %slice3A_794 = vector.extract_strided_slice %dot_general3A_7 {offsets = [0, 4], sizes = [16, 1], strides = [1, 1]} : vector<16x32xf32> to vector<16x1xf32>
    %slice3A_795 = vector.extract_strided_slice %abs3A {offsets = [0, 128], sizes = [16, 32], strides = [1, 1]} : vector<16x640xf32> to vector<16x32xf32>
    %mul3A_796 = vector.broadcast %slice3A_794 : vector<16x1xf32> to vector<16x32xf32>
    %mul3A_797 = arith.mulf %mul3A_796, %slice3A_795 : vector<16x32xf32>
    %add3A_798 = arith.addf %add3A_793, %mul3A_797 : vector<16x32xf32>
    %slice3A_799 = vector.extract_strided_slice %dot_general3A_7 {offsets = [0, 5], sizes = [16, 1], strides = [1, 1]} : vector<16x32xf32> to vector<16x1xf32>
    %slice3A_800 = vector.extract_strided_slice %abs3A {offsets = [0, 160], sizes = [16, 32], strides = [1, 1]} : vector<16x640xf32> to vector<16x32xf32>
    %mul3A_801 = vector.broadcast %slice3A_799 : vector<16x1xf32> to vector<16x32xf32>
    %mul3A_802 = arith.mulf %mul3A_801, %slice3A_800 : vector<16x32xf32>
    %add3A_803 = arith.addf %add3A_798, %mul3A_802 : vector<16x32xf32>
    %slice3A_804 = vector.extract_strided_slice %dot_general3A_7 {offsets = [0, 6], sizes = [16, 1], strides = [1, 1]} : vector<16x32xf32> to vector<16x1xf32>
    %slice3A_805 = vector.extract_strided_slice %abs3A {offsets = [0, 192], sizes = [16, 32], strides = [1, 1]} : vector<16x640xf32> to vector<16x32xf32>
    %mul3A_806 = vector.broadcast %slice3A_804 : vector<16x1xf32> to vector<16x32xf32>
    %mul3A_807 = arith.mulf %mul3A_806, %slice3A_805 : vector<16x32xf32>
    %add3A_808 = arith.addf %add3A_803, %mul3A_807 : vector<16x32xf32>
    %slice3A_809 = vector.extract_strided_slice %dot_general3A_7 {offsets = [0, 7], sizes = [16, 1], strides = [1, 1]} : vector<16x32xf32> to vector<16x1xf32>
    %slice3A_810 = vector.extract_strided_slice %abs3A {offsets = [0, 224], sizes = [16, 32], strides = [1, 1]} : vector<16x640xf32> to vector<16x32xf32>
    %mul3A_811 = vector.broadcast %slice3A_809 : vector<16x1xf32> to vector<16x32xf32>
    %mul3A_812 = arith.mulf %mul3A_811, %slice3A_810 : vector<16x32xf32>
    %add3A_813 = arith.addf %add3A_808, %mul3A_812 : vector<16x32xf32>
    %slice3A_814 = vector.extract_strided_slice %dot_general3A_7 {offsets = [0, 8], sizes = [16, 1], strides = [1, 1]} : vector<16x32xf32> to vector<16x1xf32>
    %slice3A_815 = vector.extract_strided_slice %abs3A {offsets = [0, 256], sizes = [16, 32], strides = [1, 1]} : vector<16x640xf32> to vector<16x32xf32>
    %mul3A_816 = vector.broadcast %slice3A_814 : vector<16x1xf32> to vector<16x32xf32>
    %mul3A_817 = arith.mulf %mul3A_816, %slice3A_815 : vector<16x32xf32>
    %add3A_818 = arith.addf %add3A_813, %mul3A_817 : vector<16x32xf32>
    %slice3A_819 = vector.extract_strided_slice %dot_general3A_7 {offsets = [0, 9], sizes = [16, 1], strides = [1, 1]} : vector<16x32xf32> to vector<16x1xf32>
    %slice3A_820 = vector.extract_strided_slice %abs3A {offsets = [0, 288], sizes = [16, 32], strides = [1, 1]} : vector<16x640xf32> to vector<16x32xf32>
    %mul3A_821 = vector.broadcast %slice3A_819 : vector<16x1xf32> to vector<16x32xf32>
    %mul3A_822 = arith.mulf %mul3A_821, %slice3A_820 : vector<16x32xf32>
    %add3A_823 = arith.addf %add3A_818, %mul3A_822 : vector<16x32xf32>
    %slice3A_824 = vector.extract_strided_slice %dot_general3A_7 {offsets = [0, 10], sizes = [16, 1], strides = [1, 1]} : vector<16x32xf32> to vector<16x1xf32>
    %slice3A_825 = vector.extract_strided_slice %abs3A {offsets = [0, 320], sizes = [16, 32], strides = [1, 1]} : vector<16x640xf32> to vector<16x32xf32>
    %mul3A_826 = vector.broadcast %slice3A_824 : vector<16x1xf32> to vector<16x32xf32>
    %mul3A_827 = arith.mulf %mul3A_826, %slice3A_825 : vector<16x32xf32>
    %add3A_828 = arith.addf %add3A_823, %mul3A_827 : vector<16x32xf32>
    %slice3A_829 = vector.extract_strided_slice %dot_general3A_7 {offsets = [0, 11], sizes = [16, 1], strides = [1, 1]} : vector<16x32xf32> to vector<16x1xf32>
    %slice3A_830 = vector.extract_strided_slice %abs3A {offsets = [0, 352], sizes = [16, 32], strides = [1, 1]} : vector<16x640xf32> to vector<16x32xf32>
    %mul3A_831 = vector.broadcast %slice3A_829 : vector<16x1xf32> to vector<16x32xf32>
    %mul3A_832 = arith.mulf %mul3A_831, %slice3A_830 : vector<16x32xf32>
    %add3A_833 = arith.addf %add3A_828, %mul3A_832 : vector<16x32xf32>
    %slice3A_834 = vector.extract_strided_slice %dot_general3A_7 {offsets = [0, 12], sizes = [16, 1], strides = [1, 1]} : vector<16x32xf32> to vector<16x1xf32>
    %slice3A_835 = vector.extract_strided_slice %abs3A {offsets = [0, 384], sizes = [16, 32], strides = [1, 1]} : vector<16x640xf32> to vector<16x32xf32>
    %mul3A_836 = vector.broadcast %slice3A_834 : vector<16x1xf32> to vector<16x32xf32>
    %mul3A_837 = arith.mulf %mul3A_836, %slice3A_835 : vector<16x32xf32>
    %add3A_838 = arith.addf %add3A_833, %mul3A_837 : vector<16x32xf32>
    %slice3A_839 = vector.extract_strided_slice %dot_general3A_7 {offsets = [0, 13], sizes = [16, 1], strides = [1, 1]} : vector<16x32xf32> to vector<16x1xf32>
    %slice3A_840 = vector.extract_strided_slice %abs3A {offsets = [0, 416], sizes = [16, 32], strides = [1, 1]} : vector<16x640xf32> to vector<16x32xf32>
    %mul3A_841 = vector.broadcast %slice3A_839 : vector<16x1xf32> to vector<16x32xf32>
    %mul3A_842 = arith.mulf %mul3A_841, %slice3A_840 : vector<16x32xf32>
    %add3A_843 = arith.addf %add3A_838, %mul3A_842 : vector<16x32xf32>
    %slice3A_844 = vector.extract_strided_slice %dot_general3A_7 {offsets = [0, 14], sizes = [16, 1], strides = [1, 1]} : vector<16x32xf32> to vector<16x1xf32>
    %slice3A_845 = vector.extract_strided_slice %abs3A {offsets = [0, 448], sizes = [16, 32], strides = [1, 1]} : vector<16x640xf32> to vector<16x32xf32>
    %mul3A_846 = vector.broadcast %slice3A_844 : vector<16x1xf32> to vector<16x32xf32>
    %mul3A_847 = arith.mulf %mul3A_846, %slice3A_845 : vector<16x32xf32>
    %add3A_848 = arith.addf %add3A_843, %mul3A_847 : vector<16x32xf32>
    %slice3A_849 = vector.extract_strided_slice %dot_general3A_7 {offsets = [0, 15], sizes = [16, 1], strides = [1, 1]} : vector<16x32xf32> to vector<16x1xf32>
    %slice3A_850 = vector.extract_strided_slice %abs3A {offsets = [0, 480], sizes = [16, 32], strides = [1, 1]} : vector<16x640xf32> to vector<16x32xf32>
    %mul3A_851 = vector.broadcast %slice3A_849 : vector<16x1xf32> to vector<16x32xf32>
    %mul3A_852 = arith.mulf %mul3A_851, %slice3A_850 : vector<16x32xf32>
    %add3A_853 = arith.addf %add3A_848, %mul3A_852 : vector<16x32xf32>
    %slice3A_854 = vector.extract_strided_slice %dot_general3A_7 {offsets = [0, 16], sizes = [16, 1], strides = [1, 1]} : vector<16x32xf32> to vector<16x1xf32>
    %slice3A_855 = vector.extract_strided_slice %abs3A {offsets = [0, 512], sizes = [16, 32], strides = [1, 1]} : vector<16x640xf32> to vector<16x32xf32>
    %mul3A_856 = vector.broadcast %slice3A_854 : vector<16x1xf32> to vector<16x32xf32>
    %mul3A_857 = arith.mulf %mul3A_856, %slice3A_855 : vector<16x32xf32>
    %add3A_858 = arith.addf %add3A_853, %mul3A_857 : vector<16x32xf32>
    %slice3A_859 = vector.extract_strided_slice %dot_general3A_7 {offsets = [0, 17], sizes = [16, 1], strides = [1, 1]} : vector<16x32xf32> to vector<16x1xf32>
    %slice3A_860 = vector.extract_strided_slice %abs3A {offsets = [0, 544], sizes = [16, 32], strides = [1, 1]} : vector<16x640xf32> to vector<16x32xf32>
    %mul3A_861 = vector.broadcast %slice3A_859 : vector<16x1xf32> to vector<16x32xf32>
    %mul3A_862 = arith.mulf %mul3A_861, %slice3A_860 : vector<16x32xf32>
    %add3A_863 = arith.addf %add3A_858, %mul3A_862 : vector<16x32xf32>
    %slice3A_864 = vector.extract_strided_slice %dot_general3A_7 {offsets = [0, 18], sizes = [16, 1], strides = [1, 1]} : vector<16x32xf32> to vector<16x1xf32>
    %slice3A_865 = vector.extract_strided_slice %abs3A {offsets = [0, 576], sizes = [16, 32], strides = [1, 1]} : vector<16x640xf32> to vector<16x32xf32>
    %mul3A_866 = vector.broadcast %slice3A_864 : vector<16x1xf32> to vector<16x32xf32>
    %mul3A_867 = arith.mulf %mul3A_866, %slice3A_865 : vector<16x32xf32>
    %add3A_868 = arith.addf %add3A_863, %mul3A_867 : vector<16x32xf32>
    %slice3A_869 = vector.extract_strided_slice %dot_general3A_7 {offsets = [0, 19], sizes = [16, 1], strides = [1, 1]} : vector<16x32xf32> to vector<16x1xf32>
    %slice3A_870 = vector.extract_strided_slice %abs3A {offsets = [0, 608], sizes = [16, 32], strides = [1, 1]} : vector<16x640xf32> to vector<16x32xf32>
    %mul3A_871 = vector.broadcast %slice3A_869 : vector<16x1xf32> to vector<16x32xf32>
    %mul3A_872 = arith.mulf %mul3A_871, %slice3A_870 : vector<16x32xf32>
    %add3A_873 = arith.addf %add3A_868, %mul3A_872 : vector<16x32xf32>
    %gt3A = arith.constant 0.000000e+00 : f32
    %gt3A_874 = vector.broadcast %gt3A : f32 to vector<16x32xf32>
    %gt3A_875 = arith.cmpf ogt, %add3A_873, %gt3A_874 : vector<16x32xf32>
    %min3A = arith.constant 0.000000e+00 : f32
    %min3A_876 = vector.broadcast %min3A : f32 to vector<16x32xf32>
    %min3A_877 = arith.minimumf %add3A_873, %min3A_876 : vector<16x32xf32>
    %exp3A = math.exp %min3A_877 : vector<16x32xf32>
    %sub3A = arith.constant 1.000000e+00 : f32
    %sub3A_878 = vector.broadcast %sub3A : f32 to vector<16x32xf32>
    %sub3A_879 = arith.subf %exp3A, %sub3A_878 : vector<16x32xf32>
    %select_n3A = arith.select %gt3A_875, %add3A_873, %sub3A_879 : vector<16x32xi1>, vector<16x32xf32>
    %mul3A_880 = arith.mulf %select_n3A, %abs3A_761 : vector<16x32xf32>
    %reduce_sum3A_881 = arith.constant dense<0.000000e+00> : vector<16xf32>
    %reduce_sum3A_882 = vector.multi_reduction <add>, %mul3A_880, %reduce_sum3A_881 [1] : vector<16x32xf32> to vector<16xf32>
    %broadcast_in_dim3A_883 = vector.shape_cast %reduce_sum3A_882 : vector<16xf32> to vector<16x1xf32>
    %add3A_884 = arith.addf %broadcast_in_dim3A_883, %add3A_773 : vector<16x1xf32>
    %broadcast_in_dim3A_885 = vector.shape_cast %add3A_884 : vector<16x1xf32> to vector<16x1xf32>
    %broadcast_in_dim3A_886 = vector.broadcast %broadcast_in_dim3A_885 : vector<16x1xf32> to vector<16x128xf32>
    %swap3A = arith.constant 0 : index
    %swap3A_887 = arith.constant 0 : index
    %swap3A_888 = vector.load %arg18[%swap3A, %swap3A_887] : memref<16x128xf32, #tpu.memory_space<vmem>>, vector<16x128xf32>
    tpu.vector_store %arg18[%swap3A, %swap3A_887], %broadcast_in_dim3A_886 {strides = array<i32>} : memref<16x128xf32, #tpu.memory_space<vmem>>, vector<16x128xf32>,
    return
  }
}

</mosaic_0001>

<sc_bundles>
// kernel: kernel.4.cloned.1.call-start
scs
__scs_entry_jumppad:
0x0: {  	(pc) =	sbr.rel $0x88, $3  }
0x1: {  	(tag) =	ssettag $0x0;
	lr =	simm.s32 $0x1  }
0x2: {  	[smem:$0x3F8B] =	sst lr;
	_ =	strace $0xD0000000  }
0x3: {  	_ = 	snop  }
0x4: {  	_ = 	snop  }
0x5: {  	_ = 	snop  }
0x6: {  	_ = 	snop  }
0x7: {  	_ = 	snop  }
__scs_overlays_trampoline_lowered:
0x8: {  	[smem:$0x3F9A] =	sst s0  }
0x9: {  	[smem:$0x3F9B] =	sst s1  }
0xa: {  	[smem:$0x3F9C] =	sst s2  }
0xb: {  	[smem:$0x3F9D] =	sst s3  }
0xc: {  	[smem:$0x3F9E] =	sst s4  }
0xd: {  	[smem:$0x3F9F] =	sst s5  }
0xe: {  	[smem:$0x3FA0] =	sst s6  }
0xf: {  	[smem:$0x3FA1] =	sst s7  }
0x10: {  	[smem:$0x3FA2] =	sst s8  }
0x11: {  	[smem:$0x3FA3] =	sst s9;
	s0 =	simm.s32 @!p0 $0x0  }
0x12: {  	s1 =	sld [smem:$0x3F89];
	s0 =	simm.s32 @p0 $0x1  }
0x13: {  	[smem:$0x3FA4] =	sst s0;
	s0 =	simm.s32 @!p1 $0x0  }
0x14: {  	s2 =	sld [smem:$0x3F88];
	s0 =	simm.s32 @p1 $0x1  }
0x15: {  	[smem:$0x3FA5] =	sst s0;
	s0 =	simm.s32 @!p2 $0x0  }
0x16: {  	s3 =	sld [smem:$0x3FDB];
	s0 =	simm.s32 @p2 $0x1  }
0x17: {  	s4 =	simm.s32 $0x1BF5;
	[smem:$0x3FA7] =	sst s0  }
0x18: {  	s0 =	sld [smem:$0x3F8A];
	_ =	swait.ge [sflag:s4], $0x0  }
0x19: {  	s7 =	sld [smem:$0x3F8B]  }
0x1a: {  	s8 =	sadd.s32 $0xFFFFE003, lr  }
0x1b: {  	s9 =	sadd.s32 $0xFFFFFEF7, lr;
	s5 =	simm.s32 $0xFFFFFFFF;
	p2 =	slt.u32 s8, $0xFFFFF086  }
0x1c: {  	p1 =	slt.u32 s9, $0xF7A;
	s5 =	simm.s32 @!p2 $0x0  }
0x1d: {  	s5 =	simm.s32 @p1 $0x1;
	p0 =	seq.s32 s7, s2  }
0x1e: {  	s7 =	smul.u32 @!p0 $0xF7A, s2;
	p2 =	seq.s32 @!p0 s5, $0x0  }
0x1f: {  	s9 =	smul.u32 $0xF7A, s1;
	s8 =	simm.s32 @!p0 $0x1BF5;
	p2 =	por !p2, p0  }
0x20: {  	[sflag:s8] =	ssyncset.s32 @!p0 $0xFFFFF086;
	s6 =	sadd.s32 @!p0 s3, s7;
	s7 =	simm.s32 @!p0 $0x108  }
0x21: {  	s3 =	sadd.s32 s3, s9;
	s6 =	sadd.s32 @!p0 $0x88, s6;
	s7 =	simm.s32 @p2 $0x1082  }
0x22: {  	[simem:s7], [sflag:s8] =	dma.local @!p0 [hbm:s6], $0xF7A  }
0x23: {  	s9 =	sor.u32 $0xD0000000, s2;
	s6 =	simm.s32 $0x108;
	_ =	swait.ge @!p0 [sflag:s8], $0x0  }
0x24: {  	s3 =	sadd.s32 $0x88, s3;
	s6 =	simm.s32 @!p1 $0x1082;
	[sflag:s4] =	ssyncset.s32 $0xFFFFF086  }
0x25: {  	[simem:s6], [sflag:s4] =	dma.local [hbm:s3], $0xF7A  }
0x26: {  	[smem:$0x3F8B] =	sst s1;
	(tag) =	ssettag s2;
	_ =	strace s9  }
0x27: {  	s1 =	sld [smem:$0x3F9B]  }
0x28: {  	s2 =	sld [smem:$0x3F9C]  }
0x29: {  	s4 =	sld [smem:$0x3F9E]  }
0x2a: {  	p0 =	seq.s32 s5, $0x0;
	s5 =	sld [smem:$0x3F9F]  }
0x2b: {  	s6 =	sld [smem:$0x3FA0]  }
0x2c: {  	s7 =	sld [smem:$0x3FA1]  }
0x2d: {  	s3 =	simm.s32 $0x108;
	s8 =	sld [smem:$0x3FA2]  }
0x2e: {  	s3 =	simm.s32 @!p0 $0x1082;
	s9 =	sld [smem:$0x3FA3]  }
0x2f: {  	lr =	sadd.s32 s0, s3;
	s0 =	sld [smem:$0x3F9A]  }
0x30: {  	s3 =	sld [smem:$0x3F9D]  }
0x31: {  	[smem:$0x3FA6] =	sst s10  }
0x32: {  	s10 =	sld [smem:$0x3FA4];
	_ =	sdelay $0x3  }
0x33: {  	p0 =	seq.s32 s10, $0x1;
	s10 =	sld [smem:$0x3FA6];
	_ =	sdelay $0x3  }
0x34: {  	[smem:$0x3FA6] =	sst s10  }
0x35: {  	s10 =	sld [smem:$0x3FA5];
	_ =	sdelay $0x3  }
0x36: {  	p1 =	seq.s32 s10, $0x1;
	s10 =	sld [smem:$0x3FA6];
	_ =	sdelay $0x3  }
0x37: {  	[smem:$0x3FA6] =	sst s10  }
0x38: {  	s10 =	sld [smem:$0x3FA7]  }
0x39: {  	_ = 	snop;
	(pc) =	sbr.ind lr, $3  }
0x3a: {  	_ = 	snop  }
0x3b: {  	_ = 	snop  }
0x3c: {  	p2 =	seq.s32 s10, $0x1;
	s10 =	sld [smem:$0x3FA6]  }
0x3d: {  	_ =	shalt  }
0x3e: {  	_ =	shalt  }
0x3f: {  	_ =	shalt  }
0x40: {  	_ =	shalt  }
0x41: {  	_ =	shalt  }
0x42: {  	_ =	shalt  }
0x43: {  	_ =	shalt  }
0x44: {  	_ =	shalt  }
0x45: {  	_ =	shalt  }
0x46: {  	_ =	shalt  }
0x47: {  	_ =	shalt  }
0x48: {  	_ =	shalt  }
0x49: {  	_ =	shalt  }
0x4a: {  	_ =	shalt  }
0x4b: {  	_ =	shalt  }
0x4c: {  	_ =	shalt  }
0x4d: {  	_ =	shalt  }
0x4e: {  	_ =	shalt  }
0x4f: {  	_ =	shalt  }
0x50: {  	_ =	shalt  }
0x51: {  	_ =	shalt  }
0x52: {  	_ =	shalt  }
0x53: {  	_ =	shalt  }
0x54: {  	_ =	shalt  }
0x55: {  	_ =	shalt  }
0x56: {  	_ =	shalt  }
0x57: {  	_ =	shalt  }
0x58: {  	_ =	shalt  }
0x59: {  	_ =	shalt  }
0x5a: {  	_ =	shalt  }
0x5b: {  	_ =	shalt  }
0x5c: {  	_ =	shalt  }
0x5d: {  	_ =	shalt  }
0x5e: {  	_ =	shalt  }
0x5f: {  	_ =	shalt  }
0x60: {  	_ =	shalt  }
0x61: {  	_ =	shalt  }
0x62: {  	_ =	shalt  }
0x63: {  	_ =	shalt  }
0x64: {  	_ =	shalt  }
0x65: {  	_ =	shalt  }
0x66: {  	_ =	shalt  }
0x67: {  	_ =	shalt  }
0x68: {  	_ =	shalt  }
0x69: {  	_ =	shalt  }
0x6a: {  	_ =	shalt  }
0x6b: {  	_ =	shalt  }
0x6c: {  	_ =	shalt  }
0x6d: {  	_ =	shalt  }
0x6e: {  	_ =	shalt  }
0x6f: {  	_ =	shalt  }
0x70: {  	_ =	shalt  }
0x71: {  	_ =	shalt  }
0x72: {  	_ =	shalt  }
0x73: {  	_ =	shalt  }
0x74: {  	_ =	shalt  }
0x75: {  	_ =	shalt  }
0x76: {  	_ =	shalt  }
0x77: {  	_ =	shalt  }
0x78: {  	_ =	shalt  }
0x79: {  	_ =	shalt  }
0x7a: {  	_ =	shalt  }
0x7b: {  	_ =	shalt  }
0x7c: {  	_ =	shalt  }
0x7d: {  	_ =	shalt  }
0x7e: {  	_ =	shalt  }
0x7f: {  	_ =	shalt  }
0x80: {  	_ =	shalt  }
0x81: {  	_ =	shalt  }
0x82: {  	_ =	shalt  }
0x83: {  	_ =	shalt  }
0x84: {  	_ =	shalt  }
0x85: {  	_ =	shalt  }
0x86: {  	_ =	shalt  }
0x87: {  	_ =	shalt  }
.Lfunc_end0:
.L_simem_size_0:
called_computation_lowered:
.L_overlay_start_0:
0x88: {  	s2 =	sld [smem:$0x3FD9]  }
0x89: {  	s3 =	sld [smem:$0x3FFE];
	_ =	sdelay $0x1  }
0x8a: {  	s1 =	srdreg.scid  }
0x8b: {  	s0 =	sand.u32 $0x1, s1  }
0x8c: {  	s14 =	sshll.u32 s0, $0xA;
	s2 =	sadd.s32 s3, s2  }
0x8d: {  	s2 =	sadd.s32 s2, s14  }
0x8e: {  	[smem:$0x3FB2] =	sst s2  }
0x8f: {  	_ = 	snop  }
0x90: {  	s2 =	sld [smem:$0x3FD0]  }
0x91: {  	s15 =	sld [smem:$0x3FC9]  }
0x92: {  	s4 =	sld [smem:$0x3FC3]  }
0x93: {  	s6 =	simm.s32 $0xA;
	s7 =	simm.s32 $0x10;
	s5 =	sld [smem:$0x3FC2]  }
0x94: {  	[smem:s7], [sflag:s6] =	dma.local [hbm:s2], $0x1  }
0x95: {  	_ =	swait.eq [sflag:s6], $0x1  }
0x96: {  	[sflag:s6] =	ssyncset.done $0x0  }
0x97: {  	[sflag:s6] =	ssyncadd.s32 $0xFFFFFFFF  }
0x98: {  	s16 =	sld [smem:$0x11];
	(tm) =	ssettm $0x1  }
0x99: {  	s17 =	sld [smem:$0x3FFB];
	_ =	sdelay $0x3  }
0x9a: {  	_ =	strace s17  }
0x9b: {  	s6 =	sld [smem:$0x3FFC];
	_ =	sdelay $0x3  }
0x9c: {  	_ =	strace s6  }
0x9d: {  	s6 =	sld [smem:$0x3FFD];
	_ =	sdelay $0x3  }
0x9e: {  	_ =	strace s6  }
0x9f: {  	_ =	strace $0x8FFFFFFF  }
0xa0: {  	s18 =	sld [smem:$0x3FDB];
	_ =	sdelay $0x1  }
0xa1: {  	s19 =	simm.s32 $_scs_section_size  }
0xa2: {  	s8 =	simm.s32 $_size__tile_overlayer_lowered;
	s9 =	simm.s32 $_tile_overlayer_lowered  }
0xa3: {  	s22 =	simm.s32 $0x1BFF;
	s21 =	sshll.u32 s9, $0x1;
	s6 =	sadd.s32 s19, s18  }
0xa4: {  	s10 =	simm.s32 $0x0;
	s20 =	sshll.u32 s8, $0x1;
	s8 =	sadd.s32 s21, s6  }
0xa5: {  	[timem:s10], [sflag:s22] =	dma.local [hbm:s8], s20  }
0xa6: {  	_ =	swait.ge [sflag:s22], s20  }
0xa7: {  	s7 =	ssub.s32 $0x0, s20;
	[sflag:s22] =	ssyncset.done $0x0  }
0xa8: {  	[sflag:s22] =	ssyncadd.s32 s7;
	_ =	sdelay $0x1  }
0xa9: {  	s23 =	simm.s32 $0x1B8B  }
0xaa: {  	_ =	swait.ge [sflag:s23], $0x1  }
0xab: {  	[sflag:s23] =	ssyncset.done $0x0  }
0xac: {  	s25 =	simm.s32 $0x1B8E;
	s24 =	sld [smem:$0x3FFE];
	[sflag:s23] =	ssyncadd.s32 $0xFFFFFFFF  }
0xad: {  	s26 =	simm.s32 $execute0_lowered;
	[smem:$0x3FD2] =	sst s25  }
0xae: {  	s8 =	sshll.u32 s26, $0x1;
	_ =	strace $0x80000046;
	[dreg:$0x1] =	wrdreg $0xFFFFFFFF  }
0xaf: {  	s28 =	simm.s32 $_size_execute0_lowered;
	s6 =	sadd.s32 s6, s8;
	[dreg:$0x0] =	wrdreg $0x0  }
0xb0: {  	s8 =	sshll.u32 s28, $0x1;
	[dreg:$0x2] =	wrdreg s6  }
0xb1: {  	[dreg:$0x3] =	wrdreg s8  }
0xb2: {  	[dreg:$0x4] =	wrdreg $0xC0  }
0xb3: {  	_ =	task [dreg:s10], $0x5FFFF  }
0xb4: {  	[dreg:$0x1] =	wrdreg $0xFFFFFFFF  }
0xb5: {  	[dreg:$0x0] =	wrdreg $0x60  }
0xb6: {  	[dreg:$0x2] =	wrdreg s15  }
0xb7: {  	[dreg:$0x3] =	wrdreg s16  }
0xb8: {  	[dreg:$0x4] =	wrdreg s24  }
0xb9: {  	[dreg:$0x5] =	wrdreg s4  }
0xba: {  	[dreg:$0x6] =	wrdreg s5  }
0xbb: {  	[dreg:$0x7] =	wrdreg $0x156000  }
0xbc: {  	[dreg:$0x8] =	wrdreg $0x9  }
0xbd: {  	_ =	task.clear_ibuf [dreg:s10], $0x9FFFF;
	_ =	strace $0x90000046  }
0xbe: {  	s29 =	simm.s32 $0x9;
	_ =	strace $0x80000048  }
0xbf: {  	_ =	swait.ge [sflag:s29], $0x1  }
0xc0: {  	[sflag:s29] =	ssyncadd.s32 $0xFFFFFFFF  }
0xc1: {  	_ =	strace $0x90000048  }
0xc2: {  	_ =	sfence  }
0xc3: {  	s30 =	sld [smem:$0x0];
	_ =	sdelay $0x2  }
0xc4: {  	s31 =	sshll.u32 s1, $0xD;
	s1 =	sshrl.u32 s1, $0x2  }
0xc5: {  	s3 =	sand.u32 $0x4000, s31;
	s1 =	sadd.s32 s1, s30  }
0xc6: {  	s0 =	sor.u32 s3, s0;
	s1 =	sshll.u32 s1, $0x11  }
0xc7: {  	s0 =	sor.u32 s1, s0  }
0xc8: {  	s0 =	sadd.s32 $0x8F2B, s0  }
0xc9: {  	[sflag:s0] =	ssyncadd.remote.s32 $0x1  }
0xca: {  	_ =	sfence.sel $0xFFFF  }
0xcb: {  	[dreg:$0x0] =	wrdreg $0xFFFFFFFF;
	(pc) =	sbr.abs _section_cstart, $3  }
0xcc: {  	[dreg:$0x1] =	wrdreg $0xFFFFFFFF  }
0xcd: {  	_ =	task.clear_ibuf [dreg:s10], $0x2FFFF;
	_ =	strace $0x9FFFFFFF  }
0xce: {  	(tm) =	ssettm $0x7FFFFFFF  }
0xcf: {  	_ =	shalt  }
tec
execute0_lowered:
.L_overlay_start_1:
0x0: {  	(tag) =	ssettag $0x1  }
0x1: {  	s0 =	rddreg [dreg:$0x0]  }
0x2: {  	s1 =	rddreg [dreg:$0x1]  }
0x3: {  	s4 =	rddreg [dreg:$0x2]  }
0x4: {  	s6 =	rddreg [dreg:$0x3]  }
0x5: {  	s2 =	srdreg.scid;
	s7 =	rddreg [dreg:$0x4]  }
0x6: {  	s18 =	stileid.u32;
	s8 =	sand.u32 $0x1, s2;
	s2 =	rddreg [dreg:$0x5]  }
0x7: {  	s9 =	sshrl.u32 s18, $0x1;
	s10 =	sand.u32 $0x1, s18;
	s15 =	sadd.s32 $0x9E00, s4  }
0x8: {  	s3 =	sshll.u32 s8, $0x3;
	s11 =	sshll.u32 s10, $0xB;
	s16 =	sshll.u32 s10, $0x6  }
0x9: {  	s19 =	ssub.s32 $0x2, s8;
	s17 =	sshll.u32 s8, $0xC;
	s21 =	sshll.u32 s9, $0x4  }
0xa: {  	s5 =	sor.u32 s9, s3;
	s3 =	simm.s32 $0x0;
	s0 =	sadd.s32 s0, s17  }
0xb: {  	s12 =	sshll.u32 s5, $0xC;
	s13 =	sshll.u32 s5, $0x1;
	[smem:$0x7FF] =	sst s3  }
0xc: {  	s5 =	sshll.u32 s5, $0x7;
	s0 =	sadd.s32 s11, s0;
	s12 =	sor.u32 s11, s12  }
0xd: {  	s13 =	sor.u32 s10, s13;
	_ =	strace $0x80000047;
	[dreg:$0x7] =	wrdreg s15  }
0xe: {  	s5 =	sor.u32 s16, s5;
	s16 =	sadd.s32 s21, s0;
	s21 =	sshll.u32 s8, $0x15  }
0xf: {  	s22 =	sshll.u32 s12, $0x6;
	s8 =	sadd.s32 $0x8000, s16;
	[dreg:$0x8] =	wrdreg s16  }
0x10: {  	s14 =	sshrl.u32 s12, $0x3;
	s24 =	sadd.s32 s6, s22;
	[dreg:$0x1c] =	wrdreg s8  }
0x11: {  	s13 =	smul.u32 $0x500, s13;
	s25 =	sadd.s32 s7, s22;
	[dreg:$0x9] =	wrdreg s24  }
0x12: {  	s23 =	sor.u32 $0x400, s22;
	s1 =	sadd.s32 s1, s14;
	[dreg:$0xa] =	wrdreg s25  }
0x13: {  	s22 =	sshll.u32 s9, $0x12;
	s9 =	sadd.s32 $0xA000, s16;
	[dreg:$0xd] =	wrdreg s1  }
0x14: {  	s15 =	sadd.s32 s14, s4;
	s26 =	sadd.s32 s6, s23;
	[dreg:$0x1d] =	wrdreg s9  }
0x15: {  	s13 =	sadd.s32 s13, s4;
	s0 =	sadd.s32 s7, s23;
	[dreg:$0xb] =	wrdreg s26  }
0x16: {  	s4 =	sadd.s32 s5, s4;
	s5 =	sadd.s32 $0x1E00, s15;
	[dreg:$0xc] =	wrdreg s0  }
0x17: {  	s11 =	sadd.s32 $0x3E00, s15;
	[dreg:$0xe] =	wrdreg s5  }
0x18: {  	s20 =	sshrl.u32 s19, $0x1;
	s14 =	sadd.s32 $0x5E00, s15;
	[dreg:$0xf] =	wrdreg s11  }
0x19: {  	s12 =	ssub.s32 s19, s20;
	s19 =	sadd.s32 $0x7E00, s15;
	[dreg:$0x10] =	wrdreg s14  }
0x1a: {  	s20 =	sadd.s32 $0x15600, s15;
	[dreg:$0x11] =	wrdreg s19  }
0x1b: {  	s1 =	sshll.u32 s10, $0x11;
	s10 =	sadd.s32 $0xC000, s16;
	[dreg:$0x13] =	wrdreg s20  }
0x1c: {  	s17 =	sshll.u32 s18, $0xE;
	s15 =	sadd.s32 $0x16000, s16;
	[dreg:$0x1e] =	wrdreg s10  }
0x1d: {  	s0 =	sadd.s32 s17, s2;
	[smem:$0x7F5] =	sst s15  }
0x1e: {  	s23 =	sadd.s32 $0xA600, s4;
	[dreg:$0x12] =	wrdreg s0  }
0x1f: {  	s24 =	sadd.s32 $0xAE00, s4;
	[dreg:$0x15] =	wrdreg s23  }
0x20: {  	s28 =	simm.s32 $0x14800;
	s25 =	sadd.s32 $0xB600, s13;
	[dreg:$0x16] =	wrdreg s24  }
0x21: {  	s29 =	simm.s32 $0x14880;
	s26 =	smax.u32 s12, $0x1;
	[dreg:$0x17] =	wrdreg s25  }
0x22: {  	s30 =	simm.s32 $0x1;
	s4 =	sadd.s32 $0x2000, s16;
	[dreg:$0x18] =	wrdreg s26  }
0x23: {  	s31 =	simm.s32 $0x3;
	s11 =	sadd.s32 $0xE000, s16;
	[dreg:$0x19] =	wrdreg s4  }
0x24: {  	s8 =	simm.s32 $0x2;
	s12 =	sadd.s32 $0x10000, s16;
	[dreg:$0x1f] =	wrdreg s11  }
0x25: {  	s9 =	simm.s32 $0x4;
	s13 =	sadd.s32 $0x12000, s16;
	[smem:$0x7F2] =	sst s12  }
0x26: {  	s5 =	sshll.u32 s18, $0x7;
	s14 =	sadd.s32 $0x14000, s16;
	[smem:$0x7F3] =	sst s13  }
0x27: {  	s17 =	sadd.s32 $0x18000, s16;
	s18 =	sadd.s32 $0x1A000, s16;
	[smem:$0x7F4] =	sst s14  }
0x28: {  	s19 =	sadd.s32 $0x1C000, s16;
	s20 =	sadd.s32 $0x1E000, s16;
	[smem:$0x7F6] =	sst s17  }
0x29: {  	s10 =	simm.s32 $0x14940;
	s0 =	sor.u32 s22, s21;
	[smem:$0x7F7] =	sst s18  }
0x2a: {  	s22 =	sadd.s32 s1, s6;
	s23 =	sadd.s32 s1, s7;
	[smem:$0x7F8] =	sst s19  }
0x2b: {  	s6 =	sadd.s32 $0x4000, s16;
	s7 =	sadd.s32 $0x6000, s16;
	[smem:$0x7F9] =	sst s20  }
0x2c: {  	s21 =	sadd.s32 $0x20000, s16;
	s24 =	sadd.s32 $0x22000, s16;
	[dreg:$0x14] =	wrdreg s0  }
0x2d: {  	s25 =	sadd.s32 $0x24000, s16;
	s26 =	sadd.s32 $0x26000, s16;
	[dreg:$0x1a] =	wrdreg s6  }
0x2e: {  	s19 =	simm.s32 $0xE000;
	s20 =	simm.s32 $0xC000;
	[dreg:$0x1b] =	wrdreg s7  }
0x2f: {  	s17 =	simm.s32 $0xA;
	s1 =	simm.s32 $0x40;
	[smem:$0x7FA] =	sst s21  }
.Ltmp0:
0x30: {  	s4 =	simm.s32 $0x14980;
	[smem:$0x7FB] =	sst s24;
	(pc) =	sbr.rel .LBB2_1-.Ltmp0, $4  }
0x31: {  	v0 =	vlaneseq.u32;
	v3 =	vimm.f32 $0.0e+00;
	s11 =	simm.s32 $0x149C0;
	s12 =	simm.s32 $0x6;
	[smem:$0x7FC] =	sst s25  }
0x32: {  	v6 =	vimm.f32 $1.000000000e+00;
	v4 =	vshrl.u32 v0, $0x3;
	v5 =	vand.u32 $0x7, v0;
	s13 =	simm.s32 $0x8;
	s14 =	simm.s32 $0x0;
	[smem:$0x7FD] =	sst s26  }
0x33: {  	v8 =	vor.u32 $0x8, v0;
	v2 =	vor.u32 $0x2, v4;
	v7 =	vadd.s32 $0x14, v5;
	s21 =	simm.s32 $0x10000;
	s25 =	simm.s32 $0x15200;
	s26 =	simm.s32 $0x15400  }
0x34: {  	v1 =	vor.u32 s5, v4;
	v2 =	vor.u32 s5, v2;
	v4 =	vmul.u32 $0x8, v4;
	s0 =	simm.s32 $0x14900;
	s6 =	simm.s32 $0x5;
	s7 =	simm.s32 $0x7  }
.LBB2_4:
0x35: {  	s5 =	rddreg [dreg:$0x13];
	s14 =	simm.s32 $0x14A00;
	s17 =	simm.s32 $0xA  }
0x36: {  	[hbm4b:s5+s3] =	stream.linear.scatter [tilespmem:s14], [sflag:$0xA], $0x800, $0x38;
	[tilespmem:$0x19600] =	vst v63  }
0x37: {  	_ =	swait.ge [sflag:s17], $0x800  }
0x38: {  	[sflag:s17] =	ssyncset.done $0x0  }
0x39: {  	s18 =	rddreg [dreg:$0x15];
	[sflag:s17] =	ssyncadd.s32 $0xFFFFF800  }
0x3a: {  	[hbm4b:s18+s3] =	stream.linear.scatter [tilespmem:s25], [sflag:$0xA], $0x200, $0x38;
	[tilespmem:$0x19600] =	vst v63  }
0x3b: {  	_ =	swait.ge [sflag:s17], $0x200  }
0x3c: {  	[sflag:s17] =	ssyncset.done $0x0  }
0x3d: {  	s24 =	rddreg [dreg:$0x16];
	[sflag:s17] =	ssyncadd.s32 $0xFFFFFE00  }
0x3e: {  	[hbm4b:s24+s3] =	stream.linear.scatter [tilespmem:s26], [sflag:$0xA], $0x200, $0x38;
	[tilespmem:$0x19600] =	vst v63  }
0x3f: {  	_ =	swait.ge [sflag:s17], $0x200  }
0x40: {  	s16 =	sld [smem:$0x7F0]  }
0x41: {  	s15 =	sld [smem:$0x7F1]  }
0x42: {  	[sflag:s17] =	ssyncset.done $0x0  }
0x43: {  	s14 =	rddreg [dreg:$0x17];
	[sflag:s17] =	ssyncadd.s32 $0xFFFFFE00  }
0x44: {  	[hbm:s14], [sflag:s16] =	dma.local [spmem:s15], $0x500  }
0x45: {  	_ =	swait.ge [sflag:s17], $0x500  }
0x46: {  	s18 =	sld [smem:$0x7EF];
	_ =	sdelay $0x2  }
0x47: {  	s24 =	rddreg [dreg:$0x18];
	s14 =	sadd.s32 $0x1, s18  }
0x48: {  	p0 =	sne.s32 s14, s24  }
.Ltmp1:
0x49: {  	_ = 	snop;
	(pc) =	sbr.rel @!p0 .LBB2_5-.Ltmp1, $3  }
0x4a: {  	_ =	sdelay $0x1  }
0x4b: {  	[sflag:s17] =	ssyncset.done $0x0  }
0x4c: {  	[sflag:s17] =	ssyncadd.s32 $0xFFFFFB00  }
.LBB2_1:
0x4d: {  	[smem:$0x7EF] =	sst s14  }
0x4e: {  	s5 =	rddreg [dreg:$0x8];
	s14 =	simm.s32 $0x80;
	s15 =	simm.s32 $0x400  }
0x4f: {  	[tilespmem:s3], [sflag:$0x9] =	stream.strided.gather [hbm4b:s5+s14], $0x800, s15, s14, $0x38;
	[tilespmem:$0x19600] =	vst v63  }
0x50: {  	s24 =	rddreg [dreg:$0x19];
	s16 =	simm.s32 $0x800  }
0x51: {  	[tilespmem:s16], [sflag:$0x9] =	stream.strided.gather [hbm4b:s24+s14], $0x800, s15, s14, $0x38;
	[tilespmem:$0x19600] =	vst v63  }
0x52: {  	s18 =	rddreg [dreg:$0x1a];
	s24 =	simm.s32 $0x1000  }
0x53: {  	[tilespmem:s24], [sflag:$0x9] =	stream.strided.gather [hbm4b:s18+s14], $0x800, s15, s14, $0x38;
	[tilespmem:$0x19600] =	vst v63  }
0x54: {  	s18 =	rddreg [dreg:$0x1b];
	s24 =	simm.s32 $0x1800  }
0x55: {  	[tilespmem:s24], [sflag:$0x9] =	stream.strided.gather [hbm4b:s18+s14], $0x800, s15, s14, $0x38;
	[tilespmem:$0x19600] =	vst v63  }
0x56: {  	s18 =	rddreg [dreg:$0x1c];
	s24 =	simm.s32 $0x2000  }
0x57: {  	[tilespmem:s24], [sflag:$0x9] =	stream.strided.gather [hbm4b:s18+s14], $0x800, s15, s14, $0x38;
	[tilespmem:$0x19600] =	vst v63  }
0x58: {  	s18 =	rddreg [dreg:$0x1d];
	s24 =	simm.s32 $0x2800  }
0x59: {  	[tilespmem:s24], [sflag:$0x9] =	stream.strided.gather [hbm4b:s18+s14], $0x800, s15, s14, $0x38;
	[tilespmem:$0x19600] =	vst v63  }
0x5a: {  	s18 =	rddreg [dreg:$0x1e];
	s24 =	simm.s32 $0x3000  }
0x5b: {  	[tilespmem:s24], [sflag:$0x9] =	stream.strided.gather [hbm4b:s18+s14], $0x800, s15, s14, $0x38;
	[tilespmem:$0x19600] =	vst v63  }
0x5c: {  	s18 =	rddreg [dreg:$0x1f];
	s24 =	simm.s32 $0x3800  }
0x5d: {  	[tilespmem:s24], [sflag:$0x9] =	stream.strided.gather [hbm4b:s18+s14], $0x800, s15, s14, $0x38;
	[tilespmem:$0x19600] =	vst v63  }
0x5e: {  	s18 =	sld [smem:$0x7F2];
	_ =	sdelay $0x1  }
0x5f: {  	s24 =	simm.s32 $0x4000  }
0x60: {  	[tilespmem:s24], [sflag:$0x9] =	stream.strided.gather [hbm4b:s18+s14], $0x800, s15, s14, $0x38;
	[tilespmem:$0x19600] =	vst v63  }
0x61: {  	s18 =	sld [smem:$0x7F3];
	_ =	sdelay $0x1  }
0x62: {  	s24 =	simm.s32 $0x4800  }
0x63: {  	[tilespmem:s24], [sflag:$0x9] =	stream.strided.gather [hbm4b:s18+s14], $0x800, s15, s14, $0x38;
	[tilespmem:$0x19600] =	vst v63  }
0x64: {  	s18 =	sld [smem:$0x7F4];
	_ =	sdelay $0x1  }
0x65: {  	s24 =	simm.s32 $0x5000  }
0x66: {  	[tilespmem:s24], [sflag:$0x9] =	stream.strided.gather [hbm4b:s18+s14], $0x800, s15, s14, $0x38;
	[tilespmem:$0x19600] =	vst v63  }
0x67: {  	s18 =	sld [smem:$0x7F5];
	_ =	sdelay $0x1  }
0x68: {  	s24 =	simm.s32 $0x5800  }
0x69: {  	[tilespmem:s24], [sflag:$0x9] =	stream.strided.gather [hbm4b:s18+s14], $0x800, s15, s14, $0x38;
	[tilespmem:$0x19600] =	vst v63  }
0x6a: {  	s18 =	sld [smem:$0x7F6];
	_ =	sdelay $0x1  }
0x6b: {  	s24 =	simm.s32 $0x6000  }
0x6c: {  	[tilespmem:s24], [sflag:$0x9] =	stream.strided.gather [hbm4b:s18+s14], $0x800, s15, s14, $0x38;
	[tilespmem:$0x19600] =	vst v63  }
0x6d: {  	s18 =	sld [smem:$0x7F7];
	_ =	sdelay $0x1  }
0x6e: {  	s24 =	simm.s32 $0x6800  }
0x6f: {  	[tilespmem:s24], [sflag:$0x9] =	stream.strided.gather [hbm4b:s18+s14], $0x800, s15, s14, $0x38;
	[tilespmem:$0x19600] =	vst v63  }
0x70: {  	s18 =	sld [smem:$0x7F8];
	_ =	sdelay $0x1  }
0x71: {  	s24 =	simm.s32 $0x7000  }
0x72: {  	[tilespmem:s24], [sflag:$0x9] =	stream.strided.gather [hbm4b:s18+s14], $0x800, s15, s14, $0x38;
	[tilespmem:$0x19600] =	vst v63  }
0x73: {  	s18 =	sld [smem:$0x7F9];
	_ =	sdelay $0x1  }
0x74: {  	s24 =	simm.s32 $0x7800  }
0x75: {  	[tilespmem:s24], [sflag:$0x9] =	stream.strided.gather [hbm4b:s18+s14], $0x800, s15, s14, $0x38;
	[tilespmem:$0x19600] =	vst v63  }
0x76: {  	s18 =	sld [smem:$0x7FA];
	_ =	sdelay $0x1  }
0x77: {  	s24 =	simm.s32 $0x8000  }
0x78: {  	[tilespmem:s24], [sflag:$0x9] =	stream.strided.gather [hbm4b:s18+s14], $0x800, s15, s14, $0x38;
	[tilespmem:$0x19600] =	vst v63  }
0x79: {  	s18 =	sld [smem:$0x7FB];
	_ =	sdelay $0x1  }
0x7a: {  	s24 =	simm.s32 $0x8800  }
0x7b: {  	[tilespmem:s24], [sflag:$0x9] =	stream.strided.gather [hbm4b:s18+s14], $0x800, s15, s14, $0x38;
	[tilespmem:$0x19600] =	vst v63  }
0x7c: {  	s18 =	sld [smem:$0x7FC];
	_ =	sdelay $0x1  }
0x7d: {  	s24 =	simm.s32 $0x9000  }
0x7e: {  	[tilespmem:s24], [sflag:$0x9] =	stream.strided.gather [hbm4b:s18+s14], $0x800, s15, s14, $0x38;
	[tilespmem:$0x19600] =	vst v63  }
0x7f: {  	s18 =	sld [smem:$0x7FD];
	_ =	sdelay $0x1  }
0x80: {  	s24 =	simm.s32 $0x9800  }
0x81: {  	[tilespmem:s24], [sflag:$0x9] =	stream.strided.gather [hbm4b:s18+s14], $0x800, s15, s14, $0x38;
	[tilespmem:$0x19600] =	vst v63  }
0x82: {  	s16 =	simm.s32 $0xA000;
	s15 =	rddreg [dreg:$0x9]  }
0x83: {  	[tilespmem:s16], [sflag:$0x1] =	stream.linear.gather [hbm4b:s15+s3], $0x2000, $0x38;
	[tilespmem:$0x19600] =	vst v63  }
0x84: {  	s18 =	rddreg [dreg:$0xa]  }
0x85: {  	[tilespmem:s19], [sflag:$0x3] =	stream.linear.gather [hbm4b:s18+s3], $0x2000, $0x38;
	[tilespmem:$0x19600] =	vst v63  }
0x86: {  	s24 =	rddreg [dreg:$0xb]  }
0x87: {  	[tilespmem:s20], [sflag:$0x2] =	stream.linear.gather [hbm4b:s24+s3], $0x2000, $0x38;
	[tilespmem:$0x19600] =	vst v63  }
0x88: {  	s14 =	rddreg [dreg:$0xc]  }
0x89: {  	[tilespmem:s21], [sflag:$0x4] =	stream.linear.gather [hbm4b:s14+s3], $0x2000, $0x38;
	[tilespmem:$0x19600] =	vst v63  }
0x8a: {  	s15 =	rddreg [dreg:$0xd];
	s16 =	simm.s32 $0x12000  }
0x8b: {  	[tilespmem:s16], [sflag:$0xA] =	stream.linear.gather [hbm4b:s15+s3], $0x800, $0x38;
	[tilespmem:$0x19600] =	vst v63  }
0x8c: {  	_ =	swait.ge [sflag:s17], $0x800  }
0x8d: {  	[sflag:s17] =	ssyncset.done $0x0  }
0x8e: {  	s24 =	simm.s32 $0x12800;
	s18 =	rddreg [dreg:$0xe];
	[sflag:s17] =	ssyncadd.s32 $0xFFFFF800  }
0x8f: {  	[tilespmem:s24], [sflag:$0xA] =	stream.linear.gather [hbm4b:s18+s3], $0x800, $0x38;
	[tilespmem:$0x19600] =	vst v63  }
0x90: {  	_ =	swait.ge [sflag:s17], $0x800  }
0x91: {  	[sflag:s17] =	ssyncset.done $0x0  }
0x92: {  	s16 =	simm.s32 $0x13000;
	s15 =	rddreg [dreg:$0xf];
	[sflag:s17] =	ssyncadd.s32 $0xFFFFF800  }
0x93: {  	[tilespmem:s16], [sflag:$0xA] =	stream.linear.gather [hbm4b:s15+s3], $0x800, $0x38;
	[tilespmem:$0x19600] =	vst v63  }
0x94: {  	_ =	swait.ge [sflag:s17], $0x800  }
0x95: {  	[sflag:s17] =	ssyncset.done $0x0  }
0x96: {  	s24 =	simm.s32 $0x13800;
	s18 =	rddreg [dreg:$0x10];
	[sflag:s17] =	ssyncadd.s32 $0xFFFFF800  }
0x97: {  	[tilespmem:s24], [sflag:$0xA] =	stream.linear.gather [hbm4b:s18+s3], $0x800, $0x38;
	[tilespmem:$0x19600] =	vst v63  }
0x98: {  	_ =	swait.ge [sflag:s17], $0x800  }
0x99: {  	[sflag:s17] =	ssyncset.done $0x0  }
0x9a: {  	s16 =	simm.s32 $0x14000;
	s15 =	rddreg [dreg:$0x11];
	[sflag:s17] =	ssyncadd.s32 $0xFFFFF800  }
0x9b: {  	[tilespmem:s16], [sflag:$0xA] =	stream.linear.gather [hbm4b:s15+s3], $0x800, $0x38;
	[tilespmem:$0x19600] =	vst v63  }
0x9c: {  	_ =	swait.ge [sflag:s17], $0x800  }
0x9d: {  	[sflag:s17] =	ssyncset.done $0x0  }
0x9e: {  	[sflag:s17] =	ssyncadd.s32 $0xFFFFF800  }
0x9f: {  	[tilespmem:$0x15200] =	vst v3  }
0xa0: {  	[tilespmem:$0x15400] =	vst v3  }
0xa1: {  	[tilespmem:$0x15210] =	vst v3  }
0xa2: {  	[tilespmem:$0x15410] =	vst v3  }
0xa3: {  	[tilespmem:$0x15220] =	vst v3  }
0xa4: {  	[tilespmem:$0x15420] =	vst v3  }
0xa5: {  	[tilespmem:$0x15230] =	vst v3  }
0xa6: {  	[tilespmem:$0x15430] =	vst v3  }
0xa7: {  	[tilespmem:$0x15240] =	vst v3  }
0xa8: {  	[tilespmem:$0x15440] =	vst v3  }
0xa9: {  	[tilespmem:$0x15250] =	vst v3  }
0xaa: {  	[tilespmem:$0x15450] =	vst v3  }
0xab: {  	[tilespmem:$0x15260] =	vst v3  }
0xac: {  	[tilespmem:$0x15460] =	vst v3  }
0xad: {  	[tilespmem:$0x15270] =	vst v3  }
0xae: {  	[tilespmem:$0x15470] =	vst v3  }
0xaf: {  	[tilespmem:$0x15280] =	vst v3  }
0xb0: {  	[tilespmem:$0x15480] =	vst v3  }
0xb1: {  	[tilespmem:$0x15290] =	vst v3  }
0xb2: {  	[tilespmem:$0x15490] =	vst v3  }
0xb3: {  	[tilespmem:$0x152A0] =	vst v3  }
0xb4: {  	[tilespmem:$0x154A0] =	vst v3  }
0xb5: {  	[tilespmem:$0x152B0] =	vst v3  }
0xb6: {  	[tilespmem:$0x154B0] =	vst v3  }
0xb7: {  	[tilespmem:$0x152C0] =	vst v3  }
0xb8: {  	[tilespmem:$0x154C0] =	vst v3  }
0xb9: {  	[tilespmem:$0x152D0] =	vst v3  }
0xba: {  	[tilespmem:$0x154D0] =	vst v3  }
0xbb: {  	[tilespmem:$0x152E0] =	vst v3  }
0xbc: {  	[tilespmem:$0x154E0] =	vst v3  }
0xbd: {  	[tilespmem:$0x152F0] =	vst v3  }
0xbe: {  	[tilespmem:$0x154F0] =	vst v3  }
0xbf: {  	[tilespmem:$0x15300] =	vst v3  }
0xc0: {  	[tilespmem:$0x15500] =	vst v3  }
0xc1: {  	[tilespmem:$0x15310] =	vst v3  }
0xc2: {  	[tilespmem:$0x15510] =	vst v3  }
0xc3: {  	[tilespmem:$0x15320] =	vst v3  }
0xc4: {  	[tilespmem:$0x15520] =	vst v3  }
0xc5: {  	[tilespmem:$0x15330] =	vst v3  }
0xc6: {  	[tilespmem:$0x15530] =	vst v3  }
0xc7: {  	[tilespmem:$0x15340] =	vst v3  }
0xc8: {  	[tilespmem:$0x15540] =	vst v3  }
0xc9: {  	[tilespmem:$0x15350] =	vst v3  }
0xca: {  	[tilespmem:$0x15550] =	vst v3  }
0xcb: {  	[tilespmem:$0x15360] =	vst v3  }
0xcc: {  	[tilespmem:$0x15560] =	vst v3  }
0xcd: {  	[tilespmem:$0x15370] =	vst v3  }
0xce: {  	[tilespmem:$0x15570] =	vst v3  }
0xcf: {  	[tilespmem:$0x15380] =	vst v3  }
0xd0: {  	[tilespmem:$0x15580] =	vst v3  }
0xd1: {  	[tilespmem:$0x15390] =	vst v3  }
0xd2: {  	[tilespmem:$0x15590] =	vst v3  }
0xd3: {  	[tilespmem:$0x153A0] =	vst v3  }
0xd4: {  	[tilespmem:$0x155A0] =	vst v3  }
0xd5: {  	[tilespmem:$0x153B0] =	vst v3  }
0xd6: {  	[tilespmem:$0x155B0] =	vst v3  }
0xd7: {  	[tilespmem:$0x153C0] =	vst v3  }
0xd8: {  	[tilespmem:$0x155C0] =	vst v3  }
0xd9: {  	[tilespmem:$0x153D0] =	vst v3  }
0xda: {  	s18 =	stileid.u32;
	[tilespmem:$0x155D0] =	vst v3  }
0xdb: {  	s5 =	sshll.u32 s18, $0x6;
	s15 =	rddreg [dreg:$0x12];
	[tilespmem:$0x153E0] =	vst v3  }
0xdc: {  	s24 =	sor.u32 $0x1C0A, s5;
	s18 =	rddreg [dreg:$0x7];
	[tilespmem:$0x155E0] =	vst v3  }
0xdd: {  	[smem:$0x7F0] =	sst s24;
	s16 =	sshrl.u32 s15, $0x3;
	[tilespmem:$0x153F0] =	vst v3  }
0xde: {  	[tilespmem:$0x155F0] =	vst v3;
	[smem:$0x7F1] =	sst s16  }
0xdf: {  	[spmem:s16], [sflag:s24] =	dma.local [hbm:s18], $0x800  }
0xe0: {  	_ =	swait.ge [sflag:s17], $0x800  }
0xe1: {  	[sflag:s17] =	ssyncset.done $0x0  }
0xe2: {  	s24 =	simm.s32 $0x9;
	[sflag:s17] =	ssyncadd.s32 $0xFFFFF800  }
0xe3: {  	_ =	swait.ge [sflag:s24], $0xA000  }
0xe4: {  	s5 =	simm.s32 $0x0;
	[sflag:s24] =	ssyncset.done $0x0  }
0xe5: {  	s14 =	rddreg [dreg:$0x14];
	[sflag:s24] =	ssyncadd.s32 $0xFFFF6000;
	s24 =	simm.s32 $0x0  }
.LBB2_2:
0xe6: {  	s15 =	sshra.s32 s24, $0x2  }
0xe7: {  	v9 =	vld [tilespmem:s15+$0x12000]  }
0xe8: {  	v10 =	vld [tilespmem:s15+$0x14000]  }
0xe9: {  	v11 =	vld [tilespmem:s15+$0x12800];
	_ =	sdelay $0x3  }
0xea: {  	vm0 =	veq.s32 v10, $0x0  }
0xeb: {  	v12 =	vmov s5;
	v10 =	vsel vm0, v9, v11  }
0xec: {  	v13 =	vor.u32 s5, v4;
	v12 =	vand.u32 $0x780, v12;
	v10 =	vshll.u32 v10, $0xB  }
0xed: {  	v13 =	vand.u32 $0x68, v13;
	v10 =	vor.u32 v12, v10  }
0xee: {  	v10 =	vor.u32 v13, v10  }
0xef: {  	v10 =	vor.u32 v5, v10;
	_ =	sdelay $0x1  }
0xf0: {  	v53 =	vld [tilespmem:s15+$0x13000]  }
0xf1: {  	v54 =	vld [tilespmem:s15+$0x13800];
	_ =	sdelay $0x1  }
0xf2: {  	v10 =	vld.idx.msk [tilespmem:v10+s3+$0x0], $0xffff  }
0xf3: {  	v14 =	vshll.u32 v9, $0x4  }
0xf4: {  	v14 =	vor.u32 v0, v14  }
0xf5: {  	v55 =	vshll.u32 v11, $0x4;
	v12 =	vand.u32 v53, v54  }
0xf6: {  	v56 =	vor.u32 v0, v55;
	vm13 =	veq.s32 v12, $0x0  }
0xf7: {  	v10 =	vsel vm13, $0x0, v10  }
0xf8: {  	[tilespmem:s15+$0x14A00] =	vst v10  }
0xf9: {  	[tilespmem:v14+s25+$0x0] =	vst.idx.add.f32.msk $0xffff, v10;
	v10 =	vsel vm13, $0x0, v6  }
0xfa: {  	[tilespmem:v14+s26+$0x0] =	vst.idx.add.f32.msk $0xffff, v10  }
0xfb: {  	v9 =	vsel vm13, v7, v9;
	[tilespmem:v56+s26+$0x0] =	vst.idx.add.f32.msk $0xffff, v10  }
0xfc: {  	[tilespmem:$0x14800] =	vst v9;
	v9 =	vsel vm13, v7, v11  }
0xfd: {  	[tilespmem:$0x14880] =	vst v9  }
0xfe: {  	v9 =	vld.idx.msk [tilespmem:v5+s28+$0x0], $0xffff  }
0xff: {  	v10 =	vld.idx.msk [tilespmem:v5+s29+$0x0], $0xffff;
	_ =	sdelay $0x3  }
0x100: {  	v9 =	vshll.u32 v9, $0x2  }
0x101: {  	v10 =	vshll.u32 v10, $0x2;
	v9 =	vadd.s32 v1, v9  }
0x102: {  	[tilespmem:$0x14900] =	vst v9;
	v9 =	vadd.s32 v1, v10  }
0x103: {  	[tilespmem:$0x14980] =	vst v9  }
0x104: {  	v9 =	vld.idx.msk [tilespmem:v5+s28+$0x0], $0xffff  }
0x105: {  	v10 =	vld.idx.msk [tilespmem:v5+s29+$0x0], $0xffff;
	_ =	sdelay $0x3  }
0x106: {  	v9 =	vshll.u32 v9, $0x2  }
0x107: {  	v10 =	vshll.u32 v10, $0x2;
	v9 =	vadd.s32 v2, v9  }
0x108: {  	[tilespmem:$0x14910] =	vst v9;
	v9 =	vadd.s32 v2, v10  }
0x109: {  	[tilespmem:$0x14990] =	vst v9  }
0x10a: {  	v9 =	vld.idx.msk [tilespmem:v8+s28+$0x0], $0xffff  }
0x10b: {  	v10 =	vld.idx.msk [tilespmem:v8+s29+$0x0], $0xffff;
	_ =	sdelay $0x3  }
0x10c: {  	v9 =	vshll.u32 v9, $0x2  }
0x10d: {  	v10 =	vshll.u32 v10, $0x2;
	v9 =	vadd.s32 v1, v9  }
0x10e: {  	[tilespmem:$0x14920] =	vst v9;
	v9 =	vadd.s32 v1, v10  }
0x10f: {  	[tilespmem:$0x149A0] =	vst v9  }
0x110: {  	v9 =	vld.idx.msk [tilespmem:v8+s28+$0x0], $0xffff  }
0x111: {  	v10 =	vld.idx.msk [tilespmem:v8+s29+$0x0], $0xffff;
	_ =	sdelay $0x3  }
0x112: {  	v9 =	vshll.u32 v9, $0x2  }
0x113: {  	v10 =	vshll.u32 v10, $0x2;
	v9 =	vadd.s32 v2, v9  }
0x114: {  	[tilespmem:$0x14930] =	vst v9;
	v9 =	vadd.s32 v2, v10  }
0x115: {  	[tilespmem:$0x149B0] =	vst v9  }
0x116: {  	_ =	swait.ge [sflag:s30], $0x2000  }
0x117: {  	[sflag:s30] =	ssyncset.done $0x0  }
0x118: {  	[sflag:s30] =	ssyncadd.s32 $0xFFFFE000  }
0x119: {  	_ =	swait.ge [sflag:s31], $0x2000  }
0x11a: {  	[sflag:s31] =	ssyncset.done $0x0  }
0x11b: {  	s16 =	simm.s32 $0xA000;
	[sflag:s31] =	ssyncadd.s32 $0xFFFFE000  }
0x11c: {  	[spmem:s2] =	stream.indirect.scatter.add.f32 [tilespmem:s16], [sflag:$0x5], $0x80, s0, s1, $0xb8;
	[tilespmem:$0x19600] =	vst v63  }
0x11d: {  	_ = 	snop  }
0x11e: {  	[spmem:s2] =	stream.indirect.scatter.add.f32 [tilespmem:s19], [sflag:$0x7], $0x80, s4, s1, $0xb8;
	[tilespmem:$0x19600] =	vst v63  }
0x11f: {  	_ =	swait.ge [sflag:s6], $0x2000  }
0x120: {  	[sflag:s6] =	ssyncset.done $0x0  }
0x121: {  	[sflag:s6] =	ssyncadd.s32 $0xFFFFE000  }
0x122: {  	p0 =	seq.s32 s24, $0x1F80;
	_ =	swait.ge [sflag:s7], $0x2000  }
0x123: {  	s17 =	simm.s32 @!p0 $0x0;
	s16 =	sadd.s32 @!p0 s14, s22;
	[sflag:s7] =	ssyncset.done $0x0  }
0x124: {  	s18 =	simm.s32 @!p0 $0xA000;
	s16 =	sadd.s32 @!p0 $0x800, s16;
	[sflag:s7] =	ssyncadd.s32 $0xFFFFE000  }
0x125: {  	[tilespmem:s18], [sflag:$0x1] =	stream.linear.gather @!p0 [hbm4b:s16+s17], $0x2000, $0x38;
	[tilespmem:$0x19600] =	vst v63  }
0x126: {  	s16 =	sadd.s32 @!p0 s14, s23  }
0x127: {  	s18 =	simm.s32 @!p0 $0xE000;
	s16 =	sadd.s32 @!p0 $0x800, s16  }
0x128: {  	[tilespmem:s18], [sflag:$0x3] =	stream.linear.gather @!p0 [hbm4b:s16+s17], $0x2000, $0x38;
	[tilespmem:$0x19600] =	vst v63  }
0x129: {  	v9 =	vld [tilespmem:s15+$0x12010]  }
0x12a: {  	v10 =	vld [tilespmem:s15+$0x14010]  }
0x12b: {  	v11 =	vld [tilespmem:s15+$0x12810];
	_ =	sdelay $0x3  }
0x12c: {  	s18 =	sadd.s32 $0x10, s5;
	vm14 =	veq.s32 v10, $0x0  }
0x12d: {  	v57 =	vmov s18;
	v10 =	vsel vm14, v9, v11  }
0x12e: {  	v58 =	vor.u32 s18, v4;
	v12 =	vand.u32 $0x780, v57;
	v10 =	vshll.u32 v10, $0xB  }
0x12f: {  	v13 =	vand.u32 $0x78, v58;
	v10 =	vor.u32 v12, v10  }
0x130: {  	v10 =	vor.u32 v13, v10  }
0x131: {  	v10 =	vor.u32 v5, v10;
	_ =	sdelay $0x1  }
0x132: {  	v59 =	vld [tilespmem:s15+$0x13010]  }
0x133: {  	v60 =	vld [tilespmem:s15+$0x13810];
	_ =	sdelay $0x1  }
0x134: {  	v10 =	vld.idx.msk [tilespmem:v10+s3+$0x0], $0xffff  }
0x135: {  	v61 =	vshll.u32 v9, $0x4  }
0x136: {  	v14 =	vor.u32 v0, v61  }
0x137: {  	v62 =	vshll.u32 v11, $0x4;
	v12 =	vand.u32 v59, v60  }
0x138: {  	v63 =	vor.u32 v0, v62;
	vm15 =	veq.s32 v12, $0x0  }
0x139: {  	v10 =	vsel vm15, $0x0, v10  }
0x13a: {  	[tilespmem:s15+$0x14A10] =	vst v10  }
0x13b: {  	[tilespmem:v14+s25+$0x0] =	vst.idx.add.f32.msk $0xffff, v10;
	v10 =	vsel vm15, $0x0, v6  }
0x13c: {  	[tilespmem:v14+s26+$0x0] =	vst.idx.add.f32.msk $0xffff, v10  }
0x13d: {  	v9 =	vsel vm15, v7, v9;
	[tilespmem:v63+s26+$0x0] =	vst.idx.add.f32.msk $0xffff, v10  }
0x13e: {  	[tilespmem:$0x14800] =	vst v9;
	v9 =	vsel vm15, v7, v11  }
0x13f: {  	[tilespmem:$0x14880] =	vst v9  }
0x140: {  	v9 =	vld.idx.msk [tilespmem:v5+s28+$0x0], $0xffff  }
0x141: {  	v10 =	vld.idx.msk [tilespmem:v5+s29+$0x0], $0xffff;
	_ =	sdelay $0x3  }
0x142: {  	v9 =	vshll.u32 v9, $0x2  }
0x143: {  	v10 =	vshll.u32 v10, $0x2;
	v9 =	vadd.s32 v1, v9  }
0x144: {  	[tilespmem:$0x14940] =	vst v9;
	v9 =	vadd.s32 v1, v10  }
0x145: {  	[tilespmem:$0x149C0] =	vst v9  }
0x146: {  	v9 =	vld.idx.msk [tilespmem:v5+s28+$0x0], $0xffff  }
0x147: {  	v10 =	vld.idx.msk [tilespmem:v5+s29+$0x0], $0xffff;
	_ =	sdelay $0x3  }
0x148: {  	v9 =	vshll.u32 v9, $0x2  }
0x149: {  	v10 =	vshll.u32 v10, $0x2;
	v9 =	vadd.s32 v2, v9  }
0x14a: {  	[tilespmem:$0x14950] =	vst v9;
	v9 =	vadd.s32 v2, v10  }
0x14b: {  	[tilespmem:$0x149D0] =	vst v9  }
0x14c: {  	v9 =	vld.idx.msk [tilespmem:v8+s28+$0x0], $0xffff  }
0x14d: {  	v10 =	vld.idx.msk [tilespmem:v8+s29+$0x0], $0xffff;
	_ =	sdelay $0x3  }
0x14e: {  	v9 =	vshll.u32 v9, $0x2  }
0x14f: {  	v10 =	vshll.u32 v10, $0x2;
	v9 =	vadd.s32 v1, v9  }
0x150: {  	[tilespmem:$0x14960] =	vst v9;
	v9 =	vadd.s32 v1, v10  }
0x151: {  	[tilespmem:$0x149E0] =	vst v9  }
0x152: {  	v9 =	vld.idx.msk [tilespmem:v8+s28+$0x0], $0xffff  }
0x153: {  	v10 =	vld.idx.msk [tilespmem:v8+s29+$0x0], $0xffff;
	_ =	sdelay $0x3  }
0x154: {  	v9 =	vshll.u32 v9, $0x2  }
0x155: {  	v10 =	vshll.u32 v10, $0x2;
	v9 =	vadd.s32 v2, v9  }
0x156: {  	[tilespmem:$0x14970] =	vst v9;
	v9 =	vadd.s32 v2, v10  }
0x157: {  	[tilespmem:$0x149F0] =	vst v9  }
0x158: {  	_ =	swait.ge [sflag:s8], $0x2000  }
0x159: {  	[sflag:s8] =	ssyncset.done $0x0  }
0x15a: {  	[sflag:s8] =	ssyncadd.s32 $0xFFFFE000  }
0x15b: {  	_ =	swait.ge [sflag:s9], $0x2000  }
0x15c: {  	[sflag:s9] =	ssyncset.done $0x0  }
0x15d: {  	[sflag:s9] =	ssyncadd.s32 $0xFFFFE000  }
0x15e: {  	[spmem:s2] =	stream.indirect.scatter.add.f32 [tilespmem:s20], [sflag:$0x6], $0x80, s10, s1, $0xb8;
	[tilespmem:$0x19600] =	vst v63  }
0x15f: {  	_ = 	snop  }
0x160: {  	[spmem:s2] =	stream.indirect.scatter.add.f32 [tilespmem:s21], [sflag:$0x8], $0x80, s11, s1, $0xb8;
	[tilespmem:$0x19600] =	vst v63  }
0x161: {  	_ =	swait.ge [sflag:s12], $0x2000  }
.Ltmp2:
0x162: {  	[sflag:s12] =	ssyncset.done $0x0;
	(pc) =	sbr.rel @p0 .LBB2_4-.Ltmp2, $4  }
0x163: {  	[sflag:s12] =	ssyncadd.s32 $0xFFFFE000  }
0x164: {  	_ =	swait.ge [sflag:s13], $0x2000  }
0x165: {  	[sflag:s13] =	ssyncset.done $0x0  }
0x166: {  	[sflag:s13] =	ssyncadd.s32 $0xFFFFE000  }
.Ltmp3:
0x167: {  	s15 =	sadd.s32 s14, s22;
	(pc) =	sbr.rel .LBB2_2-.Ltmp3, $4  }
0x168: {  	s18 =	sadd.s32 s14, s23;
	s14 =	sadd.s32 $0x800, s14;
	s15 =	sadd.s32 $0xC00, s15  }
0x169: {  	[tilespmem:s20], [sflag:$0x2] =	stream.linear.gather [hbm4b:s15+s3], $0x2000, $0x38;
	[tilespmem:$0x19600] =	vst v63  }
0x16a: {  	s24 =	sadd.s32 $0x80, s24;
	s5 =	sadd.s32 $0x20, s5;
	s15 =	sadd.s32 $0xC00, s18  }
0x16b: {  	[tilespmem:s21], [sflag:$0x4] =	stream.linear.gather [hbm4b:s15+s3], $0x2000, $0x38;
	[tilespmem:$0x19600] =	vst v63  }
.LBB2_5:
0x16c: {  	_ =	sfence.sel $0x180000  }
0x16d: {  	[bflag:$0x0] =	sbarrier.arrive $0xFFFF  }
0x16e: {  	_ =	strace $0x90000047  }
0x16f: {  	s0 =	stileid.u32;
	[bflag:$0x2] =	sbarrier.arrive $0xFFFF  }
0x170: {  	p0 =	sne.s32 s0, $0x0;
	s0 =	rddreg [dreg:$0x6]  }
0x171: {  	s0 =	sadd.s32 @!p0 $0x100000, s0  }
0x172: {  	[sflag:s0] =	ssyncadd.tile.s32 @!p0 $0x1;
	_ =	shalt  }
.Lfunc_end2:
_tile_overlayer_lowered:
.L_overlay_start_2:
0x173: {  	(tag) =	ssettag $0x2  }
0x174: {  	s0 =	rddreg [dreg:$0x0];
	s2 =	stileid.u32  }
0x175: {  	s1 =	rddreg [dreg:$0x1];
	p0 =	sne.s32 s2, $0x0  }
0x176: {  	s3 =	rddreg [dreg:$0x2];
	[bflag:$0x3] =	sbarrier.arrive $0xFFFF;
	s2 =	simm.s32 @!p0 $0x1C0A  }
0x177: {  	[timem:s3], [sflag:s2] =	dma.local @!p0 [hbm:s0], s1  }
0x178: {  	s0 =	simm.s32 @!p0 $0xA  }
0x179: {  	_ =	swait.ge @!p0 [sflag:s0], s1  }
0x17a: {  	s1 =	ssub.s32 @!p0 $0x0, s1;
	[sflag:s0] =	ssyncset.done @!p0 $0x0  }
0x17b: {  	[sflag:s0] =	ssyncadd.s32 @!p0 s1  }
0x17c: {  	[bflag:$0x3] =	sbarrier.arrive $0xFFFF  }
0x17d: {  	_ =	shalt  }

</sc_bundles>
